<compile_context>
chip_gen: v7x
topology: tpu7x:2x2x1
jax: 0.10.2.dev20260603
libtpu: 0.0.44.dev20260713+nightly
codegen_flags: <defaults>
</compile_context>

<pallas_src>
import functools

import jax
import jax.numpy as jnp
from jax import lax
from jax.experimental import pallas as pl
from jax.experimental.pallas import tpu as pltpu
from jax.experimental.pallas import tpu_sc as plsc

N = 10000
E = 320000
DIN = 128
HID = 32
OUT = 3
EPS = 1e-5

NC = 2
NS = 16
NW = NC * NS
E_PER_TILE = E // NW
CH = 80
NCH = E_PER_TILE // CH
ZCH = 80
ROWS_A = 640
ROWS_B = N - (NS - 1) * ROWS_A
NCH_A = ROWS_A // ZCH
NCH_B = ROWS_B // ZCH


def _sc_aggregate(x, src, dst, z128, z1):
    mesh = plsc.VectorSubcoreMesh(core_axis_name="c", subcore_axis_name="s")

    @functools.partial(
        pl.kernel,
        out_type=[
            jax.ShapeDtypeStruct((NC, N, DIN), jnp.float32),
            jax.ShapeDtypeStruct((NC * N,), jnp.float32),
        ],
        mesh=mesh,
        scratch_types=[
            pltpu.VMEM((6, CH), jnp.int32),
            pltpu.VMEM((NCH, CH), jnp.int32),
            pltpu.VMEM((CH, DIN), jnp.float32),
            pltpu.VMEM((CH, DIN), jnp.float32),
            pltpu.VMEM((CH, DIN), jnp.float32),
            pltpu.VMEM((112,), jnp.float32),
            pltpu.VMEM((ROWS_A,), jnp.float32),
            pltpu.VMEM_SHARED((N, DIN), jnp.float32),
            pltpu.VMEM_SHARED((N,), jnp.float32),
            pltpu.SemaphoreType.DMA,
            pltpu.SemaphoreType.DMA,
            pltpu.SemaphoreType.DMA,
            pltpu.SemaphoreType.DMA,
            pltpu.SemaphoreType.DMA,
            pltpu.SemaphoreType.DMA,
            pltpu.SemaphoreType.DMA,
            pltpu.SemaphoreType.DMA,
            pltpu.SemaphoreType.DMA,
            pltpu.SemaphoreType.DMA,
            pltpu.SemaphoreType.DMA,
        ],
    )
    def agg(x_hbm, src_hbm, dst_hbm, z128_hbm, z1_hbm, sums_hbm, cnts_hbm,
            sidx, dstb, rows0, rows1, rows2, ones_v, cstg_v, acc_sh, cnt_sh,
            gs0, gs1, gs2, is0, is1, is2, is3, is4, is5, cs0, cs1):
        cid = lax.axis_index("c")
        sid = lax.axis_index("s")
        wid = cid * NS + sid
        r0 = sid * ROWS_A
        last = sid == NS - 1
        nch = jnp.where(last, NCH_B, NCH_A)

        gsems = [gs0, gs1, gs2]
        isems = [is0, is1, is2, is3, is4, is5]
        csems = [cs0, cs1]
        rows = [rows0, rows1, rows2]

        pltpu.async_copy(dst_hbm.at[wid], dstb, cs0)

        pltpu.sync_copy(z128_hbm, rows0.at[pl.ds(0, ZCH)])
        pltpu.sync_copy(z1_hbm, cstg_v)

        @pl.loop(0, nch)
        def _(j):
            pltpu.async_copy(rows0.at[pl.ds(0, ZCH)],
                             acc_sh.at[pl.ds(r0 + j * ZCH, ZCH)], cs1)

        @pl.when(last)
        def _():
            pltpu.async_copy(cstg_v.at[pl.ds(0, ROWS_B)],
                             cnt_sh.at[pl.ds(r0, ROWS_B)], gs0)

        @pl.when(jnp.logical_not(last))
        def _():
            pltpu.async_copy(cstg_v, cnt_sh.at[pl.ds(r0, ROWS_A)], gs0)

        ovec = jnp.ones((16,), jnp.float32)

        @pl.loop(0, 7)
        def _(i):
            ones_v[pl.ds(i * 16, 16)] = ovec

        @pl.loop(0, nch)
        def _(j):
            pltpu.make_async_copy(rows0.at[pl.ds(0, ZCH)],
                                  acc_sh.at[pl.ds(r0, ZCH)], cs1).wait()

        @pl.when(last)
        def _():
            pltpu.make_async_copy(cstg_v.at[pl.ds(0, ROWS_B)],
                                  cnt_sh.at[pl.ds(r0, ROWS_B)], gs0).wait()

        @pl.when(jnp.logical_not(last))
        def _():
            pltpu.make_async_copy(cstg_v, cnt_sh.at[pl.ds(r0, ROWS_A)], gs0).wait()

        pltpu.make_async_copy(dst_hbm.at[wid], dstb, cs0).wait()

        def ifire(j, b6):
            pltpu.async_copy(src_hbm.at[pl.ds(wid * E_PER_TILE + j * CH, CH)],
                             sidx.at[b6], isems[b6])

        def idrain(b6):
            pltpu.make_async_copy(src_hbm.at[pl.ds(0, CH)],
                                  sidx.at[b6], isems[b6]).wait()

        def fire(j, b3, b6):
            idrain(b6)
            pltpu.async_copy(x_hbm.at[sidx.at[b6]], rows[b3], gsems[b3])

        def drain(b3):
            pltpu.make_async_copy(x_hbm.at[sidx.at[0]], rows[b3],
                                  gsems[b3]).wait()

        def cfire(j, b2):
            pltpu.async_copy(ones_v.at[pl.ds(0, CH)], cnt_sh.at[dstb.at[j]],
                             csems[b2], add=True)

        def cdrain(b2):
            pltpu.make_async_copy(z1_hbm.at[pl.ds(0, CH)],
                                  cstg_v.at[pl.ds(0, CH)], csems[b2]).wait()

        for s in range(6):
            ifire(s, s)
        for s in range(3):
            fire(s, s, s)

        plsc.subcore_barrier()

        cfire(0, 0)
        cfire(1, 1)

        def slot(j, s, fire_g, fire_i, tail_cnt=True):
            drain(s % 3)
            pltpu.sync_copy(rows[s % 3], acc_sh.at[dstb.at[j]], add=True)
            cdrain(s % 2)
            if tail_cnt:
                cfire(j + 2, s % 2)
            if fire_g:
                fire(j + 3, s % 3, (s + 3) % 6)
            if fire_i:
                ifire(j + 6, s % 6)

        @pl.loop(0, 20)
        def _(m):
            j = 6 * m
            for s in range(5):
                slot(j + s, s, True, True)

            slot(j + 5, 5, True, False)

            @pl.when(m < 19)
            def _():
                ifire(j + 11, 5)

        slot(120, 0, True, False)
        slot(121, 1, True, False)
        slot(122, 2, False, False)
        slot(123, 3, False, False, tail_cnt=False)
        slot(124, 4, False, False, tail_cnt=False)

        plsc.subcore_barrier()

        @pl.when(last)
        def _():
            pltpu.async_copy(cnt_sh.at[pl.ds(r0, ROWS_B)],
                             cstg_v.at[pl.ds(0, ROWS_B)], cs0)

        @pl.when(jnp.logical_not(last))
        def _():
            pltpu.async_copy(cnt_sh.at[pl.ds(r0, ROWS_A)], cstg_v, cs0)

        for j in range(NCH_A):
            wbuf = rows[j % 2]
            wsem = gsems[j % 2]
            rr = r0 + j * ZCH

            @pl.when(j < nch)
            def _():
                if j >= 2:
                    pltpu.make_async_copy(wbuf.at[pl.ds(0, ZCH)],
                                          sums_hbm.at[cid, pl.ds(r0, ZCH)],
                                          wsem).wait()
                pltpu.sync_copy(acc_sh.at[pl.ds(rr, ZCH)], wbuf.at[pl.ds(0, ZCH)])
                pltpu.async_copy(wbuf.at[pl.ds(0, ZCH)],
                                 sums_hbm.at[cid, pl.ds(rr, ZCH)], wsem)

        pltpu.make_async_copy(rows0.at[pl.ds(0, ZCH)],
                              sums_hbm.at[cid, pl.ds(r0, ZCH)], gs0).wait()
        pltpu.make_async_copy(rows1.at[pl.ds(0, ZCH)],
                              sums_hbm.at[cid, pl.ds(r0, ZCH)], gs1).wait()

        @pl.when(last)
        def _():
            pltpu.make_async_copy(cnt_sh.at[pl.ds(r0, ROWS_B)],
                                  cstg_v.at[pl.ds(0, ROWS_B)], cs0).wait()
            pltpu.sync_copy(cstg_v.at[pl.ds(0, ROWS_B)], cnts_hbm.at[pl.ds(cid * N + r0, ROWS_B)])

        @pl.when(jnp.logical_not(last))
        def _():
            pltpu.make_async_copy(cnt_sh.at[pl.ds(r0, ROWS_A)], cstg_v, cs0).wait()
            pltpu.sync_copy(cstg_v, cnts_hbm.at[pl.ds(cid * N + r0, ROWS_A)])

    return agg(x, src, dst, z128, z1)


def _mlp_body(x_ref, sums_ref, cnt_ref, wlt_ref, wrt_ref, bl_ref,
              w1t_ref, b1_ref, w2t_ref, b2_ref, o_ref):
    s = sums_ref[0] + sums_ref[1]
    c = cnt_ref[0] + cnt_ref[1]
    mean = s / jnp.maximum(c, 1.0)
    h = jnp.dot(mean, wlt_ref[...], preferred_element_type=jnp.float32)
    h = h + jnp.dot(x_ref[...], wrt_ref[...], preferred_element_type=jnp.float32)
    h = h + bl_ref[...]
    h = jnp.where(h >= 0.0, h, 0.01 * h)
    h2 = jnp.dot(h, w1t_ref[...], preferred_element_type=jnp.float32) + b1_ref[...]
    h2 = jnp.maximum(h2, 0.0)
    o_ref[...] = jnp.dot(h2, w2t_ref[...], preferred_element_type=jnp.float32) + b2_ref[...]


def _tc_mlp(x, sums, cnts, wlt, wrt, bl2, w1t, b12, w2t, b22):
    R = 1000
    grid = (N // R,)
    return pl.pallas_call(
        _mlp_body,
        grid=grid,
        in_specs=[
            pl.BlockSpec((R, DIN), lambda i: (i, 0)),
            pl.BlockSpec((NC, R, DIN), lambda i: (0, i, 0)),
            pl.BlockSpec((NC, R, 1), lambda i: (0, i, 0)),
            pl.BlockSpec((DIN, DIN), lambda i: (0, 0)),
            pl.BlockSpec((DIN, DIN), lambda i: (0, 0)),
            pl.BlockSpec((1, DIN), lambda i: (0, 0)),
            pl.BlockSpec((DIN, HID), lambda i: (0, 0)),
            pl.BlockSpec((1, HID), lambda i: (0, 0)),
            pl.BlockSpec((HID, OUT), lambda i: (0, 0)),
            pl.BlockSpec((1, OUT), lambda i: (0, 0)),
        ],
        out_specs=pl.BlockSpec((R, OUT), lambda i: (i, 0)),
        out_shape=jax.ShapeDtypeStruct((N, OUT), jnp.float32),
    )(x, sums, cnts, wlt, wrt, bl2, w1t, b12, w2t, b22)


def kernel(features, edges, edges2, edge_features, additional_feature,
           Wl, bl, Wr, W1, b1, gamma, beta, running_mean, running_var, W2, b2):
    src = edges2[0]
    dst = edges2[1].reshape(NW, NCH, CH)
    z128 = jnp.zeros((ZCH, DIN), jnp.float32)
    z1 = jnp.zeros((ROWS_A,), jnp.float32)
    sums, cnts = _sc_aggregate(features, src, dst, z128, z1)

    scale = gamma / jnp.sqrt(running_var + EPS)
    shift = beta - running_mean * scale
    w2t = (W2 * scale[None, :]).T
    b22 = (b2 + W2 @ shift)[None, :]

    return _tc_mlp(features, sums, cnts.reshape(NC, N, 1), Wl.T, Wr.T,
                   bl[None, :], W1.T, b1[None, :], w2t, b22)

# --- scband reference (transcript-rebuilt; emitter-appended) ---
"""Pipeline reference for scband-sageconv-mlpmodel-21981642620997 (READ-ONLY COPY).

The authoritative reference and input builder live on the scoring server;
editing this copy changes nothing except your own understanding.
"""

import jax, jax.numpy as jnp
import numpy as np

N = 10000
E = 320000
DIN = 128
DF = 128
HID = 32  # intermediate_layer_size // heads = 128 // 4
OUT = 3
EPS = 1e-5


def setup_inputs(seed: int = 0) -> dict:
    key = jax.random.key(seed)
    ks = jax.random.split(key, 20)
    features = jax.random.normal(ks[0], (N, DIN), dtype=jnp.float32)
    edges = jax.random.randint(ks[1], (2, E), 0, N, dtype=jnp.int32)
    edges2 = jax.random.randint(ks[2], (2, E), 0, N, dtype=jnp.int32)
    edge_features = jax.random.normal(ks[3], (E, 4), dtype=jnp.float32)
    additional_feature = jax.random.normal(ks[4], (N, 20), dtype=jnp.float32)
    # SAGEConv params (PyG style: lin_l on aggregated neighbors with bias, lin_r on root, no bias)
    Wl = jax.random.normal(ks[5], (DF, DIN), dtype=jnp.float32) / np.sqrt(DIN)
    bl = jnp.zeros((DF,), dtype=jnp.float32)
    Wr = jax.random.normal(ks[6], (DF, DIN), dtype=jnp.float32) / np.sqrt(DIN)
    # fc1: 128 -> 32
    W1 = jax.random.normal(ks[7], (HID, DF), dtype=jnp.float32) / np.sqrt(DF)
    b1 = jnp.zeros((HID,), dtype=jnp.float32)
    # BatchNorm1d(32) eval-mode params/buffers
    gamma = jnp.ones((HID,), dtype=jnp.float32)
    beta = jnp.zeros((HID,), dtype=jnp.float32)
    running_mean = jnp.zeros((HID,), dtype=jnp.float32)
    running_var = jnp.ones((HID,), dtype=jnp.float32)
    # fc2: 32 -> 3
    W2 = jax.random.normal(ks[8], (OUT, HID), dtype=jnp.float32) / np.sqrt(HID)
    b2 = jnp.zeros((OUT,), dtype=jnp.float32)
    return {
        "features": features, "edges": edges, "edges2": edges2,
        "edge_features": edge_features, "additional_feature": additional_feature,
        "Wl": Wl, "bl": bl, "Wr": Wr,
        "W1": W1, "b1": b1, "gamma": gamma, "beta": beta,
        "running_mean": running_mean, "running_var": running_var,
        "W2": W2, "b2": b2,
    }


def _sage_conv_mean(x, edge_index, Wl, bl, Wr):
    src = edge_index[0]
    dst = edge_index[1]
    msgs = jnp.take(x, src, axis=0)                       # gather [E, DIN]
    sums = jax.ops.segment_sum(msgs, dst, num_segments=N) # scatter-add [N, DIN]
    cnts = jax.ops.segment_sum(jnp.ones((E,), dtype=x.dtype), dst, num_segments=N)
    mean = sums / jnp.clip(cnts, 1.0, None)[:, None]
    return mean @ Wl.T + bl + x @ Wr.T


def reference(features, edges, edges2, edge_features, additional_feature,
              Wl, bl, Wr, W1, b1, gamma, beta, running_mean, running_var, W2, b2):
    # eval-mode forward: dropout is identity, BatchNorm uses running stats.
    # edges, edge_features, additional_feature are unused (use_additional_channels=False).
    x = _sage_conv_mean(features, edges2, Wl, bl, Wr)
    x = jax.nn.leaky_relu(x, negative_slope=0.01)
    x = x @ W1.T + b1
    x = jax.nn.relu(x)
    x = gamma * (x - running_mean) / jnp.sqrt(running_var + EPS) + beta
    return x @ W2.T + b2

if __name__ == "__main__":
    import jax
    _d = setup_inputs()
    print(jax.jit(kernel)(*tuple(_d.values())))

</pallas_src>

<mosaic_0001>
#map = affine_map<(d0, d1) -> (0, 0)>
#map1 = affine_map<(d0, d1) -> (0)>
#map2 = affine_map<(d0, d1) -> (0, 0, 0)>
module attributes {stable_mosaic.version = 14 : i64} {
  func.func @agg(%arg0: i32, %arg1: i32, %arg2: memref<10000x128xf32, #tpu.memory_space<hbm>>, %arg3: memref<320000xi32, #tpu.memory_space<hbm>>, %arg4: memref<32x125x80xi32, #tpu.memory_space<hbm>>, %arg5: memref<80x128xf32, #tpu.memory_space<hbm>>, %arg6: memref<640xf32, #tpu.memory_space<hbm>>, %arg7: memref<2x10000x128xf32, #tpu.memory_space<hbm>>, %arg8: memref<20000xf32, #tpu.memory_space<hbm>>, %arg9: memref<6x80xi32, #tpu.memory_space<vmem>>, %arg10: memref<125x80xi32, #tpu.memory_space<vmem>>, %arg11: memref<80x128xf32, #tpu.memory_space<vmem>>, %arg12: memref<80x128xf32, #tpu.memory_space<vmem>>, %arg13: memref<80x128xf32, #tpu.memory_space<vmem>>, %arg14: memref<112xf32, #tpu.memory_space<vmem>>, %arg15: memref<640xf32, #tpu.memory_space<vmem>>, %arg16: memref<10000x128xf32, #tpu.memory_space<vmem_shared>>, %arg17: memref<10000xf32, #tpu.memory_space<vmem_shared>>, %arg18: memref<!tpu.dma_semaphore, #tpu.memory_space<semaphore_mem>>, %arg19: memref<!tpu.dma_semaphore, #tpu.memory_space<semaphore_mem>>, %arg20: memref<!tpu.dma_semaphore, #tpu.memory_space<semaphore_mem>>, %arg21: memref<!tpu.dma_semaphore, #tpu.memory_space<semaphore_mem>>, %arg22: memref<!tpu.dma_semaphore, #tpu.memory_space<semaphore_mem>>, %arg23: memref<!tpu.dma_semaphore, #tpu.memory_space<semaphore_mem>>, %arg24: memref<!tpu.dma_semaphore, #tpu.memory_space<semaphore_mem>>, %arg25: memref<!tpu.dma_semaphore, #tpu.memory_space<semaphore_mem>>, %arg26: memref<!tpu.dma_semaphore, #tpu.memory_space<semaphore_mem>>, %arg27: memref<!tpu.dma_semaphore, #tpu.memory_space<semaphore_mem>>, %arg28: memref<!tpu.dma_semaphore, #tpu.memory_space<semaphore_mem>>) attributes {dimension_semantics = [#tpu.dimension_semantics<core_parallel>, #tpu.dimension_semantics<subcore_parallel>], iteration_bounds = array<i64: 2, 16>, scalar_prefetch = 0 : i64, scratch_operands = 20 : i64, tpu.core_type = #tpu.core_type<sc_vector_subcore>, window_params = [{transform_indices = #map}, {transform_indices = #map1}, {transform_indices = #map2}, {transform_indices = #map}, {transform_indices = #map1}, {transform_indices = #map2}, {transform_indices = #map1}]} {
    %mul3A = arith.constant 16 : i32
    %mul3A_0 = arith.muli %arg0, %mul3A : i32
    %add3A = arith.addi %mul3A_0, %arg1 : i32
    %mul3A_1 = arith.constant 640 : i32
    %mul3A_2 = arith.muli %arg1, %mul3A_1 : i32
    %eq3A = arith.constant 15 : i32
    %eq3A_3 = arith.cmpi eq, %arg1, %eq3A : i32
    %jit3A = arith.constant 5 : i32
    %jit3A_4 = arith.constant 8 : i32
    %select_n3A = arith.select %eq3A_3, %jit3A, %jit3A_4 : i32
    %dma_start3A = arith.constant 0 : i32
    %dma_start3A_5 = arith.constant 0 : i32
    %dma_start3A_6 = tpu.memref_slice %arg4[%add3A, %dma_start3A, %dma_start3A_5] : memref<32x125x80xi32, #tpu.memory_space<hbm>> -> memref<1x125x80xi32, #tpu.memory_space<hbm>>
    %dma_start3A_7 = tpu.memref_squeeze %dma_start3A_6 : memref<1x125x80xi32, #tpu.memory_space<hbm>> -> memref<125x80xi32, #tpu.memory_space<hbm>>
    %dma_start3A_8 = arith.constant 0 : i32
    %dma_start3A_9 = arith.constant 0 : i32
    %dma_start3A_10 = tpu.memref_slice %arg4[%add3A, %dma_start3A_8, %dma_start3A_9] : memref<32x125x80xi32, #tpu.memory_space<hbm>> -> memref<1x125x80xi32, #tpu.memory_space<hbm>>
    %dma_start3A_11 = tpu.memref_squeeze %dma_start3A_10 : memref<1x125x80xi32, #tpu.memory_space<hbm>> -> memref<125x80xi32, #tpu.memory_space<hbm>>
    tpu.enqueue_dma source(%dma_start3A_11 : memref<125x80xi32, #tpu.memory_space<hbm>>) target(%arg10 : memref<125x80xi32, #tpu.memory_space<vmem>>) target_semaphore(%arg27 : memref<!tpu.dma_semaphore, #tpu.memory_space<semaphore_mem>>)
    "tpu.region"() ({
      %run_scoped3A_460 = tpu.sem_alloc : memref<!tpu.dma_semaphore, #tpu.memory_space<semaphore_mem>>
      %dma_start3A_461 = arith.constant 0 : i32
      %dma_start3A_462 = arith.constant 0 : i32
      %dma_start3A_463 = tpu.memref_slice %arg11[%dma_start3A_461, %dma_start3A_462] : memref<80x128xf32, #tpu.memory_space<vmem>> -> memref<80x128xf32, #tpu.memory_space<vmem>>
      %dma_start3A_464 = arith.constant 0 : i32
      %dma_start3A_465 = arith.constant 0 : i32
      %dma_start3A_466 = tpu.memref_slice %arg11[%dma_start3A_464, %dma_start3A_465] : memref<80x128xf32, #tpu.memory_space<vmem>> -> memref<80x128xf32, #tpu.memory_space<vmem>>
      tpu.enqueue_dma source(%arg5 : memref<80x128xf32, #tpu.memory_space<hbm>>) target(%dma_start3A_466 : memref<80x128xf32, #tpu.memory_space<vmem>>) target_semaphore(%run_scoped3A_460 : memref<!tpu.dma_semaphore, #tpu.memory_space<semaphore_mem>>)
      %dma_wait3A_467 = arith.constant 0 : i32
      %dma_wait3A_468 = arith.constant 0 : i32
      %dma_wait3A_469 = tpu.memref_slice %arg11[%dma_wait3A_467, %dma_wait3A_468] : memref<80x128xf32, #tpu.memory_space<vmem>> -> memref<80x128xf32, #tpu.memory_space<vmem>>
      %dma_wait3A_470 = arith.constant 0 : i32
      %dma_wait3A_471 = arith.constant 0 : i32
      %dma_wait3A_472 = tpu.memref_slice %arg11[%dma_wait3A_470, %dma_wait3A_471] : memref<80x128xf32, #tpu.memory_space<vmem>> -> memref<80x128xf32, #tpu.memory_space<vmem>>
      tpu.wait_dma2 semaphore(%run_scoped3A_460 : memref<!tpu.dma_semaphore, #tpu.memory_space<semaphore_mem>>) src(%arg5 : memref<80x128xf32, #tpu.memory_space<hbm>>) dst(%dma_wait3A_472 : memref<80x128xf32, #tpu.memory_space<vmem>>)
      tpu.yield
    }) : () -> ()
    "tpu.region"() ({
      %run_scoped3A_460 = tpu.sem_alloc : memref<!tpu.dma_semaphore, #tpu.memory_space<semaphore_mem>>
      tpu.enqueue_dma source(%arg6 : memref<640xf32, #tpu.memory_space<hbm>>) target(%arg15 : memref<640xf32, #tpu.memory_space<vmem>>) target_semaphore(%run_scoped3A_460 : memref<!tpu.dma_semaphore, #tpu.memory_space<semaphore_mem>>)
      tpu.wait_dma2 semaphore(%run_scoped3A_460 : memref<!tpu.dma_semaphore, #tpu.memory_space<semaphore_mem>>) src(%arg6 : memref<640xf32, #tpu.memory_space<hbm>>) dst(%arg15 : memref<640xf32, #tpu.memory_space<vmem>>)
      tpu.yield
    }) : () -> ()
    %sub3A = arith.constant 0 : i32
    %sub3A_12 = arith.subi %select_n3A, %sub3A : i32
    %sub3A_13 = arith.constant 1 : i32
    %sub3A_14 = arith.constant 1 : i32
    %sub3A_15 = arith.subi %sub3A_13, %sub3A_14 : i32
    %add3A_16 = arith.addi %sub3A_12, %sub3A_15 : i32
    %div3A = arith.constant 1 : i32
    %div3A_17 = arith.divsi %add3A_16, %div3A : i32
    %while3A = arith.constant 1 : i32
    %while3A_18 = arith.constant 0 : i32
    %while3A_19 = arith.constant 0 : i32
    %while3A_20 = arith.subi %div3A_17, %while3A_19 : i32
    %while3A_21 = arith.addi %while3A_19, %while3A_20 : i32
    %while3A_22 = arith.constant 1 : i32
    %while3A_23 = arith.divsi %while3A_20, %while3A_22 : i32
    %while3A_24 = arith.muli %while3A_23, %while3A_22 : i32
    %while3A_25 = arith.addi %while3A_19, %while3A_24 : i32
    %while3A_26 = arith.constant 1 : i32
    scf.for %while3A_460 = %while3A_19 to %while3A_25 step %while3A_26  : i32 {
      %mul3A_461 = arith.muli %while3A_460, %while3A : i32
      %add3A_462 = arith.addi %while3A_18, %mul3A_461 : i32
      %mul3A_463 = arith.constant 80 : i32
      %mul3A_464 = arith.muli %add3A_462, %mul3A_463 : i32
      %add3A_465 = arith.addi %mul3A_2, %mul3A_464 : i32
      %dma_start3A_466 = arith.constant 0 : i32
      %dma_start3A_467 = arith.constant 0 : i32
      %dma_start3A_468 = tpu.memref_slice %arg11[%dma_start3A_466, %dma_start3A_467] : memref<80x128xf32, #tpu.memory_space<vmem>> -> memref<80x128xf32, #tpu.memory_space<vmem>>
      %dma_start3A_469 = arith.constant 0 : i32
      %dma_start3A_470 = tpu.memref_slice %arg16[%add3A_465, %dma_start3A_469] : memref<10000x128xf32, #tpu.memory_space<vmem_shared>> -> memref<80x128xf32, #tpu.memory_space<vmem_shared>>
      %dma_start3A_471 = arith.constant 0 : i32
      %dma_start3A_472 = tpu.memref_slice %arg16[%add3A_465, %dma_start3A_471] : memref<10000x128xf32, #tpu.memory_space<vmem_shared>> -> memref<80x128xf32, #tpu.memory_space<vmem_shared>>
      %dma_start3A_473 = arith.constant 0 : i32
      %dma_start3A_474 = arith.constant 0 : i32
      %dma_start3A_475 = tpu.memref_slice %arg11[%dma_start3A_473, %dma_start3A_474] : memref<80x128xf32, #tpu.memory_space<vmem>> -> memref<80x128xf32, #tpu.memory_space<vmem>>
      tpu.enqueue_dma source(%dma_start3A_475 : memref<80x128xf32, #tpu.memory_space<vmem>>) target(%dma_start3A_472 : memref<80x128xf32, #tpu.memory_space<vmem_shared>>) target_semaphore(%arg28 : memref<!tpu.dma_semaphore, #tpu.memory_space<semaphore_mem>>)
    }
    %while3A_27 = arith.constant 1 : i32
    scf.for %while3A_460 = %while3A_25 to %while3A_21 step %while3A_27  : i32 {
      %mul3A_461 = arith.muli %while3A_460, %while3A : i32
      %add3A_462 = arith.addi %while3A_18, %mul3A_461 : i32
      %mul3A_463 = arith.constant 80 : i32
      %mul3A_464 = arith.muli %add3A_462, %mul3A_463 : i32
      %add3A_465 = arith.addi %mul3A_2, %mul3A_464 : i32
      %dma_start3A_466 = arith.constant 0 : i32
      %dma_start3A_467 = arith.constant 0 : i32
      %dma_start3A_468 = tpu.memref_slice %arg11[%dma_start3A_466, %dma_start3A_467] : memref<80x128xf32, #tpu.memory_space<vmem>> -> memref<80x128xf32, #tpu.memory_space<vmem>>
      %dma_start3A_469 = arith.constant 0 : i32
      %dma_start3A_470 = tpu.memref_slice %arg16[%add3A_465, %dma_start3A_469] : memref<10000x128xf32, #tpu.memory_space<vmem_shared>> -> memref<80x128xf32, #tpu.memory_space<vmem_shared>>
      %dma_start3A_471 = arith.constant 0 : i32
      %dma_start3A_472 = tpu.memref_slice %arg16[%add3A_465, %dma_start3A_471] : memref<10000x128xf32, #tpu.memory_space<vmem_shared>> -> memref<80x128xf32, #tpu.memory_space<vmem_shared>>
      %dma_start3A_473 = arith.constant 0 : i32
      %dma_start3A_474 = arith.constant 0 : i32
      %dma_start3A_475 = tpu.memref_slice %arg11[%dma_start3A_473, %dma_start3A_474] : memref<80x128xf32, #tpu.memory_space<vmem>> -> memref<80x128xf32, #tpu.memory_space<vmem>>
      tpu.enqueue_dma source(%dma_start3A_475 : memref<80x128xf32, #tpu.memory_space<vmem>>) target(%dma_start3A_472 : memref<80x128xf32, #tpu.memory_space<vmem_shared>>) target_semaphore(%arg28 : memref<!tpu.dma_semaphore, #tpu.memory_space<semaphore_mem>>)
    }
    %convert_element_type3A = arith.extui %eq3A_3 : i1 to i32
    %cond3A = arith.constant 0 : i32
    %cond3A_28 = arith.cmpi ne, %convert_element_type3A, %cond3A : i32
    scf.if %cond3A_28 {
      %dma_start3A_460 = arith.constant 0 : i32
      %dma_start3A_461 = tpu.memref_slice %arg15[%dma_start3A_460] : memref<640xf32, #tpu.memory_space<vmem>> -> memref<400xf32, #tpu.memory_space<vmem>>
      %dma_start3A_462 = tpu.memref_slice %arg17[%mul3A_2] : memref<10000xf32, #tpu.memory_space<vmem_shared>> -> memref<400xf32, #tpu.memory_space<vmem_shared>>
      %dma_start3A_463 = tpu.memref_slice %arg17[%mul3A_2] : memref<10000xf32, #tpu.memory_space<vmem_shared>> -> memref<400xf32, #tpu.memory_space<vmem_shared>>
      %dma_start3A_464 = arith.constant 0 : i32
      %dma_start3A_465 = tpu.memref_slice %arg15[%dma_start3A_464] : memref<640xf32, #tpu.memory_space<vmem>> -> memref<400xf32, #tpu.memory_space<vmem>>
      tpu.enqueue_dma source(%dma_start3A_465 : memref<400xf32, #tpu.memory_space<vmem>>) target(%dma_start3A_463 : memref<400xf32, #tpu.memory_space<vmem_shared>>) target_semaphore(%arg18 : memref<!tpu.dma_semaphore, #tpu.memory_space<semaphore_mem>>)
    } else {
    }
    %not3A = arith.constant true
    %not3A_29 = arith.xori %eq3A_3, %not3A : i1
    %convert_element_type3A_30 = arith.extui %not3A_29 : i1 to i32
    %cond3A_31 = arith.constant 0 : i32
    %cond3A_32 = arith.cmpi ne, %convert_element_type3A_30, %cond3A_31 : i32
    scf.if %cond3A_32 {
      %dma_start3A_460 = tpu.memref_slice %arg17[%mul3A_2] : memref<10000xf32, #tpu.memory_space<vmem_shared>> -> memref<640xf32, #tpu.memory_space<vmem_shared>>
      %dma_start3A_461 = tpu.memref_slice %arg17[%mul3A_2] : memref<10000xf32, #tpu.memory_space<vmem_shared>> -> memref<640xf32, #tpu.memory_space<vmem_shared>>
      tpu.enqueue_dma source(%arg15 : memref<640xf32, #tpu.memory_space<vmem>>) target(%dma_start3A_461 : memref<640xf32, #tpu.memory_space<vmem_shared>>) target_semaphore(%arg18 : memref<!tpu.dma_semaphore, #tpu.memory_space<semaphore_mem>>)
    } else {
    }
    %broadcast_in_dim3A = arith.constant 1.000000e+00 : f32
    %broadcast_in_dim3A_33 = vector.broadcast %broadcast_in_dim3A : f32 to vector<16xf32>
    %scan3A = arith.constant 0 : i32
    %scan3A_34 = arith.constant 7 : i32
    %scan3A_35 = arith.addi %scan3A, %scan3A_34 : i32
    %scan3A_36 = arith.constant 1 : i32
    scf.for %scan3A_460 = %scan3A to %scan3A_35 step %scan3A_36  : i32 {
      %mul3A_461 = arith.constant 1 : i32
      %mul3A_462 = arith.muli %scan3A_460, %mul3A_461 : i32
      %add3A_463 = arith.constant 0 : i32
      %add3A_464 = arith.addi %add3A_463, %mul3A_462 : i32
      %mul3A_465 = arith.constant 16 : i32
      %mul3A_466 = arith.muli %add3A_464, %mul3A_465 : i32
      %swap3A = arith.index_cast %mul3A_466 : i32 to index
      %swap3A_467 = tpu.vector_load %arg14[%swap3A] {strides = array<i32>} : memref<112xf32, #tpu.memory_space<vmem>>, vector<16xf32>,
      %swap3A_468 = vector.shape_cast %swap3A_467 : vector<16xf32> to vector<16xf32>
      %swap3A_469 = vector.shape_cast %broadcast_in_dim3A_33 : vector<16xf32> to vector<16xf32>
      tpu.vector_store %arg14[%swap3A], %swap3A_469 {strides = array<i32>} : memref<112xf32, #tpu.memory_space<vmem>>, vector<16xf32>,
    }
    %scan3A_37 = arith.constant 7 : i32
    %sub3A_38 = arith.constant 0 : i32
    %sub3A_39 = arith.subi %select_n3A, %sub3A_38 : i32
    %sub3A_40 = arith.constant 1 : i32
    %sub3A_41 = arith.constant 1 : i32
    %sub3A_42 = arith.subi %sub3A_40, %sub3A_41 : i32
    %add3A_43 = arith.addi %sub3A_39, %sub3A_42 : i32
    %div3A_44 = arith.constant 1 : i32
    %div3A_45 = arith.divsi %add3A_43, %div3A_44 : i32
    %while3A_46 = arith.constant 1 : i32
    %while3A_47 = arith.constant 0 : i32
    %while3A_48 = arith.constant 0 : i32
    %while3A_49 = arith.subi %div3A_45, %while3A_48 : i32
    %while3A_50 = arith.addi %while3A_48, %while3A_49 : i32
    %while3A_51 = arith.constant 1 : i32
    %while3A_52 = arith.divsi %while3A_49, %while3A_51 : i32
    %while3A_53 = arith.muli %while3A_52, %while3A_51 : i32
    %while3A_54 = arith.addi %while3A_48, %while3A_53 : i32
    %while3A_55 = arith.constant 1 : i32
    scf.for %while3A_460 = %while3A_48 to %while3A_54 step %while3A_55  : i32 {
      %mul3A_461 = arith.muli %while3A_460, %while3A_46 : i32
      %add3A_462 = arith.addi %while3A_47, %mul3A_461 : i32
      %dma_wait3A_463 = arith.constant 0 : i32
      %dma_wait3A_464 = arith.constant 0 : i32
      %dma_wait3A_465 = tpu.memref_slice %arg11[%dma_wait3A_463, %dma_wait3A_464] : memref<80x128xf32, #tpu.memory_space<vmem>> -> memref<80x128xf32, #tpu.memory_space<vmem>>
      %dma_wait3A_466 = arith.constant 0 : i32
      %dma_wait3A_467 = tpu.memref_slice %arg16[%mul3A_2, %dma_wait3A_466] : memref<10000x128xf32, #tpu.memory_space<vmem_shared>> -> memref<80x128xf32, #tpu.memory_space<vmem_shared>>
      %dma_wait3A_468 = arith.constant 0 : i32
      %dma_wait3A_469 = tpu.memref_slice %arg16[%mul3A_2, %dma_wait3A_468] : memref<10000x128xf32, #tpu.memory_space<vmem_shared>> -> memref<80x128xf32, #tpu.memory_space<vmem_shared>>
      %dma_wait3A_470 = arith.constant 0 : i32
      %dma_wait3A_471 = arith.constant 0 : i32
      %dma_wait3A_472 = tpu.memref_slice %arg11[%dma_wait3A_470, %dma_wait3A_471] : memref<80x128xf32, #tpu.memory_space<vmem>> -> memref<80x128xf32, #tpu.memory_space<vmem>>
      tpu.wait_dma2 semaphore(%arg28 : memref<!tpu.dma_semaphore, #tpu.memory_space<semaphore_mem>>) src(%dma_wait3A_472 : memref<80x128xf32, #tpu.memory_space<vmem>>) dst(%dma_wait3A_469 : memref<80x128xf32, #tpu.memory_space<vmem_shared>>)
    }
    %while3A_56 = arith.constant 1 : i32
    scf.for %while3A_460 = %while3A_54 to %while3A_50 step %while3A_56  : i32 {
      %mul3A_461 = arith.muli %while3A_460, %while3A_46 : i32
      %add3A_462 = arith.addi %while3A_47, %mul3A_461 : i32
      %dma_wait3A_463 = arith.constant 0 : i32
      %dma_wait3A_464 = arith.constant 0 : i32
      %dma_wait3A_465 = tpu.memref_slice %arg11[%dma_wait3A_463, %dma_wait3A_464] : memref<80x128xf32, #tpu.memory_space<vmem>> -> memref<80x128xf32, #tpu.memory_space<vmem>>
      %dma_wait3A_466 = arith.constant 0 : i32
      %dma_wait3A_467 = tpu.memref_slice %arg16[%mul3A_2, %dma_wait3A_466] : memref<10000x128xf32, #tpu.memory_space<vmem_shared>> -> memref<80x128xf32, #tpu.memory_space<vmem_shared>>
      %dma_wait3A_468 = arith.constant 0 : i32
      %dma_wait3A_469 = tpu.memref_slice %arg16[%mul3A_2, %dma_wait3A_468] : memref<10000x128xf32, #tpu.memory_space<vmem_shared>> -> memref<80x128xf32, #tpu.memory_space<vmem_shared>>
      %dma_wait3A_470 = arith.constant 0 : i32
      %dma_wait3A_471 = arith.constant 0 : i32
      %dma_wait3A_472 = tpu.memref_slice %arg11[%dma_wait3A_470, %dma_wait3A_471] : memref<80x128xf32, #tpu.memory_space<vmem>> -> memref<80x128xf32, #tpu.memory_space<vmem>>
      tpu.wait_dma2 semaphore(%arg28 : memref<!tpu.dma_semaphore, #tpu.memory_space<semaphore_mem>>) src(%dma_wait3A_472 : memref<80x128xf32, #tpu.memory_space<vmem>>) dst(%dma_wait3A_469 : memref<80x128xf32, #tpu.memory_space<vmem_shared>>)
    }
    %convert_element_type3A_57 = arith.extui %eq3A_3 : i1 to i32
    %cond3A_58 = arith.constant 0 : i32
    %cond3A_59 = arith.cmpi ne, %convert_element_type3A_57, %cond3A_58 : i32
    scf.if %cond3A_59 {
      %dma_wait3A_460 = arith.constant 0 : i32
      %dma_wait3A_461 = tpu.memref_slice %arg15[%dma_wait3A_460] : memref<640xf32, #tpu.memory_space<vmem>> -> memref<400xf32, #tpu.memory_space<vmem>>
      %dma_wait3A_462 = tpu.memref_slice %arg17[%mul3A_2] : memref<10000xf32, #tpu.memory_space<vmem_shared>> -> memref<400xf32, #tpu.memory_space<vmem_shared>>
      %dma_wait3A_463 = tpu.memref_slice %arg17[%mul3A_2] : memref<10000xf32, #tpu.memory_space<vmem_shared>> -> memref<400xf32, #tpu.memory_space<vmem_shared>>
      %dma_wait3A_464 = arith.constant 0 : i32
      %dma_wait3A_465 = tpu.memref_slice %arg15[%dma_wait3A_464] : memref<640xf32, #tpu.memory_space<vmem>> -> memref<400xf32, #tpu.memory_space<vmem>>
      tpu.wait_dma2 semaphore(%arg18 : memref<!tpu.dma_semaphore, #tpu.memory_space<semaphore_mem>>) src(%dma_wait3A_465 : memref<400xf32, #tpu.memory_space<vmem>>) dst(%dma_wait3A_463 : memref<400xf32, #tpu.memory_space<vmem_shared>>)
    } else {
    }
    %not3A_60 = arith.constant true
    %not3A_61 = arith.xori %eq3A_3, %not3A_60 : i1
    %convert_element_type3A_62 = arith.extui %not3A_61 : i1 to i32
    %cond3A_63 = arith.constant 0 : i32
    %cond3A_64 = arith.cmpi ne, %convert_element_type3A_62, %cond3A_63 : i32
    scf.if %cond3A_64 {
      %dma_wait3A_460 = tpu.memref_slice %arg17[%mul3A_2] : memref<10000xf32, #tpu.memory_space<vmem_shared>> -> memref<640xf32, #tpu.memory_space<vmem_shared>>
      %dma_wait3A_461 = tpu.memref_slice %arg17[%mul3A_2] : memref<10000xf32, #tpu.memory_space<vmem_shared>> -> memref<640xf32, #tpu.memory_space<vmem_shared>>
      tpu.wait_dma2 semaphore(%arg18 : memref<!tpu.dma_semaphore, #tpu.memory_space<semaphore_mem>>) src(%arg15 : memref<640xf32, #tpu.memory_space<vmem>>) dst(%dma_wait3A_461 : memref<640xf32, #tpu.memory_space<vmem_shared>>)
    } else {
    }
    %dma_wait3A = arith.constant 0 : i32
    %dma_wait3A_65 = arith.constant 0 : i32
    %dma_wait3A_66 = tpu.memref_slice %arg4[%add3A, %dma_wait3A, %dma_wait3A_65] : memref<32x125x80xi32, #tpu.memory_space<hbm>> -> memref<1x125x80xi32, #tpu.memory_space<hbm>>
    %dma_wait3A_67 = tpu.memref_squeeze %dma_wait3A_66 : memref<1x125x80xi32, #tpu.memory_space<hbm>> -> memref<125x80xi32, #tpu.memory_space<hbm>>
    %dma_wait3A_68 = arith.constant 0 : i32
    %dma_wait3A_69 = arith.constant 0 : i32
    %dma_wait3A_70 = tpu.memref_slice %arg4[%add3A, %dma_wait3A_68, %dma_wait3A_69] : memref<32x125x80xi32, #tpu.memory_space<hbm>> -> memref<1x125x80xi32, #tpu.memory_space<hbm>>
    %dma_wait3A_71 = tpu.memref_squeeze %dma_wait3A_70 : memref<1x125x80xi32, #tpu.memory_space<hbm>> -> memref<125x80xi32, #tpu.memory_space<hbm>>
    tpu.wait_dma2 semaphore(%arg27 : memref<!tpu.dma_semaphore, #tpu.memory_space<semaphore_mem>>) src(%dma_wait3A_71 : memref<125x80xi32, #tpu.memory_space<hbm>>) dst(%arg10 : memref<125x80xi32, #tpu.memory_space<vmem>>)
    %mul3A_72 = arith.constant 10000 : i32
    %mul3A_73 = arith.muli %add3A, %mul3A_72 : i32
    %add3A_74 = arith.constant 0 : i32
    %add3A_75 = arith.addi %mul3A_73, %add3A_74 : i32
    %dma_start3A_76 = arith.constant 0 : i32
    %dma_start3A_77 = arith.constant 0 : i32
    %dma_start3A_78 = tpu.memref_slice %arg9[%dma_start3A_76, %dma_start3A_77] : memref<6x80xi32, #tpu.memory_space<vmem>> -> memref<1x80xi32, #tpu.memory_space<vmem>>
    %dma_start3A_79 = tpu.memref_squeeze %dma_start3A_78 : memref<1x80xi32, #tpu.memory_space<vmem>> -> memref<80xi32, #tpu.memory_space<vmem>>
    %dma_start3A_80 = tpu.memref_slice %arg3[%add3A_75] : memref<320000xi32, #tpu.memory_space<hbm>> -> memref<80xi32, #tpu.memory_space<hbm>>
    %dma_start3A_81 = arith.constant 0 : i32
    %dma_start3A_82 = tpu.memref_slice %arg9[%dma_start3A_76, %dma_start3A_81] : memref<6x80xi32, #tpu.memory_space<vmem>> -> memref<1x80xi32, #tpu.memory_space<vmem>>
    %dma_start3A_83 = tpu.memref_squeeze %dma_start3A_82 : memref<1x80xi32, #tpu.memory_space<vmem>> -> memref<80xi32, #tpu.memory_space<vmem>>
    %dma_start3A_84 = tpu.memref_slice %arg3[%add3A_75] : memref<320000xi32, #tpu.memory_space<hbm>> -> memref<80xi32, #tpu.memory_space<hbm>>
    tpu.enqueue_dma source(%dma_start3A_84 : memref<80xi32, #tpu.memory_space<hbm>>) target(%dma_start3A_83 : memref<80xi32, #tpu.memory_space<vmem>>) target_semaphore(%arg21 : memref<!tpu.dma_semaphore, #tpu.memory_space<semaphore_mem>>)
    %mul3A_85 = arith.constant 10000 : i32
    %mul3A_86 = arith.muli %add3A, %mul3A_85 : i32
    %add3A_87 = arith.constant 80 : i32
    %add3A_88 = arith.addi %mul3A_86, %add3A_87 : i32
    %dma_start3A_89 = arith.constant 1 : i32
    %dma_start3A_90 = arith.constant 0 : i32
    %dma_start3A_91 = tpu.memref_slice %arg9[%dma_start3A_89, %dma_start3A_90] : memref<6x80xi32, #tpu.memory_space<vmem>> -> memref<1x80xi32, #tpu.memory_space<vmem>>
    %dma_start3A_92 = tpu.memref_squeeze %dma_start3A_91 : memref<1x80xi32, #tpu.memory_space<vmem>> -> memref<80xi32, #tpu.memory_space<vmem>>
    %dma_start3A_93 = tpu.memref_slice %arg3[%add3A_88] : memref<320000xi32, #tpu.memory_space<hbm>> -> memref<80xi32, #tpu.memory_space<hbm>>
    %dma_start3A_94 = arith.constant 0 : i32
    %dma_start3A_95 = tpu.memref_slice %arg9[%dma_start3A_89, %dma_start3A_94] : memref<6x80xi32, #tpu.memory_space<vmem>> -> memref<1x80xi32, #tpu.memory_space<vmem>>
    %dma_start3A_96 = tpu.memref_squeeze %dma_start3A_95 : memref<1x80xi32, #tpu.memory_space<vmem>> -> memref<80xi32, #tpu.memory_space<vmem>>
    %dma_start3A_97 = tpu.memref_slice %arg3[%add3A_88] : memref<320000xi32, #tpu.memory_space<hbm>> -> memref<80xi32, #tpu.memory_space<hbm>>
    tpu.enqueue_dma source(%dma_start3A_97 : memref<80xi32, #tpu.memory_space<hbm>>) target(%dma_start3A_96 : memref<80xi32, #tpu.memory_space<vmem>>) target_semaphore(%arg22 : memref<!tpu.dma_semaphore, #tpu.memory_space<semaphore_mem>>)
    %mul3A_98 = arith.constant 10000 : i32
    %mul3A_99 = arith.muli %add3A, %mul3A_98 : i32
    %add3A_100 = arith.constant 160 : i32
    %add3A_101 = arith.addi %mul3A_99, %add3A_100 : i32
    %dma_start3A_102 = arith.constant 2 : i32
    %dma_start3A_103 = arith.constant 0 : i32
    %dma_start3A_104 = tpu.memref_slice %arg9[%dma_start3A_102, %dma_start3A_103] : memref<6x80xi32, #tpu.memory_space<vmem>> -> memref<1x80xi32, #tpu.memory_space<vmem>>
    %dma_start3A_105 = tpu.memref_squeeze %dma_start3A_104 : memref<1x80xi32, #tpu.memory_space<vmem>> -> memref<80xi32, #tpu.memory_space<vmem>>
    %dma_start3A_106 = tpu.memref_slice %arg3[%add3A_101] : memref<320000xi32, #tpu.memory_space<hbm>> -> memref<80xi32, #tpu.memory_space<hbm>>
    %dma_start3A_107 = arith.constant 0 : i32
    %dma_start3A_108 = tpu.memref_slice %arg9[%dma_start3A_102, %dma_start3A_107] : memref<6x80xi32, #tpu.memory_space<vmem>> -> memref<1x80xi32, #tpu.memory_space<vmem>>
    %dma_start3A_109 = tpu.memref_squeeze %dma_start3A_108 : memref<1x80xi32, #tpu.memory_space<vmem>> -> memref<80xi32, #tpu.memory_space<vmem>>
    %dma_start3A_110 = tpu.memref_slice %arg3[%add3A_101] : memref<320000xi32, #tpu.memory_space<hbm>> -> memref<80xi32, #tpu.memory_space<hbm>>
    tpu.enqueue_dma source(%dma_start3A_110 : memref<80xi32, #tpu.memory_space<hbm>>) target(%dma_start3A_109 : memref<80xi32, #tpu.memory_space<vmem>>) target_semaphore(%arg23 : memref<!tpu.dma_semaphore, #tpu.memory_space<semaphore_mem>>)
    %mul3A_111 = arith.constant 10000 : i32
    %mul3A_112 = arith.muli %add3A, %mul3A_111 : i32
    %add3A_113 = arith.constant 240 : i32
    %add3A_114 = arith.addi %mul3A_112, %add3A_113 : i32
    %dma_start3A_115 = arith.constant 3 : i32
    %dma_start3A_116 = arith.constant 0 : i32
    %dma_start3A_117 = tpu.memref_slice %arg9[%dma_start3A_115, %dma_start3A_116] : memref<6x80xi32, #tpu.memory_space<vmem>> -> memref<1x80xi32, #tpu.memory_space<vmem>>
    %dma_start3A_118 = tpu.memref_squeeze %dma_start3A_117 : memref<1x80xi32, #tpu.memory_space<vmem>> -> memref<80xi32, #tpu.memory_space<vmem>>
    %dma_start3A_119 = tpu.memref_slice %arg3[%add3A_114] : memref<320000xi32, #tpu.memory_space<hbm>> -> memref<80xi32, #tpu.memory_space<hbm>>
    %dma_start3A_120 = arith.constant 0 : i32
    %dma_start3A_121 = tpu.memref_slice %arg9[%dma_start3A_115, %dma_start3A_120] : memref<6x80xi32, #tpu.memory_space<vmem>> -> memref<1x80xi32, #tpu.memory_space<vmem>>
    %dma_start3A_122 = tpu.memref_squeeze %dma_start3A_121 : memref<1x80xi32, #tpu.memory_space<vmem>> -> memref<80xi32, #tpu.memory_space<vmem>>
    %dma_start3A_123 = tpu.memref_slice %arg3[%add3A_114] : memref<320000xi32, #tpu.memory_space<hbm>> -> memref<80xi32, #tpu.memory_space<hbm>>
    tpu.enqueue_dma source(%dma_start3A_123 : memref<80xi32, #tpu.memory_space<hbm>>) target(%dma_start3A_122 : memref<80xi32, #tpu.memory_space<vmem>>) target_semaphore(%arg24 : memref<!tpu.dma_semaphore, #tpu.memory_space<semaphore_mem>>)
    %mul3A_124 = arith.constant 10000 : i32
    %mul3A_125 = arith.muli %add3A, %mul3A_124 : i32
    %add3A_126 = arith.constant 320 : i32
    %add3A_127 = arith.addi %mul3A_125, %add3A_126 : i32
    %dma_start3A_128 = arith.constant 4 : i32
    %dma_start3A_129 = arith.constant 0 : i32
    %dma_start3A_130 = tpu.memref_slice %arg9[%dma_start3A_128, %dma_start3A_129] : memref<6x80xi32, #tpu.memory_space<vmem>> -> memref<1x80xi32, #tpu.memory_space<vmem>>
    %dma_start3A_131 = tpu.memref_squeeze %dma_start3A_130 : memref<1x80xi32, #tpu.memory_space<vmem>> -> memref<80xi32, #tpu.memory_space<vmem>>
    %dma_start3A_132 = tpu.memref_slice %arg3[%add3A_127] : memref<320000xi32, #tpu.memory_space<hbm>> -> memref<80xi32, #tpu.memory_space<hbm>>
    %dma_start3A_133 = arith.constant 0 : i32
    %dma_start3A_134 = tpu.memref_slice %arg9[%dma_start3A_128, %dma_start3A_133] : memref<6x80xi32, #tpu.memory_space<vmem>> -> memref<1x80xi32, #tpu.memory_space<vmem>>
    %dma_start3A_135 = tpu.memref_squeeze %dma_start3A_134 : memref<1x80xi32, #tpu.memory_space<vmem>> -> memref<80xi32, #tpu.memory_space<vmem>>
    %dma_start3A_136 = tpu.memref_slice %arg3[%add3A_127] : memref<320000xi32, #tpu.memory_space<hbm>> -> memref<80xi32, #tpu.memory_space<hbm>>
    tpu.enqueue_dma source(%dma_start3A_136 : memref<80xi32, #tpu.memory_space<hbm>>) target(%dma_start3A_135 : memref<80xi32, #tpu.memory_space<vmem>>) target_semaphore(%arg25 : memref<!tpu.dma_semaphore, #tpu.memory_space<semaphore_mem>>)
    %mul3A_137 = arith.constant 10000 : i32
    %mul3A_138 = arith.muli %add3A, %mul3A_137 : i32
    %add3A_139 = arith.constant 400 : i32
    %add3A_140 = arith.addi %mul3A_138, %add3A_139 : i32
    %dma_start3A_141 = arith.constant 5 : i32
    %dma_start3A_142 = arith.constant 0 : i32
    %dma_start3A_143 = tpu.memref_slice %arg9[%dma_start3A_141, %dma_start3A_142] : memref<6x80xi32, #tpu.memory_space<vmem>> -> memref<1x80xi32, #tpu.memory_space<vmem>>
    %dma_start3A_144 = tpu.memref_squeeze %dma_start3A_143 : memref<1x80xi32, #tpu.memory_space<vmem>> -> memref<80xi32, #tpu.memory_space<vmem>>
    %dma_start3A_145 = tpu.memref_slice %arg3[%add3A_140] : memref<320000xi32, #tpu.memory_space<hbm>> -> memref<80xi32, #tpu.memory_space<hbm>>
    %dma_start3A_146 = arith.constant 0 : i32
    %dma_start3A_147 = tpu.memref_slice %arg9[%dma_start3A_141, %dma_start3A_146] : memref<6x80xi32, #tpu.memory_space<vmem>> -> memref<1x80xi32, #tpu.memory_space<vmem>>
    %dma_start3A_148 = tpu.memref_squeeze %dma_start3A_147 : memref<1x80xi32, #tpu.memory_space<vmem>> -> memref<80xi32, #tpu.memory_space<vmem>>
    %dma_start3A_149 = tpu.memref_slice %arg3[%add3A_140] : memref<320000xi32, #tpu.memory_space<hbm>> -> memref<80xi32, #tpu.memory_space<hbm>>
    tpu.enqueue_dma source(%dma_start3A_149 : memref<80xi32, #tpu.memory_space<hbm>>) target(%dma_start3A_148 : memref<80xi32, #tpu.memory_space<vmem>>) target_semaphore(%arg26 : memref<!tpu.dma_semaphore, #tpu.memory_space<semaphore_mem>>)
    %dma_wait3A_150 = arith.constant 0 : i32
    %dma_wait3A_151 = arith.constant 0 : i32
    %dma_wait3A_152 = tpu.memref_slice %arg9[%dma_wait3A_150, %dma_wait3A_151] : memref<6x80xi32, #tpu.memory_space<vmem>> -> memref<1x80xi32, #tpu.memory_space<vmem>>
    %dma_wait3A_153 = tpu.memref_squeeze %dma_wait3A_152 : memref<1x80xi32, #tpu.memory_space<vmem>> -> memref<80xi32, #tpu.memory_space<vmem>>
    %dma_wait3A_154 = arith.constant 0 : i32
    %dma_wait3A_155 = tpu.memref_slice %arg3[%dma_wait3A_154] : memref<320000xi32, #tpu.memory_space<hbm>> -> memref<80xi32, #tpu.memory_space<hbm>>
    %dma_wait3A_156 = arith.constant 0 : i32
    %dma_wait3A_157 = tpu.memref_slice %arg9[%dma_wait3A_150, %dma_wait3A_156] : memref<6x80xi32, #tpu.memory_space<vmem>> -> memref<1x80xi32, #tpu.memory_space<vmem>>
    %dma_wait3A_158 = tpu.memref_squeeze %dma_wait3A_157 : memref<1x80xi32, #tpu.memory_space<vmem>> -> memref<80xi32, #tpu.memory_space<vmem>>
    %dma_wait3A_159 = arith.constant 0 : i32
    %dma_wait3A_160 = tpu.memref_slice %arg3[%dma_wait3A_159] : memref<320000xi32, #tpu.memory_space<hbm>> -> memref<80xi32, #tpu.memory_space<hbm>>
    tpu.wait_dma2 semaphore(%arg21 : memref<!tpu.dma_semaphore, #tpu.memory_space<semaphore_mem>>) src(%dma_wait3A_160 : memref<80xi32, #tpu.memory_space<hbm>>) dst(%dma_wait3A_158 : memref<80xi32, #tpu.memory_space<vmem>>)
    %dma_start3A_161 = arith.constant 0 : i32
    %dma_start3A_162 = arith.constant 0 : i32
    %dma_start3A_163 = tpu.memref_slice %arg9[%dma_start3A_161, %dma_start3A_162] : memref<6x80xi32, #tpu.memory_space<vmem>> -> memref<1x80xi32, #tpu.memory_space<vmem>>
    %dma_start3A_164 = tpu.memref_squeeze %dma_start3A_163 : memref<1x80xi32, #tpu.memory_space<vmem>> -> memref<80xi32, #tpu.memory_space<vmem>>
    %dma_start3A_165 = arith.constant 0 : i32
    %dma_start3A_166 = arith.constant 0 : i32
    %dma_start3A_167 = tpu.memref_slice %arg2[%dma_start3A_165, %dma_start3A_166] : memref<10000x128xf32, #tpu.memory_space<hbm>> -> memref<10000x128xf32, #tpu.memory_space<hbm>>
    tpu.enqueue_indirect_dma source(%dma_start3A_167 : memref<10000x128xf32, #tpu.memory_space<hbm>>) target(%arg11 : memref<80x128xf32, #tpu.memory_space<vmem>>) offsets(%dma_start3A_164 : memref<80xi32, #tpu.memory_space<vmem>>) semaphore(%arg18 : memref<!tpu.dma_semaphore, #tpu.memory_space<semaphore_mem>>)
    %dma_wait3A_168 = arith.constant 1 : i32
    %dma_wait3A_169 = arith.constant 0 : i32
    %dma_wait3A_170 = tpu.memref_slice %arg9[%dma_wait3A_168, %dma_wait3A_169] : memref<6x80xi32, #tpu.memory_space<vmem>> -> memref<1x80xi32, #tpu.memory_space<vmem>>
    %dma_wait3A_171 = tpu.memref_squeeze %dma_wait3A_170 : memref<1x80xi32, #tpu.memory_space<vmem>> -> memref<80xi32, #tpu.memory_space<vmem>>
    %dma_wait3A_172 = arith.constant 0 : i32
    %dma_wait3A_173 = tpu.memref_slice %arg3[%dma_wait3A_172] : memref<320000xi32, #tpu.memory_space<hbm>> -> memref<80xi32, #tpu.memory_space<hbm>>
    %dma_wait3A_174 = arith.constant 0 : i32
    %dma_wait3A_175 = tpu.memref_slice %arg9[%dma_wait3A_168, %dma_wait3A_174] : memref<6x80xi32, #tpu.memory_space<vmem>> -> memref<1x80xi32, #tpu.memory_space<vmem>>
    %dma_wait3A_176 = tpu.memref_squeeze %dma_wait3A_175 : memref<1x80xi32, #tpu.memory_space<vmem>> -> memref<80xi32, #tpu.memory_space<vmem>>
    %dma_wait3A_177 = arith.constant 0 : i32
    %dma_wait3A_178 = tpu.memref_slice %arg3[%dma_wait3A_177] : memref<320000xi32, #tpu.memory_space<hbm>> -> memref<80xi32, #tpu.memory_space<hbm>>
    tpu.wait_dma2 semaphore(%arg22 : memref<!tpu.dma_semaphore, #tpu.memory_space<semaphore_mem>>) src(%dma_wait3A_178 : memref<80xi32, #tpu.memory_space<hbm>>) dst(%dma_wait3A_176 : memref<80xi32, #tpu.memory_space<vmem>>)
    %dma_start3A_179 = arith.constant 1 : i32
    %dma_start3A_180 = arith.constant 0 : i32
    %dma_start3A_181 = tpu.memref_slice %arg9[%dma_start3A_179, %dma_start3A_180] : memref<6x80xi32, #tpu.memory_space<vmem>> -> memref<1x80xi32, #tpu.memory_space<vmem>>
    %dma_start3A_182 = tpu.memref_squeeze %dma_start3A_181 : memref<1x80xi32, #tpu.memory_space<vmem>> -> memref<80xi32, #tpu.memory_space<vmem>>
    %dma_start3A_183 = arith.constant 0 : i32
    %dma_start3A_184 = arith.constant 0 : i32
    %dma_start3A_185 = tpu.memref_slice %arg2[%dma_start3A_183, %dma_start3A_184] : memref<10000x128xf32, #tpu.memory_space<hbm>> -> memref<10000x128xf32, #tpu.memory_space<hbm>>
    tpu.enqueue_indirect_dma source(%dma_start3A_185 : memref<10000x128xf32, #tpu.memory_space<hbm>>) target(%arg12 : memref<80x128xf32, #tpu.memory_space<vmem>>) offsets(%dma_start3A_182 : memref<80xi32, #tpu.memory_space<vmem>>) semaphore(%arg19 : memref<!tpu.dma_semaphore, #tpu.memory_space<semaphore_mem>>)
    %dma_wait3A_186 = arith.constant 2 : i32
    %dma_wait3A_187 = arith.constant 0 : i32
    %dma_wait3A_188 = tpu.memref_slice %arg9[%dma_wait3A_186, %dma_wait3A_187] : memref<6x80xi32, #tpu.memory_space<vmem>> -> memref<1x80xi32, #tpu.memory_space<vmem>>
    %dma_wait3A_189 = tpu.memref_squeeze %dma_wait3A_188 : memref<1x80xi32, #tpu.memory_space<vmem>> -> memref<80xi32, #tpu.memory_space<vmem>>
    %dma_wait3A_190 = arith.constant 0 : i32
    %dma_wait3A_191 = tpu.memref_slice %arg3[%dma_wait3A_190] : memref<320000xi32, #tpu.memory_space<hbm>> -> memref<80xi32, #tpu.memory_space<hbm>>
    %dma_wait3A_192 = arith.constant 0 : i32
    %dma_wait3A_193 = tpu.memref_slice %arg9[%dma_wait3A_186, %dma_wait3A_192] : memref<6x80xi32, #tpu.memory_space<vmem>> -> memref<1x80xi32, #tpu.memory_space<vmem>>
    %dma_wait3A_194 = tpu.memref_squeeze %dma_wait3A_193 : memref<1x80xi32, #tpu.memory_space<vmem>> -> memref<80xi32, #tpu.memory_space<vmem>>
    %dma_wait3A_195 = arith.constant 0 : i32
    %dma_wait3A_196 = tpu.memref_slice %arg3[%dma_wait3A_195] : memref<320000xi32, #tpu.memory_space<hbm>> -> memref<80xi32, #tpu.memory_space<hbm>>
    tpu.wait_dma2 semaphore(%arg23 : memref<!tpu.dma_semaphore, #tpu.memory_space<semaphore_mem>>) src(%dma_wait3A_196 : memref<80xi32, #tpu.memory_space<hbm>>) dst(%dma_wait3A_194 : memref<80xi32, #tpu.memory_space<vmem>>)
    %dma_start3A_197 = arith.constant 2 : i32
    %dma_start3A_198 = arith.constant 0 : i32
    %dma_start3A_199 = tpu.memref_slice %arg9[%dma_start3A_197, %dma_start3A_198] : memref<6x80xi32, #tpu.memory_space<vmem>> -> memref<1x80xi32, #tpu.memory_space<vmem>>
    %dma_start3A_200 = tpu.memref_squeeze %dma_start3A_199 : memref<1x80xi32, #tpu.memory_space<vmem>> -> memref<80xi32, #tpu.memory_space<vmem>>
    %dma_start3A_201 = arith.constant 0 : i32
    %dma_start3A_202 = arith.constant 0 : i32
    %dma_start3A_203 = tpu.memref_slice %arg2[%dma_start3A_201, %dma_start3A_202] : memref<10000x128xf32, #tpu.memory_space<hbm>> -> memref<10000x128xf32, #tpu.memory_space<hbm>>
    tpu.enqueue_indirect_dma source(%dma_start3A_203 : memref<10000x128xf32, #tpu.memory_space<hbm>>) target(%arg13 : memref<80x128xf32, #tpu.memory_space<vmem>>) offsets(%dma_start3A_200 : memref<80xi32, #tpu.memory_space<vmem>>) semaphore(%arg20 : memref<!tpu.dma_semaphore, #tpu.memory_space<semaphore_mem>>)
    %barrier3A = arith.constant 0 : index
    tpu.barrier barrier_id(%barrier3A)
    %dma_start3A_204 = arith.constant 0 : i32
    %dma_start3A_205 = arith.constant 0 : i32
    %dma_start3A_206 = tpu.memref_slice %arg14[%dma_start3A_205] : memref<112xf32, #tpu.memory_space<vmem>> -> memref<80xf32, #tpu.memory_space<vmem>>
    %dma_start3A_207 = arith.constant 0 : i32
    %dma_start3A_208 = tpu.memref_slice %arg10[%dma_start3A_204, %dma_start3A_207] : memref<125x80xi32, #tpu.memory_space<vmem>> -> memref<1x80xi32, #tpu.memory_space<vmem>>
    %dma_start3A_209 = tpu.memref_squeeze %dma_start3A_208 : memref<1x80xi32, #tpu.memory_space<vmem>> -> memref<80xi32, #tpu.memory_space<vmem>>
    %dma_start3A_210 = arith.constant 0 : i32
    %dma_start3A_211 = tpu.memref_slice %arg17[%dma_start3A_210] : memref<10000xf32, #tpu.memory_space<vmem_shared>> -> memref<10000xf32, #tpu.memory_space<vmem_shared>>
    tpu.enqueue_indirect_dma source(%dma_start3A_206 : memref<80xf32, #tpu.memory_space<vmem>>) target(%dma_start3A_211 : memref<10000xf32, #tpu.memory_space<vmem_shared>>) offsets(%dma_start3A_209 : memref<80xi32, #tpu.memory_space<vmem>>) semaphore(%arg27 : memref<!tpu.dma_semaphore, #tpu.memory_space<semaphore_mem>>) {add = true}
    %dma_start3A_212 = arith.constant 1 : i32
    %dma_start3A_213 = arith.constant 0 : i32
    %dma_start3A_214 = tpu.memref_slice %arg14[%dma_start3A_213] : memref<112xf32, #tpu.memory_space<vmem>> -> memref<80xf32, #tpu.memory_space<vmem>>
    %dma_start3A_215 = arith.constant 0 : i32
    %dma_start3A_216 = tpu.memref_slice %arg10[%dma_start3A_212, %dma_start3A_215] : memref<125x80xi32, #tpu.memory_space<vmem>> -> memref<1x80xi32, #tpu.memory_space<vmem>>
    %dma_start3A_217 = tpu.memref_squeeze %dma_start3A_216 : memref<1x80xi32, #tpu.memory_space<vmem>> -> memref<80xi32, #tpu.memory_space<vmem>>
    %dma_start3A_218 = arith.constant 0 : i32
    %dma_start3A_219 = tpu.memref_slice %arg17[%dma_start3A_218] : memref<10000xf32, #tpu.memory_space<vmem_shared>> -> memref<10000xf32, #tpu.memory_space<vmem_shared>>
    tpu.enqueue_indirect_dma source(%dma_start3A_214 : memref<80xf32, #tpu.memory_space<vmem>>) target(%dma_start3A_219 : memref<10000xf32, #tpu.memory_space<vmem_shared>>) offsets(%dma_start3A_217 : memref<80xi32, #tpu.memory_space<vmem>>) semaphore(%arg28 : memref<!tpu.dma_semaphore, #tpu.memory_space<semaphore_mem>>) {add = true}
    %scan3A_220 = arith.constant 0 : i32
    %scan3A_221 = arith.constant 20 : i32
    %scan3A_222 = arith.addi %scan3A_220, %scan3A_221 : i32
    %scan3A_223 = arith.constant 1 : i32
    scf.for %scan3A_460 = %scan3A_220 to %scan3A_222 step %scan3A_223  : i32 {
      %mul3A_461 = arith.constant 1 : i32
      %mul3A_462 = arith.muli %scan3A_460, %mul3A_461 : i32
      %add3A_463 = arith.constant 0 : i32
      %add3A_464 = arith.addi %add3A_463, %mul3A_462 : i32
      %mul3A_465 = arith.constant 6 : i32
      %mul3A_466 = arith.muli %mul3A_465, %add3A_464 : i32
      %add3A_467 = arith.constant 0 : i32
      %add3A_468 = arith.addi %mul3A_466, %add3A_467 : i32
      %dma_wait3A_469 = arith.constant 0 : i32
      %dma_wait3A_470 = arith.constant 0 : i32
      %dma_wait3A_471 = tpu.memref_slice %arg9[%dma_wait3A_469, %dma_wait3A_470] : memref<6x80xi32, #tpu.memory_space<vmem>> -> memref<1x80xi32, #tpu.memory_space<vmem>>
      %dma_wait3A_472 = tpu.memref_squeeze %dma_wait3A_471 : memref<1x80xi32, #tpu.memory_space<vmem>> -> memref<80xi32, #tpu.memory_space<vmem>>
      %dma_wait3A_473 = arith.constant 0 : i32
      %dma_wait3A_474 = arith.constant 0 : i32
      %dma_wait3A_475 = tpu.memref_slice %arg2[%dma_wait3A_473, %dma_wait3A_474] : memref<10000x128xf32, #tpu.memory_space<hbm>> -> memref<10000x128xf32, #tpu.memory_space<hbm>>
      tpu.wait_indirect_dma semaphore(%arg18 : memref<!tpu.dma_semaphore, #tpu.memory_space<semaphore_mem>>) src(%dma_wait3A_475 : memref<10000x128xf32, #tpu.memory_space<hbm>>) dst(%arg11 : memref<80x128xf32, #tpu.memory_space<vmem>>)
      "tpu.region"() ({
        %run_scoped3A_827 = tpu.sem_alloc : memref<!tpu.dma_semaphore, #tpu.memory_space<semaphore_mem>>
        %dma_start3A_828 = arith.constant 0 : i32
        %dma_start3A_829 = tpu.memref_slice %arg10[%add3A_468, %dma_start3A_828] : memref<125x80xi32, #tpu.memory_space<vmem>> -> memref<1x80xi32, #tpu.memory_space<vmem>>
        %dma_start3A_830 = tpu.memref_squeeze %dma_start3A_829 : memref<1x80xi32, #tpu.memory_space<vmem>> -> memref<80xi32, #tpu.memory_space<vmem>>
        %dma_start3A_831 = arith.constant 0 : i32
        %dma_start3A_832 = arith.constant 0 : i32
        %dma_start3A_833 = tpu.memref_slice %arg16[%dma_start3A_831, %dma_start3A_832] : memref<10000x128xf32, #tpu.memory_space<vmem_shared>> -> memref<10000x128xf32, #tpu.memory_space<vmem_shared>>
        tpu.enqueue_indirect_dma source(%arg11 : memref<80x128xf32, #tpu.memory_space<vmem>>) target(%dma_start3A_833 : memref<10000x128xf32, #tpu.memory_space<vmem_shared>>) offsets(%dma_start3A_830 : memref<80xi32, #tpu.memory_space<vmem>>) semaphore(%run_scoped3A_827 : memref<!tpu.dma_semaphore, #tpu.memory_space<semaphore_mem>>) {add = true}
        %dma_wait3A_834 = arith.constant 0 : i32
        %dma_wait3A_835 = tpu.memref_slice %arg10[%add3A_468, %dma_wait3A_834] : memref<125x80xi32, #tpu.memory_space<vmem>> -> memref<1x80xi32, #tpu.memory_space<vmem>>
        %dma_wait3A_836 = tpu.memref_squeeze %dma_wait3A_835 : memref<1x80xi32, #tpu.memory_space<vmem>> -> memref<80xi32, #tpu.memory_space<vmem>>
        %dma_wait3A_837 = arith.constant 0 : i32
        %dma_wait3A_838 = arith.constant 0 : i32
        %dma_wait3A_839 = tpu.memref_slice %arg16[%dma_wait3A_837, %dma_wait3A_838] : memref<10000x128xf32, #tpu.memory_space<vmem_shared>> -> memref<10000x128xf32, #tpu.memory_space<vmem_shared>>
        tpu.wait_indirect_dma semaphore(%run_scoped3A_827 : memref<!tpu.dma_semaphore, #tpu.memory_space<semaphore_mem>>) src(%arg11 : memref<80x128xf32, #tpu.memory_space<vmem>>) dst(%dma_wait3A_839 : memref<10000x128xf32, #tpu.memory_space<vmem_shared>>)
        tpu.yield
      }) : () -> ()
      %dma_wait3A_476 = arith.constant 0 : i32
      %dma_wait3A_477 = tpu.memref_slice %arg15[%dma_wait3A_476] : memref<640xf32, #tpu.memory_space<vmem>> -> memref<80xf32, #tpu.memory_space<vmem>>
      %dma_wait3A_478 = arith.constant 0 : i32
      %dma_wait3A_479 = tpu.memref_slice %arg6[%dma_wait3A_478] : memref<640xf32, #tpu.memory_space<hbm>> -> memref<80xf32, #tpu.memory_space<hbm>>
      %dma_wait3A_480 = arith.constant 0 : i32
      %dma_wait3A_481 = tpu.memref_slice %arg15[%dma_wait3A_480] : memref<640xf32, #tpu.memory_space<vmem>> -> memref<80xf32, #tpu.memory_space<vmem>>
      %dma_wait3A_482 = arith.constant 0 : i32
      %dma_wait3A_483 = tpu.memref_slice %arg6[%dma_wait3A_482] : memref<640xf32, #tpu.memory_space<hbm>> -> memref<80xf32, #tpu.memory_space<hbm>>
      tpu.wait_dma2 semaphore(%arg27 : memref<!tpu.dma_semaphore, #tpu.memory_space<semaphore_mem>>) src(%dma_wait3A_483 : memref<80xf32, #tpu.memory_space<hbm>>) dst(%dma_wait3A_481 : memref<80xf32, #tpu.memory_space<vmem>>)
      %add3A_484 = arith.constant 2 : i32
      %add3A_485 = arith.addi %add3A_468, %add3A_484 : i32
      %dma_start3A_486 = arith.constant 0 : i32
      %dma_start3A_487 = tpu.memref_slice %arg14[%dma_start3A_486] : memref<112xf32, #tpu.memory_space<vmem>> -> memref<80xf32, #tpu.memory_space<vmem>>
      %dma_start3A_488 = arith.constant 0 : i32
      %dma_start3A_489 = tpu.memref_slice %arg10[%add3A_485, %dma_start3A_488] : memref<125x80xi32, #tpu.memory_space<vmem>> -> memref<1x80xi32, #tpu.memory_space<vmem>>
      %dma_start3A_490 = tpu.memref_squeeze %dma_start3A_489 : memref<1x80xi32, #tpu.memory_space<vmem>> -> memref<80xi32, #tpu.memory_space<vmem>>
      %dma_start3A_491 = arith.constant 0 : i32
      %dma_start3A_492 = tpu.memref_slice %arg17[%dma_start3A_491] : memref<10000xf32, #tpu.memory_space<vmem_shared>> -> memref<10000xf32, #tpu.memory_space<vmem_shared>>
      tpu.enqueue_indirect_dma source(%dma_start3A_487 : memref<80xf32, #tpu.memory_space<vmem>>) target(%dma_start3A_492 : memref<10000xf32, #tpu.memory_space<vmem_shared>>) offsets(%dma_start3A_490 : memref<80xi32, #tpu.memory_space<vmem>>) semaphore(%arg27 : memref<!tpu.dma_semaphore, #tpu.memory_space<semaphore_mem>>) {add = true}
      %add3A_493 = arith.constant 3 : i32
      %add3A_494 = arith.addi %add3A_468, %add3A_493 : i32
      %dma_wait3A_495 = arith.constant 3 : i32
      %dma_wait3A_496 = arith.constant 0 : i32
      %dma_wait3A_497 = tpu.memref_slice %arg9[%dma_wait3A_495, %dma_wait3A_496] : memref<6x80xi32, #tpu.memory_space<vmem>> -> memref<1x80xi32, #tpu.memory_space<vmem>>
      %dma_wait3A_498 = tpu.memref_squeeze %dma_wait3A_497 : memref<1x80xi32, #tpu.memory_space<vmem>> -> memref<80xi32, #tpu.memory_space<vmem>>
      %dma_wait3A_499 = arith.constant 0 : i32
      %dma_wait3A_500 = tpu.memref_slice %arg3[%dma_wait3A_499] : memref<320000xi32, #tpu.memory_space<hbm>> -> memref<80xi32, #tpu.memory_space<hbm>>
      %dma_wait3A_501 = arith.constant 0 : i32
      %dma_wait3A_502 = tpu.memref_slice %arg9[%dma_wait3A_495, %dma_wait3A_501] : memref<6x80xi32, #tpu.memory_space<vmem>> -> memref<1x80xi32, #tpu.memory_space<vmem>>
      %dma_wait3A_503 = tpu.memref_squeeze %dma_wait3A_502 : memref<1x80xi32, #tpu.memory_space<vmem>> -> memref<80xi32, #tpu.memory_space<vmem>>
      %dma_wait3A_504 = arith.constant 0 : i32
      %dma_wait3A_505 = tpu.memref_slice %arg3[%dma_wait3A_504] : memref<320000xi32, #tpu.memory_space<hbm>> -> memref<80xi32, #tpu.memory_space<hbm>>
      tpu.wait_dma2 semaphore(%arg24 : memref<!tpu.dma_semaphore, #tpu.memory_space<semaphore_mem>>) src(%dma_wait3A_505 : memref<80xi32, #tpu.memory_space<hbm>>) dst(%dma_wait3A_503 : memref<80xi32, #tpu.memory_space<vmem>>)
      %dma_start3A_506 = arith.constant 3 : i32
      %dma_start3A_507 = arith.constant 0 : i32
      %dma_start3A_508 = tpu.memref_slice %arg9[%dma_start3A_506, %dma_start3A_507] : memref<6x80xi32, #tpu.memory_space<vmem>> -> memref<1x80xi32, #tpu.memory_space<vmem>>
      %dma_start3A_509 = tpu.memref_squeeze %dma_start3A_508 : memref<1x80xi32, #tpu.memory_space<vmem>> -> memref<80xi32, #tpu.memory_space<vmem>>
      %dma_start3A_510 = arith.constant 0 : i32
      %dma_start3A_511 = arith.constant 0 : i32
      %dma_start3A_512 = tpu.memref_slice %arg2[%dma_start3A_510, %dma_start3A_511] : memref<10000x128xf32, #tpu.memory_space<hbm>> -> memref<10000x128xf32, #tpu.memory_space<hbm>>
      tpu.enqueue_indirect_dma source(%dma_start3A_512 : memref<10000x128xf32, #tpu.memory_space<hbm>>) target(%arg11 : memref<80x128xf32, #tpu.memory_space<vmem>>) offsets(%dma_start3A_509 : memref<80xi32, #tpu.memory_space<vmem>>) semaphore(%arg18 : memref<!tpu.dma_semaphore, #tpu.memory_space<semaphore_mem>>)
      %add3A_513 = arith.constant 6 : i32
      %add3A_514 = arith.addi %add3A_468, %add3A_513 : i32
      %mul3A_515 = arith.constant 10000 : i32
      %mul3A_516 = arith.muli %add3A, %mul3A_515 : i32
      %mul3A_517 = arith.constant 80 : i32
      %mul3A_518 = arith.muli %add3A_514, %mul3A_517 : i32
      %add3A_519 = arith.addi %mul3A_516, %mul3A_518 : i32
      %dma_start3A_520 = arith.constant 0 : i32
      %dma_start3A_521 = arith.constant 0 : i32
      %dma_start3A_522 = tpu.memref_slice %arg9[%dma_start3A_520, %dma_start3A_521] : memref<6x80xi32, #tpu.memory_space<vmem>> -> memref<1x80xi32, #tpu.memory_space<vmem>>
      %dma_start3A_523 = tpu.memref_squeeze %dma_start3A_522 : memref<1x80xi32, #tpu.memory_space<vmem>> -> memref<80xi32, #tpu.memory_space<vmem>>
      %dma_start3A_524 = tpu.memref_slice %arg3[%add3A_519] : memref<320000xi32, #tpu.memory_space<hbm>> -> memref<80xi32, #tpu.memory_space<hbm>>
      %dma_start3A_525 = arith.constant 0 : i32
      %dma_start3A_526 = tpu.memref_slice %arg9[%dma_start3A_520, %dma_start3A_525] : memref<6x80xi32, #tpu.memory_space<vmem>> -> memref<1x80xi32, #tpu.memory_space<vmem>>
      %dma_start3A_527 = tpu.memref_squeeze %dma_start3A_526 : memref<1x80xi32, #tpu.memory_space<vmem>> -> memref<80xi32, #tpu.memory_space<vmem>>
      %dma_start3A_528 = tpu.memref_slice %arg3[%add3A_519] : memref<320000xi32, #tpu.memory_space<hbm>> -> memref<80xi32, #tpu.memory_space<hbm>>
      tpu.enqueue_dma source(%dma_start3A_528 : memref<80xi32, #tpu.memory_space<hbm>>) target(%dma_start3A_527 : memref<80xi32, #tpu.memory_space<vmem>>) target_semaphore(%arg21 : memref<!tpu.dma_semaphore, #tpu.memory_space<semaphore_mem>>)
      %add3A_529 = arith.constant 1 : i32
      %add3A_530 = arith.addi %mul3A_466, %add3A_529 : i32
      %dma_wait3A_531 = arith.constant 0 : i32
      %dma_wait3A_532 = arith.constant 0 : i32
      %dma_wait3A_533 = tpu.memref_slice %arg9[%dma_wait3A_531, %dma_wait3A_532] : memref<6x80xi32, #tpu.memory_space<vmem>> -> memref<1x80xi32, #tpu.memory_space<vmem>>
      %dma_wait3A_534 = tpu.memref_squeeze %dma_wait3A_533 : memref<1x80xi32, #tpu.memory_space<vmem>> -> memref<80xi32, #tpu.memory_space<vmem>>
      %dma_wait3A_535 = arith.constant 0 : i32
      %dma_wait3A_536 = arith.constant 0 : i32
      %dma_wait3A_537 = tpu.memref_slice %arg2[%dma_wait3A_535, %dma_wait3A_536] : memref<10000x128xf32, #tpu.memory_space<hbm>> -> memref<10000x128xf32, #tpu.memory_space<hbm>>
      tpu.wait_indirect_dma semaphore(%arg19 : memref<!tpu.dma_semaphore, #tpu.memory_space<semaphore_mem>>) src(%dma_wait3A_537 : memref<10000x128xf32, #tpu.memory_space<hbm>>) dst(%arg12 : memref<80x128xf32, #tpu.memory_space<vmem>>)
      "tpu.region"() ({
        %run_scoped3A_827 = tpu.sem_alloc : memref<!tpu.dma_semaphore, #tpu.memory_space<semaphore_mem>>
        %dma_start3A_828 = arith.constant 0 : i32
        %dma_start3A_829 = tpu.memref_slice %arg10[%add3A_530, %dma_start3A_828] : memref<125x80xi32, #tpu.memory_space<vmem>> -> memref<1x80xi32, #tpu.memory_space<vmem>>
        %dma_start3A_830 = tpu.memref_squeeze %dma_start3A_829 : memref<1x80xi32, #tpu.memory_space<vmem>> -> memref<80xi32, #tpu.memory_space<vmem>>
        %dma_start3A_831 = arith.constant 0 : i32
        %dma_start3A_832 = arith.constant 0 : i32
        %dma_start3A_833 = tpu.memref_slice %arg16[%dma_start3A_831, %dma_start3A_832] : memref<10000x128xf32, #tpu.memory_space<vmem_shared>> -> memref<10000x128xf32, #tpu.memory_space<vmem_shared>>
        tpu.enqueue_indirect_dma source(%arg12 : memref<80x128xf32, #tpu.memory_space<vmem>>) target(%dma_start3A_833 : memref<10000x128xf32, #tpu.memory_space<vmem_shared>>) offsets(%dma_start3A_830 : memref<80xi32, #tpu.memory_space<vmem>>) semaphore(%run_scoped3A_827 : memref<!tpu.dma_semaphore, #tpu.memory_space<semaphore_mem>>) {add = true}
        %dma_wait3A_834 = arith.constant 0 : i32
        %dma_wait3A_835 = tpu.memref_slice %arg10[%add3A_530, %dma_wait3A_834] : memref<125x80xi32, #tpu.memory_space<vmem>> -> memref<1x80xi32, #tpu.memory_space<vmem>>
        %dma_wait3A_836 = tpu.memref_squeeze %dma_wait3A_835 : memref<1x80xi32, #tpu.memory_space<vmem>> -> memref<80xi32, #tpu.memory_space<vmem>>
        %dma_wait3A_837 = arith.constant 0 : i32
        %dma_wait3A_838 = arith.constant 0 : i32
        %dma_wait3A_839 = tpu.memref_slice %arg16[%dma_wait3A_837, %dma_wait3A_838] : memref<10000x128xf32, #tpu.memory_space<vmem_shared>> -> memref<10000x128xf32, #tpu.memory_space<vmem_shared>>
        tpu.wait_indirect_dma semaphore(%run_scoped3A_827 : memref<!tpu.dma_semaphore, #tpu.memory_space<semaphore_mem>>) src(%arg12 : memref<80x128xf32, #tpu.memory_space<vmem>>) dst(%dma_wait3A_839 : memref<10000x128xf32, #tpu.memory_space<vmem_shared>>)
        tpu.yield
      }) : () -> ()
      %dma_wait3A_538 = arith.constant 0 : i32
      %dma_wait3A_539 = tpu.memref_slice %arg15[%dma_wait3A_538] : memref<640xf32, #tpu.memory_space<vmem>> -> memref<80xf32, #tpu.memory_space<vmem>>
      %dma_wait3A_540 = arith.constant 0 : i32
      %dma_wait3A_541 = tpu.memref_slice %arg6[%dma_wait3A_540] : memref<640xf32, #tpu.memory_space<hbm>> -> memref<80xf32, #tpu.memory_space<hbm>>
      %dma_wait3A_542 = arith.constant 0 : i32
      %dma_wait3A_543 = tpu.memref_slice %arg15[%dma_wait3A_542] : memref<640xf32, #tpu.memory_space<vmem>> -> memref<80xf32, #tpu.memory_space<vmem>>
      %dma_wait3A_544 = arith.constant 0 : i32
      %dma_wait3A_545 = tpu.memref_slice %arg6[%dma_wait3A_544] : memref<640xf32, #tpu.memory_space<hbm>> -> memref<80xf32, #tpu.memory_space<hbm>>
      tpu.wait_dma2 semaphore(%arg28 : memref<!tpu.dma_semaphore, #tpu.memory_space<semaphore_mem>>) src(%dma_wait3A_545 : memref<80xf32, #tpu.memory_space<hbm>>) dst(%dma_wait3A_543 : memref<80xf32, #tpu.memory_space<vmem>>)
      %add3A_546 = arith.constant 2 : i32
      %add3A_547 = arith.addi %add3A_530, %add3A_546 : i32
      %dma_start3A_548 = arith.constant 0 : i32
      %dma_start3A_549 = tpu.memref_slice %arg14[%dma_start3A_548] : memref<112xf32, #tpu.memory_space<vmem>> -> memref<80xf32, #tpu.memory_space<vmem>>
      %dma_start3A_550 = arith.constant 0 : i32
      %dma_start3A_551 = tpu.memref_slice %arg10[%add3A_547, %dma_start3A_550] : memref<125x80xi32, #tpu.memory_space<vmem>> -> memref<1x80xi32, #tpu.memory_space<vmem>>
      %dma_start3A_552 = tpu.memref_squeeze %dma_start3A_551 : memref<1x80xi32, #tpu.memory_space<vmem>> -> memref<80xi32, #tpu.memory_space<vmem>>
      %dma_start3A_553 = arith.constant 0 : i32
      %dma_start3A_554 = tpu.memref_slice %arg17[%dma_start3A_553] : memref<10000xf32, #tpu.memory_space<vmem_shared>> -> memref<10000xf32, #tpu.memory_space<vmem_shared>>
      tpu.enqueue_indirect_dma source(%dma_start3A_549 : memref<80xf32, #tpu.memory_space<vmem>>) target(%dma_start3A_554 : memref<10000xf32, #tpu.memory_space<vmem_shared>>) offsets(%dma_start3A_552 : memref<80xi32, #tpu.memory_space<vmem>>) semaphore(%arg28 : memref<!tpu.dma_semaphore, #tpu.memory_space<semaphore_mem>>) {add = true}
      %add3A_555 = arith.constant 3 : i32
      %add3A_556 = arith.addi %add3A_530, %add3A_555 : i32
      %dma_wait3A_557 = arith.constant 4 : i32
      %dma_wait3A_558 = arith.constant 0 : i32
      %dma_wait3A_559 = tpu.memref_slice %arg9[%dma_wait3A_557, %dma_wait3A_558] : memref<6x80xi32, #tpu.memory_space<vmem>> -> memref<1x80xi32, #tpu.memory_space<vmem>>
      %dma_wait3A_560 = tpu.memref_squeeze %dma_wait3A_559 : memref<1x80xi32, #tpu.memory_space<vmem>> -> memref<80xi32, #tpu.memory_space<vmem>>
      %dma_wait3A_561 = arith.constant 0 : i32
      %dma_wait3A_562 = tpu.memref_slice %arg3[%dma_wait3A_561] : memref<320000xi32, #tpu.memory_space<hbm>> -> memref<80xi32, #tpu.memory_space<hbm>>
      %dma_wait3A_563 = arith.constant 0 : i32
      %dma_wait3A_564 = tpu.memref_slice %arg9[%dma_wait3A_557, %dma_wait3A_563] : memref<6x80xi32, #tpu.memory_space<vmem>> -> memref<1x80xi32, #tpu.memory_space<vmem>>
      %dma_wait3A_565 = tpu.memref_squeeze %dma_wait3A_564 : memref<1x80xi32, #tpu.memory_space<vmem>> -> memref<80xi32, #tpu.memory_space<vmem>>
      %dma_wait3A_566 = arith.constant 0 : i32
      %dma_wait3A_567 = tpu.memref_slice %arg3[%dma_wait3A_566] : memref<320000xi32, #tpu.memory_space<hbm>> -> memref<80xi32, #tpu.memory_space<hbm>>
      tpu.wait_dma2 semaphore(%arg25 : memref<!tpu.dma_semaphore, #tpu.memory_space<semaphore_mem>>) src(%dma_wait3A_567 : memref<80xi32, #tpu.memory_space<hbm>>) dst(%dma_wait3A_565 : memref<80xi32, #tpu.memory_space<vmem>>)
      %dma_start3A_568 = arith.constant 4 : i32
      %dma_start3A_569 = arith.constant 0 : i32
      %dma_start3A_570 = tpu.memref_slice %arg9[%dma_start3A_568, %dma_start3A_569] : memref<6x80xi32, #tpu.memory_space<vmem>> -> memref<1x80xi32, #tpu.memory_space<vmem>>
      %dma_start3A_571 = tpu.memref_squeeze %dma_start3A_570 : memref<1x80xi32, #tpu.memory_space<vmem>> -> memref<80xi32, #tpu.memory_space<vmem>>
      %dma_start3A_572 = arith.constant 0 : i32
      %dma_start3A_573 = arith.constant 0 : i32
      %dma_start3A_574 = tpu.memref_slice %arg2[%dma_start3A_572, %dma_start3A_573] : memref<10000x128xf32, #tpu.memory_space<hbm>> -> memref<10000x128xf32, #tpu.memory_space<hbm>>
      tpu.enqueue_indirect_dma source(%dma_start3A_574 : memref<10000x128xf32, #tpu.memory_space<hbm>>) target(%arg12 : memref<80x128xf32, #tpu.memory_space<vmem>>) offsets(%dma_start3A_571 : memref<80xi32, #tpu.memory_space<vmem>>) semaphore(%arg19 : memref<!tpu.dma_semaphore, #tpu.memory_space<semaphore_mem>>)
      %add3A_575 = arith.constant 6 : i32
      %add3A_576 = arith.addi %add3A_530, %add3A_575 : i32
      %mul3A_577 = arith.constant 10000 : i32
      %mul3A_578 = arith.muli %add3A, %mul3A_577 : i32
      %mul3A_579 = arith.constant 80 : i32
      %mul3A_580 = arith.muli %add3A_576, %mul3A_579 : i32
      %add3A_581 = arith.addi %mul3A_578, %mul3A_580 : i32
      %dma_start3A_582 = arith.constant 1 : i32
      %dma_start3A_583 = arith.constant 0 : i32
      %dma_start3A_584 = tpu.memref_slice %arg9[%dma_start3A_582, %dma_start3A_583] : memref<6x80xi32, #tpu.memory_space<vmem>> -> memref<1x80xi32, #tpu.memory_space<vmem>>
      %dma_start3A_585 = tpu.memref_squeeze %dma_start3A_584 : memref<1x80xi32, #tpu.memory_space<vmem>> -> memref<80xi32, #tpu.memory_space<vmem>>
      %dma_start3A_586 = tpu.memref_slice %arg3[%add3A_581] : memref<320000xi32, #tpu.memory_space<hbm>> -> memref<80xi32, #tpu.memory_space<hbm>>
      %dma_start3A_587 = arith.constant 0 : i32
      %dma_start3A_588 = tpu.memref_slice %arg9[%dma_start3A_582, %dma_start3A_587] : memref<6x80xi32, #tpu.memory_space<vmem>> -> memref<1x80xi32, #tpu.memory_space<vmem>>
      %dma_start3A_589 = tpu.memref_squeeze %dma_start3A_588 : memref<1x80xi32, #tpu.memory_space<vmem>> -> memref<80xi32, #tpu.memory_space<vmem>>
      %dma_start3A_590 = tpu.memref_slice %arg3[%add3A_581] : memref<320000xi32, #tpu.memory_space<hbm>> -> memref<80xi32, #tpu.memory_space<hbm>>
      tpu.enqueue_dma source(%dma_start3A_590 : memref<80xi32, #tpu.memory_space<hbm>>) target(%dma_start3A_589 : memref<80xi32, #tpu.memory_space<vmem>>) target_semaphore(%arg22 : memref<!tpu.dma_semaphore, #tpu.memory_space<semaphore_mem>>)
      %add3A_591 = arith.constant 2 : i32
      %add3A_592 = arith.addi %mul3A_466, %add3A_591 : i32
      %dma_wait3A_593 = arith.constant 0 : i32
      %dma_wait3A_594 = arith.constant 0 : i32
      %dma_wait3A_595 = tpu.memref_slice %arg9[%dma_wait3A_593, %dma_wait3A_594] : memref<6x80xi32, #tpu.memory_space<vmem>> -> memref<1x80xi32, #tpu.memory_space<vmem>>
      %dma_wait3A_596 = tpu.memref_squeeze %dma_wait3A_595 : memref<1x80xi32, #tpu.memory_space<vmem>> -> memref<80xi32, #tpu.memory_space<vmem>>
      %dma_wait3A_597 = arith.constant 0 : i32
      %dma_wait3A_598 = arith.constant 0 : i32
      %dma_wait3A_599 = tpu.memref_slice %arg2[%dma_wait3A_597, %dma_wait3A_598] : memref<10000x128xf32, #tpu.memory_space<hbm>> -> memref<10000x128xf32, #tpu.memory_space<hbm>>
      tpu.wait_indirect_dma semaphore(%arg20 : memref<!tpu.dma_semaphore, #tpu.memory_space<semaphore_mem>>) src(%dma_wait3A_599 : memref<10000x128xf32, #tpu.memory_space<hbm>>) dst(%arg13 : memref<80x128xf32, #tpu.memory_space<vmem>>)
      "tpu.region"() ({
        %run_scoped3A_827 = tpu.sem_alloc : memref<!tpu.dma_semaphore, #tpu.memory_space<semaphore_mem>>
        %dma_start3A_828 = arith.constant 0 : i32
        %dma_start3A_829 = tpu.memref_slice %arg10[%add3A_592, %dma_start3A_828] : memref<125x80xi32, #tpu.memory_space<vmem>> -> memref<1x80xi32, #tpu.memory_space<vmem>>
        %dma_start3A_830 = tpu.memref_squeeze %dma_start3A_829 : memref<1x80xi32, #tpu.memory_space<vmem>> -> memref<80xi32, #tpu.memory_space<vmem>>
        %dma_start3A_831 = arith.constant 0 : i32
        %dma_start3A_832 = arith.constant 0 : i32
        %dma_start3A_833 = tpu.memref_slice %arg16[%dma_start3A_831, %dma_start3A_832] : memref<10000x128xf32, #tpu.memory_space<vmem_shared>> -> memref<10000x128xf32, #tpu.memory_space<vmem_shared>>
        tpu.enqueue_indirect_dma source(%arg13 : memref<80x128xf32, #tpu.memory_space<vmem>>) target(%dma_start3A_833 : memref<10000x128xf32, #tpu.memory_space<vmem_shared>>) offsets(%dma_start3A_830 : memref<80xi32, #tpu.memory_space<vmem>>) semaphore(%run_scoped3A_827 : memref<!tpu.dma_semaphore, #tpu.memory_space<semaphore_mem>>) {add = true}
        %dma_wait3A_834 = arith.constant 0 : i32
        %dma_wait3A_835 = tpu.memref_slice %arg10[%add3A_592, %dma_wait3A_834] : memref<125x80xi32, #tpu.memory_space<vmem>> -> memref<1x80xi32, #tpu.memory_space<vmem>>
        %dma_wait3A_836 = tpu.memref_squeeze %dma_wait3A_835 : memref<1x80xi32, #tpu.memory_space<vmem>> -> memref<80xi32, #tpu.memory_space<vmem>>
        %dma_wait3A_837 = arith.constant 0 : i32
        %dma_wait3A_838 = arith.constant 0 : i32
        %dma_wait3A_839 = tpu.memref_slice %arg16[%dma_wait3A_837, %dma_wait3A_838] : memref<10000x128xf32, #tpu.memory_space<vmem_shared>> -> memref<10000x128xf32, #tpu.memory_space<vmem_shared>>
        tpu.wait_indirect_dma semaphore(%run_scoped3A_827 : memref<!tpu.dma_semaphore, #tpu.memory_space<semaphore_mem>>) src(%arg13 : memref<80x128xf32, #tpu.memory_space<vmem>>) dst(%dma_wait3A_839 : memref<10000x128xf32, #tpu.memory_space<vmem_shared>>)
        tpu.yield
      }) : () -> ()
      %dma_wait3A_600 = arith.constant 0 : i32
      %dma_wait3A_601 = tpu.memref_slice %arg15[%dma_wait3A_600] : memref<640xf32, #tpu.memory_space<vmem>> -> memref<80xf32, #tpu.memory_space<vmem>>
      %dma_wait3A_602 = arith.constant 0 : i32
      %dma_wait3A_603 = tpu.memref_slice %arg6[%dma_wait3A_602] : memref<640xf32, #tpu.memory_space<hbm>> -> memref<80xf32, #tpu.memory_space<hbm>>
      %dma_wait3A_604 = arith.constant 0 : i32
      %dma_wait3A_605 = tpu.memref_slice %arg15[%dma_wait3A_604] : memref<640xf32, #tpu.memory_space<vmem>> -> memref<80xf32, #tpu.memory_space<vmem>>
      %dma_wait3A_606 = arith.constant 0 : i32
      %dma_wait3A_607 = tpu.memref_slice %arg6[%dma_wait3A_606] : memref<640xf32, #tpu.memory_space<hbm>> -> memref<80xf32, #tpu.memory_space<hbm>>
      tpu.wait_dma2 semaphore(%arg27 : memref<!tpu.dma_semaphore, #tpu.memory_space<semaphore_mem>>) src(%dma_wait3A_607 : memref<80xf32, #tpu.memory_space<hbm>>) dst(%dma_wait3A_605 : memref<80xf32, #tpu.memory_space<vmem>>)
      %add3A_608 = arith.constant 2 : i32
      %add3A_609 = arith.addi %add3A_592, %add3A_608 : i32
      %dma_start3A_610 = arith.constant 0 : i32
      %dma_start3A_611 = tpu.memref_slice %arg14[%dma_start3A_610] : memref<112xf32, #tpu.memory_space<vmem>> -> memref<80xf32, #tpu.memory_space<vmem>>
      %dma_start3A_612 = arith.constant 0 : i32
      %dma_start3A_613 = tpu.memref_slice %arg10[%add3A_609, %dma_start3A_612] : memref<125x80xi32, #tpu.memory_space<vmem>> -> memref<1x80xi32, #tpu.memory_space<vmem>>
      %dma_start3A_614 = tpu.memref_squeeze %dma_start3A_613 : memref<1x80xi32, #tpu.memory_space<vmem>> -> memref<80xi32, #tpu.memory_space<vmem>>
      %dma_start3A_615 = arith.constant 0 : i32
      %dma_start3A_616 = tpu.memref_slice %arg17[%dma_start3A_615] : memref<10000xf32, #tpu.memory_space<vmem_shared>> -> memref<10000xf32, #tpu.memory_space<vmem_shared>>
      tpu.enqueue_indirect_dma source(%dma_start3A_611 : memref<80xf32, #tpu.memory_space<vmem>>) target(%dma_start3A_616 : memref<10000xf32, #tpu.memory_space<vmem_shared>>) offsets(%dma_start3A_614 : memref<80xi32, #tpu.memory_space<vmem>>) semaphore(%arg27 : memref<!tpu.dma_semaphore, #tpu.memory_space<semaphore_mem>>) {add = true}
      %add3A_617 = arith.constant 3 : i32
      %add3A_618 = arith.addi %add3A_592, %add3A_617 : i32
      %dma_wait3A_619 = arith.constant 5 : i32
      %dma_wait3A_620 = arith.constant 0 : i32
      %dma_wait3A_621 = tpu.memref_slice %arg9[%dma_wait3A_619, %dma_wait3A_620] : memref<6x80xi32, #tpu.memory_space<vmem>> -> memref<1x80xi32, #tpu.memory_space<vmem>>
      %dma_wait3A_622 = tpu.memref_squeeze %dma_wait3A_621 : memref<1x80xi32, #tpu.memory_space<vmem>> -> memref<80xi32, #tpu.memory_space<vmem>>
      %dma_wait3A_623 = arith.constant 0 : i32
      %dma_wait3A_624 = tpu.memref_slice %arg3[%dma_wait3A_623] : memref<320000xi32, #tpu.memory_space<hbm>> -> memref<80xi32, #tpu.memory_space<hbm>>
      %dma_wait3A_625 = arith.constant 0 : i32
      %dma_wait3A_626 = tpu.memref_slice %arg9[%dma_wait3A_619, %dma_wait3A_625] : memref<6x80xi32, #tpu.memory_space<vmem>> -> memref<1x80xi32, #tpu.memory_space<vmem>>
      %dma_wait3A_627 = tpu.memref_squeeze %dma_wait3A_626 : memref<1x80xi32, #tpu.memory_space<vmem>> -> memref<80xi32, #tpu.memory_space<vmem>>
      %dma_wait3A_628 = arith.constant 0 : i32
      %dma_wait3A_629 = tpu.memref_slice %arg3[%dma_wait3A_628] : memref<320000xi32, #tpu.memory_space<hbm>> -> memref<80xi32, #tpu.memory_space<hbm>>
      tpu.wait_dma2 semaphore(%arg26 : memref<!tpu.dma_semaphore, #tpu.memory_space<semaphore_mem>>) src(%dma_wait3A_629 : memref<80xi32, #tpu.memory_space<hbm>>) dst(%dma_wait3A_627 : memref<80xi32, #tpu.memory_space<vmem>>)
      %dma_start3A_630 = arith.constant 5 : i32
      %dma_start3A_631 = arith.constant 0 : i32
      %dma_start3A_632 = tpu.memref_slice %arg9[%dma_start3A_630, %dma_start3A_631] : memref<6x80xi32, #tpu.memory_space<vmem>> -> memref<1x80xi32, #tpu.memory_space<vmem>>
      %dma_start3A_633 = tpu.memref_squeeze %dma_start3A_632 : memref<1x80xi32, #tpu.memory_space<vmem>> -> memref<80xi32, #tpu.memory_space<vmem>>
      %dma_start3A_634 = arith.constant 0 : i32
      %dma_start3A_635 = arith.constant 0 : i32
      %dma_start3A_636 = tpu.memref_slice %arg2[%dma_start3A_634, %dma_start3A_635] : memref<10000x128xf32, #tpu.memory_space<hbm>> -> memref<10000x128xf32, #tpu.memory_space<hbm>>
      tpu.enqueue_indirect_dma source(%dma_start3A_636 : memref<10000x128xf32, #tpu.memory_space<hbm>>) target(%arg13 : memref<80x128xf32, #tpu.memory_space<vmem>>) offsets(%dma_start3A_633 : memref<80xi32, #tpu.memory_space<vmem>>) semaphore(%arg20 : memref<!tpu.dma_semaphore, #tpu.memory_space<semaphore_mem>>)
      %add3A_637 = arith.constant 6 : i32
      %add3A_638 = arith.addi %add3A_592, %add3A_637 : i32
      %mul3A_639 = arith.constant 10000 : i32
      %mul3A_640 = arith.muli %add3A, %mul3A_639 : i32
      %mul3A_641 = arith.constant 80 : i32
      %mul3A_642 = arith.muli %add3A_638, %mul3A_641 : i32
      %add3A_643 = arith.addi %mul3A_640, %mul3A_642 : i32
      %dma_start3A_644 = arith.constant 2 : i32
      %dma_start3A_645 = arith.constant 0 : i32
      %dma_start3A_646 = tpu.memref_slice %arg9[%dma_start3A_644, %dma_start3A_645] : memref<6x80xi32, #tpu.memory_space<vmem>> -> memref<1x80xi32, #tpu.memory_space<vmem>>
      %dma_start3A_647 = tpu.memref_squeeze %dma_start3A_646 : memref<1x80xi32, #tpu.memory_space<vmem>> -> memref<80xi32, #tpu.memory_space<vmem>>
      %dma_start3A_648 = tpu.memref_slice %arg3[%add3A_643] : memref<320000xi32, #tpu.memory_space<hbm>> -> memref<80xi32, #tpu.memory_space<hbm>>
      %dma_start3A_649 = arith.constant 0 : i32
      %dma_start3A_650 = tpu.memref_slice %arg9[%dma_start3A_644, %dma_start3A_649] : memref<6x80xi32, #tpu.memory_space<vmem>> -> memref<1x80xi32, #tpu.memory_space<vmem>>
      %dma_start3A_651 = tpu.memref_squeeze %dma_start3A_650 : memref<1x80xi32, #tpu.memory_space<vmem>> -> memref<80xi32, #tpu.memory_space<vmem>>
      %dma_start3A_652 = tpu.memref_slice %arg3[%add3A_643] : memref<320000xi32, #tpu.memory_space<hbm>> -> memref<80xi32, #tpu.memory_space<hbm>>
      tpu.enqueue_dma source(%dma_start3A_652 : memref<80xi32, #tpu.memory_space<hbm>>) target(%dma_start3A_651 : memref<80xi32, #tpu.memory_space<vmem>>) target_semaphore(%arg23 : memref<!tpu.dma_semaphore, #tpu.memory_space<semaphore_mem>>)
      %add3A_653 = arith.constant 3 : i32
      %add3A_654 = arith.addi %mul3A_466, %add3A_653 : i32
      %dma_wait3A_655 = arith.constant 0 : i32
      %dma_wait3A_656 = arith.constant 0 : i32
      %dma_wait3A_657 = tpu.memref_slice %arg9[%dma_wait3A_655, %dma_wait3A_656] : memref<6x80xi32, #tpu.memory_space<vmem>> -> memref<1x80xi32, #tpu.memory_space<vmem>>
      %dma_wait3A_658 = tpu.memref_squeeze %dma_wait3A_657 : memref<1x80xi32, #tpu.memory_space<vmem>> -> memref<80xi32, #tpu.memory_space<vmem>>
      %dma_wait3A_659 = arith.constant 0 : i32
      %dma_wait3A_660 = arith.constant 0 : i32
      %dma_wait3A_661 = tpu.memref_slice %arg2[%dma_wait3A_659, %dma_wait3A_660] : memref<10000x128xf32, #tpu.memory_space<hbm>> -> memref<10000x128xf32, #tpu.memory_space<hbm>>
      tpu.wait_indirect_dma semaphore(%arg18 : memref<!tpu.dma_semaphore, #tpu.memory_space<semaphore_mem>>) src(%dma_wait3A_661 : memref<10000x128xf32, #tpu.memory_space<hbm>>) dst(%arg11 : memref<80x128xf32, #tpu.memory_space<vmem>>)
      "tpu.region"() ({
        %run_scoped3A_827 = tpu.sem_alloc : memref<!tpu.dma_semaphore, #tpu.memory_space<semaphore_mem>>
        %dma_start3A_828 = arith.constant 0 : i32
        %dma_start3A_829 = tpu.memref_slice %arg10[%add3A_654, %dma_start3A_828] : memref<125x80xi32, #tpu.memory_space<vmem>> -> memref<1x80xi32, #tpu.memory_space<vmem>>
        %dma_start3A_830 = tpu.memref_squeeze %dma_start3A_829 : memref<1x80xi32, #tpu.memory_space<vmem>> -> memref<80xi32, #tpu.memory_space<vmem>>
        %dma_start3A_831 = arith.constant 0 : i32
        %dma_start3A_832 = arith.constant 0 : i32
        %dma_start3A_833 = tpu.memref_slice %arg16[%dma_start3A_831, %dma_start3A_832] : memref<10000x128xf32, #tpu.memory_space<vmem_shared>> -> memref<10000x128xf32, #tpu.memory_space<vmem_shared>>
        tpu.enqueue_indirect_dma source(%arg11 : memref<80x128xf32, #tpu.memory_space<vmem>>) target(%dma_start3A_833 : memref<10000x128xf32, #tpu.memory_space<vmem_shared>>) offsets(%dma_start3A_830 : memref<80xi32, #tpu.memory_space<vmem>>) semaphore(%run_scoped3A_827 : memref<!tpu.dma_semaphore, #tpu.memory_space<semaphore_mem>>) {add = true}
        %dma_wait3A_834 = arith.constant 0 : i32
        %dma_wait3A_835 = tpu.memref_slice %arg10[%add3A_654, %dma_wait3A_834] : memref<125x80xi32, #tpu.memory_space<vmem>> -> memref<1x80xi32, #tpu.memory_space<vmem>>
        %dma_wait3A_836 = tpu.memref_squeeze %dma_wait3A_835 : memref<1x80xi32, #tpu.memory_space<vmem>> -> memref<80xi32, #tpu.memory_space<vmem>>
        %dma_wait3A_837 = arith.constant 0 : i32
        %dma_wait3A_838 = arith.constant 0 : i32
        %dma_wait3A_839 = tpu.memref_slice %arg16[%dma_wait3A_837, %dma_wait3A_838] : memref<10000x128xf32, #tpu.memory_space<vmem_shared>> -> memref<10000x128xf32, #tpu.memory_space<vmem_shared>>
        tpu.wait_indirect_dma semaphore(%run_scoped3A_827 : memref<!tpu.dma_semaphore, #tpu.memory_space<semaphore_mem>>) src(%arg11 : memref<80x128xf32, #tpu.memory_space<vmem>>) dst(%dma_wait3A_839 : memref<10000x128xf32, #tpu.memory_space<vmem_shared>>)
        tpu.yield
      }) : () -> ()
      %dma_wait3A_662 = arith.constant 0 : i32
      %dma_wait3A_663 = tpu.memref_slice %arg15[%dma_wait3A_662] : memref<640xf32, #tpu.memory_space<vmem>> -> memref<80xf32, #tpu.memory_space<vmem>>
      %dma_wait3A_664 = arith.constant 0 : i32
      %dma_wait3A_665 = tpu.memref_slice %arg6[%dma_wait3A_664] : memref<640xf32, #tpu.memory_space<hbm>> -> memref<80xf32, #tpu.memory_space<hbm>>
      %dma_wait3A_666 = arith.constant 0 : i32
      %dma_wait3A_667 = tpu.memref_slice %arg15[%dma_wait3A_666] : memref<640xf32, #tpu.memory_space<vmem>> -> memref<80xf32, #tpu.memory_space<vmem>>
      %dma_wait3A_668 = arith.constant 0 : i32
      %dma_wait3A_669 = tpu.memref_slice %arg6[%dma_wait3A_668] : memref<640xf32, #tpu.memory_space<hbm>> -> memref<80xf32, #tpu.memory_space<hbm>>
      tpu.wait_dma2 semaphore(%arg28 : memref<!tpu.dma_semaphore, #tpu.memory_space<semaphore_mem>>) src(%dma_wait3A_669 : memref<80xf32, #tpu.memory_space<hbm>>) dst(%dma_wait3A_667 : memref<80xf32, #tpu.memory_space<vmem>>)
      %add3A_670 = arith.constant 2 : i32
      %add3A_671 = arith.addi %add3A_654, %add3A_670 : i32
      %dma_start3A_672 = arith.constant 0 : i32
      %dma_start3A_673 = tpu.memref_slice %arg14[%dma_start3A_672] : memref<112xf32, #tpu.memory_space<vmem>> -> memref<80xf32, #tpu.memory_space<vmem>>
      %dma_start3A_674 = arith.constant 0 : i32
      %dma_start3A_675 = tpu.memref_slice %arg10[%add3A_671, %dma_start3A_674] : memref<125x80xi32, #tpu.memory_space<vmem>> -> memref<1x80xi32, #tpu.memory_space<vmem>>
      %dma_start3A_676 = tpu.memref_squeeze %dma_start3A_675 : memref<1x80xi32, #tpu.memory_space<vmem>> -> memref<80xi32, #tpu.memory_space<vmem>>
      %dma_start3A_677 = arith.constant 0 : i32
      %dma_start3A_678 = tpu.memref_slice %arg17[%dma_start3A_677] : memref<10000xf32, #tpu.memory_space<vmem_shared>> -> memref<10000xf32, #tpu.memory_space<vmem_shared>>
      tpu.enqueue_indirect_dma source(%dma_start3A_673 : memref<80xf32, #tpu.memory_space<vmem>>) target(%dma_start3A_678 : memref<10000xf32, #tpu.memory_space<vmem_shared>>) offsets(%dma_start3A_676 : memref<80xi32, #tpu.memory_space<vmem>>) semaphore(%arg28 : memref<!tpu.dma_semaphore, #tpu.memory_space<semaphore_mem>>) {add = true}
      %add3A_679 = arith.constant 3 : i32
      %add3A_680 = arith.addi %add3A_654, %add3A_679 : i32
      %dma_wait3A_681 = arith.constant 0 : i32
      %dma_wait3A_682 = arith.constant 0 : i32
      %dma_wait3A_683 = tpu.memref_slice %arg9[%dma_wait3A_681, %dma_wait3A_682] : memref<6x80xi32, #tpu.memory_space<vmem>> -> memref<1x80xi32, #tpu.memory_space<vmem>>
      %dma_wait3A_684 = tpu.memref_squeeze %dma_wait3A_683 : memref<1x80xi32, #tpu.memory_space<vmem>> -> memref<80xi32, #tpu.memory_space<vmem>>
      %dma_wait3A_685 = arith.constant 0 : i32
      %dma_wait3A_686 = tpu.memref_slice %arg3[%dma_wait3A_685] : memref<320000xi32, #tpu.memory_space<hbm>> -> memref<80xi32, #tpu.memory_space<hbm>>
      %dma_wait3A_687 = arith.constant 0 : i32
      %dma_wait3A_688 = tpu.memref_slice %arg9[%dma_wait3A_681, %dma_wait3A_687] : memref<6x80xi32, #tpu.memory_space<vmem>> -> memref<1x80xi32, #tpu.memory_space<vmem>>
      %dma_wait3A_689 = tpu.memref_squeeze %dma_wait3A_688 : memref<1x80xi32, #tpu.memory_space<vmem>> -> memref<80xi32, #tpu.memory_space<vmem>>
      %dma_wait3A_690 = arith.constant 0 : i32
      %dma_wait3A_691 = tpu.memref_slice %arg3[%dma_wait3A_690] : memref<320000xi32, #tpu.memory_space<hbm>> -> memref<80xi32, #tpu.memory_space<hbm>>
      tpu.wait_dma2 semaphore(%arg21 : memref<!tpu.dma_semaphore, #tpu.memory_space<semaphore_mem>>) src(%dma_wait3A_691 : memref<80xi32, #tpu.memory_space<hbm>>) dst(%dma_wait3A_689 : memref<80xi32, #tpu.memory_space<vmem>>)
      %dma_start3A_692 = arith.constant 0 : i32
      %dma_start3A_693 = arith.constant 0 : i32
      %dma_start3A_694 = tpu.memref_slice %arg9[%dma_start3A_692, %dma_start3A_693] : memref<6x80xi32, #tpu.memory_space<vmem>> -> memref<1x80xi32, #tpu.memory_space<vmem>>
      %dma_start3A_695 = tpu.memref_squeeze %dma_start3A_694 : memref<1x80xi32, #tpu.memory_space<vmem>> -> memref<80xi32, #tpu.memory_space<vmem>>
      %dma_start3A_696 = arith.constant 0 : i32
      %dma_start3A_697 = arith.constant 0 : i32
      %dma_start3A_698 = tpu.memref_slice %arg2[%dma_start3A_696, %dma_start3A_697] : memref<10000x128xf32, #tpu.memory_space<hbm>> -> memref<10000x128xf32, #tpu.memory_space<hbm>>
      tpu.enqueue_indirect_dma source(%dma_start3A_698 : memref<10000x128xf32, #tpu.memory_space<hbm>>) target(%arg11 : memref<80x128xf32, #tpu.memory_space<vmem>>) offsets(%dma_start3A_695 : memref<80xi32, #tpu.memory_space<vmem>>) semaphore(%arg18 : memref<!tpu.dma_semaphore, #tpu.memory_space<semaphore_mem>>)
      %add3A_699 = arith.constant 6 : i32
      %add3A_700 = arith.addi %add3A_654, %add3A_699 : i32
      %mul3A_701 = arith.constant 10000 : i32
      %mul3A_702 = arith.muli %add3A, %mul3A_701 : i32
      %mul3A_703 = arith.constant 80 : i32
      %mul3A_704 = arith.muli %add3A_700, %mul3A_703 : i32
      %add3A_705 = arith.addi %mul3A_702, %mul3A_704 : i32
      %dma_start3A_706 = arith.constant 3 : i32
      %dma_start3A_707 = arith.constant 0 : i32
      %dma_start3A_708 = tpu.memref_slice %arg9[%dma_start3A_706, %dma_start3A_707] : memref<6x80xi32, #tpu.memory_space<vmem>> -> memref<1x80xi32, #tpu.memory_space<vmem>>
      %dma_start3A_709 = tpu.memref_squeeze %dma_start3A_708 : memref<1x80xi32, #tpu.memory_space<vmem>> -> memref<80xi32, #tpu.memory_space<vmem>>
      %dma_start3A_710 = tpu.memref_slice %arg3[%add3A_705] : memref<320000xi32, #tpu.memory_space<hbm>> -> memref<80xi32, #tpu.memory_space<hbm>>
      %dma_start3A_711 = arith.constant 0 : i32
      %dma_start3A_712 = tpu.memref_slice %arg9[%dma_start3A_706, %dma_start3A_711] : memref<6x80xi32, #tpu.memory_space<vmem>> -> memref<1x80xi32, #tpu.memory_space<vmem>>
      %dma_start3A_713 = tpu.memref_squeeze %dma_start3A_712 : memref<1x80xi32, #tpu.memory_space<vmem>> -> memref<80xi32, #tpu.memory_space<vmem>>
      %dma_start3A_714 = tpu.memref_slice %arg3[%add3A_705] : memref<320000xi32, #tpu.memory_space<hbm>> -> memref<80xi32, #tpu.memory_space<hbm>>
      tpu.enqueue_dma source(%dma_start3A_714 : memref<80xi32, #tpu.memory_space<hbm>>) target(%dma_start3A_713 : memref<80xi32, #tpu.memory_space<vmem>>) target_semaphore(%arg24 : memref<!tpu.dma_semaphore, #tpu.memory_space<semaphore_mem>>)
      %add3A_715 = arith.constant 4 : i32
      %add3A_716 = arith.addi %mul3A_466, %add3A_715 : i32
      %dma_wait3A_717 = arith.constant 0 : i32
      %dma_wait3A_718 = arith.constant 0 : i32
      %dma_wait3A_719 = tpu.memref_slice %arg9[%dma_wait3A_717, %dma_wait3A_718] : memref<6x80xi32, #tpu.memory_space<vmem>> -> memref<1x80xi32, #tpu.memory_space<vmem>>
      %dma_wait3A_720 = tpu.memref_squeeze %dma_wait3A_719 : memref<1x80xi32, #tpu.memory_space<vmem>> -> memref<80xi32, #tpu.memory_space<vmem>>
      %dma_wait3A_721 = arith.constant 0 : i32
      %dma_wait3A_722 = arith.constant 0 : i32
      %dma_wait3A_723 = tpu.memref_slice %arg2[%dma_wait3A_721, %dma_wait3A_722] : memref<10000x128xf32, #tpu.memory_space<hbm>> -> memref<10000x128xf32, #tpu.memory_space<hbm>>
      tpu.wait_indirect_dma semaphore(%arg19 : memref<!tpu.dma_semaphore, #tpu.memory_space<semaphore_mem>>) src(%dma_wait3A_723 : memref<10000x128xf32, #tpu.memory_space<hbm>>) dst(%arg12 : memref<80x128xf32, #tpu.memory_space<vmem>>)
      "tpu.region"() ({
        %run_scoped3A_827 = tpu.sem_alloc : memref<!tpu.dma_semaphore, #tpu.memory_space<semaphore_mem>>
        %dma_start3A_828 = arith.constant 0 : i32
        %dma_start3A_829 = tpu.memref_slice %arg10[%add3A_716, %dma_start3A_828] : memref<125x80xi32, #tpu.memory_space<vmem>> -> memref<1x80xi32, #tpu.memory_space<vmem>>
        %dma_start3A_830 = tpu.memref_squeeze %dma_start3A_829 : memref<1x80xi32, #tpu.memory_space<vmem>> -> memref<80xi32, #tpu.memory_space<vmem>>
        %dma_start3A_831 = arith.constant 0 : i32
        %dma_start3A_832 = arith.constant 0 : i32
        %dma_start3A_833 = tpu.memref_slice %arg16[%dma_start3A_831, %dma_start3A_832] : memref<10000x128xf32, #tpu.memory_space<vmem_shared>> -> memref<10000x128xf32, #tpu.memory_space<vmem_shared>>
        tpu.enqueue_indirect_dma source(%arg12 : memref<80x128xf32, #tpu.memory_space<vmem>>) target(%dma_start3A_833 : memref<10000x128xf32, #tpu.memory_space<vmem_shared>>) offsets(%dma_start3A_830 : memref<80xi32, #tpu.memory_space<vmem>>) semaphore(%run_scoped3A_827 : memref<!tpu.dma_semaphore, #tpu.memory_space<semaphore_mem>>) {add = true}
        %dma_wait3A_834 = arith.constant 0 : i32
        %dma_wait3A_835 = tpu.memref_slice %arg10[%add3A_716, %dma_wait3A_834] : memref<125x80xi32, #tpu.memory_space<vmem>> -> memref<1x80xi32, #tpu.memory_space<vmem>>
        %dma_wait3A_836 = tpu.memref_squeeze %dma_wait3A_835 : memref<1x80xi32, #tpu.memory_space<vmem>> -> memref<80xi32, #tpu.memory_space<vmem>>
        %dma_wait3A_837 = arith.constant 0 : i32
        %dma_wait3A_838 = arith.constant 0 : i32
        %dma_wait3A_839 = tpu.memref_slice %arg16[%dma_wait3A_837, %dma_wait3A_838] : memref<10000x128xf32, #tpu.memory_space<vmem_shared>> -> memref<10000x128xf32, #tpu.memory_space<vmem_shared>>
        tpu.wait_indirect_dma semaphore(%run_scoped3A_827 : memref<!tpu.dma_semaphore, #tpu.memory_space<semaphore_mem>>) src(%arg12 : memref<80x128xf32, #tpu.memory_space<vmem>>) dst(%dma_wait3A_839 : memref<10000x128xf32, #tpu.memory_space<vmem_shared>>)
        tpu.yield
      }) : () -> ()
      %dma_wait3A_724 = arith.constant 0 : i32
      %dma_wait3A_725 = tpu.memref_slice %arg15[%dma_wait3A_724] : memref<640xf32, #tpu.memory_space<vmem>> -> memref<80xf32, #tpu.memory_space<vmem>>
      %dma_wait3A_726 = arith.constant 0 : i32
      %dma_wait3A_727 = tpu.memref_slice %arg6[%dma_wait3A_726] : memref<640xf32, #tpu.memory_space<hbm>> -> memref<80xf32, #tpu.memory_space<hbm>>
      %dma_wait3A_728 = arith.constant 0 : i32
      %dma_wait3A_729 = tpu.memref_slice %arg15[%dma_wait3A_728] : memref<640xf32, #tpu.memory_space<vmem>> -> memref<80xf32, #tpu.memory_space<vmem>>
      %dma_wait3A_730 = arith.constant 0 : i32
      %dma_wait3A_731 = tpu.memref_slice %arg6[%dma_wait3A_730] : memref<640xf32, #tpu.memory_space<hbm>> -> memref<80xf32, #tpu.memory_space<hbm>>
      tpu.wait_dma2 semaphore(%arg27 : memref<!tpu.dma_semaphore, #tpu.memory_space<semaphore_mem>>) src(%dma_wait3A_731 : memref<80xf32, #tpu.memory_space<hbm>>) dst(%dma_wait3A_729 : memref<80xf32, #tpu.memory_space<vmem>>)
      %add3A_732 = arith.constant 2 : i32
      %add3A_733 = arith.addi %add3A_716, %add3A_732 : i32
      %dma_start3A_734 = arith.constant 0 : i32
      %dma_start3A_735 = tpu.memref_slice %arg14[%dma_start3A_734] : memref<112xf32, #tpu.memory_space<vmem>> -> memref<80xf32, #tpu.memory_space<vmem>>
      %dma_start3A_736 = arith.constant 0 : i32
      %dma_start3A_737 = tpu.memref_slice %arg10[%add3A_733, %dma_start3A_736] : memref<125x80xi32, #tpu.memory_space<vmem>> -> memref<1x80xi32, #tpu.memory_space<vmem>>
      %dma_start3A_738 = tpu.memref_squeeze %dma_start3A_737 : memref<1x80xi32, #tpu.memory_space<vmem>> -> memref<80xi32, #tpu.memory_space<vmem>>
      %dma_start3A_739 = arith.constant 0 : i32
      %dma_start3A_740 = tpu.memref_slice %arg17[%dma_start3A_739] : memref<10000xf32, #tpu.memory_space<vmem_shared>> -> memref<10000xf32, #tpu.memory_space<vmem_shared>>
      tpu.enqueue_indirect_dma source(%dma_start3A_735 : memref<80xf32, #tpu.memory_space<vmem>>) target(%dma_start3A_740 : memref<10000xf32, #tpu.memory_space<vmem_shared>>) offsets(%dma_start3A_738 : memref<80xi32, #tpu.memory_space<vmem>>) semaphore(%arg27 : memref<!tpu.dma_semaphore, #tpu.memory_space<semaphore_mem>>) {add = true}
      %add3A_741 = arith.constant 3 : i32
      %add3A_742 = arith.addi %add3A_716, %add3A_741 : i32
      %dma_wait3A_743 = arith.constant 1 : i32
      %dma_wait3A_744 = arith.constant 0 : i32
      %dma_wait3A_745 = tpu.memref_slice %arg9[%dma_wait3A_743, %dma_wait3A_744] : memref<6x80xi32, #tpu.memory_space<vmem>> -> memref<1x80xi32, #tpu.memory_space<vmem>>
      %dma_wait3A_746 = tpu.memref_squeeze %dma_wait3A_745 : memref<1x80xi32, #tpu.memory_space<vmem>> -> memref<80xi32, #tpu.memory_space<vmem>>
      %dma_wait3A_747 = arith.constant 0 : i32
      %dma_wait3A_748 = tpu.memref_slice %arg3[%dma_wait3A_747] : memref<320000xi32, #tpu.memory_space<hbm>> -> memref<80xi32, #tpu.memory_space<hbm>>
      %dma_wait3A_749 = arith.constant 0 : i32
      %dma_wait3A_750 = tpu.memref_slice %arg9[%dma_wait3A_743, %dma_wait3A_749] : memref<6x80xi32, #tpu.memory_space<vmem>> -> memref<1x80xi32, #tpu.memory_space<vmem>>
      %dma_wait3A_751 = tpu.memref_squeeze %dma_wait3A_750 : memref<1x80xi32, #tpu.memory_space<vmem>> -> memref<80xi32, #tpu.memory_space<vmem>>
      %dma_wait3A_752 = arith.constant 0 : i32
      %dma_wait3A_753 = tpu.memref_slice %arg3[%dma_wait3A_752] : memref<320000xi32, #tpu.memory_space<hbm>> -> memref<80xi32, #tpu.memory_space<hbm>>
      tpu.wait_dma2 semaphore(%arg22 : memref<!tpu.dma_semaphore, #tpu.memory_space<semaphore_mem>>) src(%dma_wait3A_753 : memref<80xi32, #tpu.memory_space<hbm>>) dst(%dma_wait3A_751 : memref<80xi32, #tpu.memory_space<vmem>>)
      %dma_start3A_754 = arith.constant 1 : i32
      %dma_start3A_755 = arith.constant 0 : i32
      %dma_start3A_756 = tpu.memref_slice %arg9[%dma_start3A_754, %dma_start3A_755] : memref<6x80xi32, #tpu.memory_space<vmem>> -> memref<1x80xi32, #tpu.memory_space<vmem>>
      %dma_start3A_757 = tpu.memref_squeeze %dma_start3A_756 : memref<1x80xi32, #tpu.memory_space<vmem>> -> memref<80xi32, #tpu.memory_space<vmem>>
      %dma_start3A_758 = arith.constant 0 : i32
      %dma_start3A_759 = arith.constant 0 : i32
      %dma_start3A_760 = tpu.memref_slice %arg2[%dma_start3A_758, %dma_start3A_759] : memref<10000x128xf32, #tpu.memory_space<hbm>> -> memref<10000x128xf32, #tpu.memory_space<hbm>>
      tpu.enqueue_indirect_dma source(%dma_start3A_760 : memref<10000x128xf32, #tpu.memory_space<hbm>>) target(%arg12 : memref<80x128xf32, #tpu.memory_space<vmem>>) offsets(%dma_start3A_757 : memref<80xi32, #tpu.memory_space<vmem>>) semaphore(%arg19 : memref<!tpu.dma_semaphore, #tpu.memory_space<semaphore_mem>>)
      %add3A_761 = arith.constant 6 : i32
      %add3A_762 = arith.addi %add3A_716, %add3A_761 : i32
      %mul3A_763 = arith.constant 10000 : i32
      %mul3A_764 = arith.muli %add3A, %mul3A_763 : i32
      %mul3A_765 = arith.constant 80 : i32
      %mul3A_766 = arith.muli %add3A_762, %mul3A_765 : i32
      %add3A_767 = arith.addi %mul3A_764, %mul3A_766 : i32
      %dma_start3A_768 = arith.constant 4 : i32
      %dma_start3A_769 = arith.constant 0 : i32
      %dma_start3A_770 = tpu.memref_slice %arg9[%dma_start3A_768, %dma_start3A_769] : memref<6x80xi32, #tpu.memory_space<vmem>> -> memref<1x80xi32, #tpu.memory_space<vmem>>
      %dma_start3A_771 = tpu.memref_squeeze %dma_start3A_770 : memref<1x80xi32, #tpu.memory_space<vmem>> -> memref<80xi32, #tpu.memory_space<vmem>>
      %dma_start3A_772 = tpu.memref_slice %arg3[%add3A_767] : memref<320000xi32, #tpu.memory_space<hbm>> -> memref<80xi32, #tpu.memory_space<hbm>>
      %dma_start3A_773 = arith.constant 0 : i32
      %dma_start3A_774 = tpu.memref_slice %arg9[%dma_start3A_768, %dma_start3A_773] : memref<6x80xi32, #tpu.memory_space<vmem>> -> memref<1x80xi32, #tpu.memory_space<vmem>>
      %dma_start3A_775 = tpu.memref_squeeze %dma_start3A_774 : memref<1x80xi32, #tpu.memory_space<vmem>> -> memref<80xi32, #tpu.memory_space<vmem>>
      %dma_start3A_776 = tpu.memref_slice %arg3[%add3A_767] : memref<320000xi32, #tpu.memory_space<hbm>> -> memref<80xi32, #tpu.memory_space<hbm>>
      tpu.enqueue_dma source(%dma_start3A_776 : memref<80xi32, #tpu.memory_space<hbm>>) target(%dma_start3A_775 : memref<80xi32, #tpu.memory_space<vmem>>) target_semaphore(%arg25 : memref<!tpu.dma_semaphore, #tpu.memory_space<semaphore_mem>>)
      %add3A_777 = arith.constant 5 : i32
      %add3A_778 = arith.addi %mul3A_466, %add3A_777 : i32
      %dma_wait3A_779 = arith.constant 0 : i32
      %dma_wait3A_780 = arith.constant 0 : i32
      %dma_wait3A_781 = tpu.memref_slice %arg9[%dma_wait3A_779, %dma_wait3A_780] : memref<6x80xi32, #tpu.memory_space<vmem>> -> memref<1x80xi32, #tpu.memory_space<vmem>>
      %dma_wait3A_782 = tpu.memref_squeeze %dma_wait3A_781 : memref<1x80xi32, #tpu.memory_space<vmem>> -> memref<80xi32, #tpu.memory_space<vmem>>
      %dma_wait3A_783 = arith.constant 0 : i32
      %dma_wait3A_784 = arith.constant 0 : i32
      %dma_wait3A_785 = tpu.memref_slice %arg2[%dma_wait3A_783, %dma_wait3A_784] : memref<10000x128xf32, #tpu.memory_space<hbm>> -> memref<10000x128xf32, #tpu.memory_space<hbm>>
      tpu.wait_indirect_dma semaphore(%arg20 : memref<!tpu.dma_semaphore, #tpu.memory_space<semaphore_mem>>) src(%dma_wait3A_785 : memref<10000x128xf32, #tpu.memory_space<hbm>>) dst(%arg13 : memref<80x128xf32, #tpu.memory_space<vmem>>)
      "tpu.region"() ({
        %run_scoped3A_827 = tpu.sem_alloc : memref<!tpu.dma_semaphore, #tpu.memory_space<semaphore_mem>>
        %dma_start3A_828 = arith.constant 0 : i32
        %dma_start3A_829 = tpu.memref_slice %arg10[%add3A_778, %dma_start3A_828] : memref<125x80xi32, #tpu.memory_space<vmem>> -> memref<1x80xi32, #tpu.memory_space<vmem>>
        %dma_start3A_830 = tpu.memref_squeeze %dma_start3A_829 : memref<1x80xi32, #tpu.memory_space<vmem>> -> memref<80xi32, #tpu.memory_space<vmem>>
        %dma_start3A_831 = arith.constant 0 : i32
        %dma_start3A_832 = arith.constant 0 : i32
        %dma_start3A_833 = tpu.memref_slice %arg16[%dma_start3A_831, %dma_start3A_832] : memref<10000x128xf32, #tpu.memory_space<vmem_shared>> -> memref<10000x128xf32, #tpu.memory_space<vmem_shared>>
        tpu.enqueue_indirect_dma source(%arg13 : memref<80x128xf32, #tpu.memory_space<vmem>>) target(%dma_start3A_833 : memref<10000x128xf32, #tpu.memory_space<vmem_shared>>) offsets(%dma_start3A_830 : memref<80xi32, #tpu.memory_space<vmem>>) semaphore(%run_scoped3A_827 : memref<!tpu.dma_semaphore, #tpu.memory_space<semaphore_mem>>) {add = true}
        %dma_wait3A_834 = arith.constant 0 : i32
        %dma_wait3A_835 = tpu.memref_slice %arg10[%add3A_778, %dma_wait3A_834] : memref<125x80xi32, #tpu.memory_space<vmem>> -> memref<1x80xi32, #tpu.memory_space<vmem>>
        %dma_wait3A_836 = tpu.memref_squeeze %dma_wait3A_835 : memref<1x80xi32, #tpu.memory_space<vmem>> -> memref<80xi32, #tpu.memory_space<vmem>>
        %dma_wait3A_837 = arith.constant 0 : i32
        %dma_wait3A_838 = arith.constant 0 : i32
        %dma_wait3A_839 = tpu.memref_slice %arg16[%dma_wait3A_837, %dma_wait3A_838] : memref<10000x128xf32, #tpu.memory_space<vmem_shared>> -> memref<10000x128xf32, #tpu.memory_space<vmem_shared>>
        tpu.wait_indirect_dma semaphore(%run_scoped3A_827 : memref<!tpu.dma_semaphore, #tpu.memory_space<semaphore_mem>>) src(%arg13 : memref<80x128xf32, #tpu.memory_space<vmem>>) dst(%dma_wait3A_839 : memref<10000x128xf32, #tpu.memory_space<vmem_shared>>)
        tpu.yield
      }) : () -> ()
      %dma_wait3A_786 = arith.constant 0 : i32
      %dma_wait3A_787 = tpu.memref_slice %arg15[%dma_wait3A_786] : memref<640xf32, #tpu.memory_space<vmem>> -> memref<80xf32, #tpu.memory_space<vmem>>
      %dma_wait3A_788 = arith.constant 0 : i32
      %dma_wait3A_789 = tpu.memref_slice %arg6[%dma_wait3A_788] : memref<640xf32, #tpu.memory_space<hbm>> -> memref<80xf32, #tpu.memory_space<hbm>>
      %dma_wait3A_790 = arith.constant 0 : i32
      %dma_wait3A_791 = tpu.memref_slice %arg15[%dma_wait3A_790] : memref<640xf32, #tpu.memory_space<vmem>> -> memref<80xf32, #tpu.memory_space<vmem>>
      %dma_wait3A_792 = arith.constant 0 : i32
      %dma_wait3A_793 = tpu.memref_slice %arg6[%dma_wait3A_792] : memref<640xf32, #tpu.memory_space<hbm>> -> memref<80xf32, #tpu.memory_space<hbm>>
      tpu.wait_dma2 semaphore(%arg28 : memref<!tpu.dma_semaphore, #tpu.memory_space<semaphore_mem>>) src(%dma_wait3A_793 : memref<80xf32, #tpu.memory_space<hbm>>) dst(%dma_wait3A_791 : memref<80xf32, #tpu.memory_space<vmem>>)
      %add3A_794 = arith.constant 2 : i32
      %add3A_795 = arith.addi %add3A_778, %add3A_794 : i32
      %dma_start3A_796 = arith.constant 0 : i32
      %dma_start3A_797 = tpu.memref_slice %arg14[%dma_start3A_796] : memref<112xf32, #tpu.memory_space<vmem>> -> memref<80xf32, #tpu.memory_space<vmem>>
      %dma_start3A_798 = arith.constant 0 : i32
      %dma_start3A_799 = tpu.memref_slice %arg10[%add3A_795, %dma_start3A_798] : memref<125x80xi32, #tpu.memory_space<vmem>> -> memref<1x80xi32, #tpu.memory_space<vmem>>
      %dma_start3A_800 = tpu.memref_squeeze %dma_start3A_799 : memref<1x80xi32, #tpu.memory_space<vmem>> -> memref<80xi32, #tpu.memory_space<vmem>>
      %dma_start3A_801 = arith.constant 0 : i32
      %dma_start3A_802 = tpu.memref_slice %arg17[%dma_start3A_801] : memref<10000xf32, #tpu.memory_space<vmem_shared>> -> memref<10000xf32, #tpu.memory_space<vmem_shared>>
      tpu.enqueue_indirect_dma source(%dma_start3A_797 : memref<80xf32, #tpu.memory_space<vmem>>) target(%dma_start3A_802 : memref<10000xf32, #tpu.memory_space<vmem_shared>>) offsets(%dma_start3A_800 : memref<80xi32, #tpu.memory_space<vmem>>) semaphore(%arg28 : memref<!tpu.dma_semaphore, #tpu.memory_space<semaphore_mem>>) {add = true}
      %add3A_803 = arith.constant 3 : i32
      %add3A_804 = arith.addi %add3A_778, %add3A_803 : i32
      %dma_wait3A_805 = arith.constant 2 : i32
      %dma_wait3A_806 = arith.constant 0 : i32
      %dma_wait3A_807 = tpu.memref_slice %arg9[%dma_wait3A_805, %dma_wait3A_806] : memref<6x80xi32, #tpu.memory_space<vmem>> -> memref<1x80xi32, #tpu.memory_space<vmem>>
      %dma_wait3A_808 = tpu.memref_squeeze %dma_wait3A_807 : memref<1x80xi32, #tpu.memory_space<vmem>> -> memref<80xi32, #tpu.memory_space<vmem>>
      %dma_wait3A_809 = arith.constant 0 : i32
      %dma_wait3A_810 = tpu.memref_slice %arg3[%dma_wait3A_809] : memref<320000xi32, #tpu.memory_space<hbm>> -> memref<80xi32, #tpu.memory_space<hbm>>
      %dma_wait3A_811 = arith.constant 0 : i32
      %dma_wait3A_812 = tpu.memref_slice %arg9[%dma_wait3A_805, %dma_wait3A_811] : memref<6x80xi32, #tpu.memory_space<vmem>> -> memref<1x80xi32, #tpu.memory_space<vmem>>
      %dma_wait3A_813 = tpu.memref_squeeze %dma_wait3A_812 : memref<1x80xi32, #tpu.memory_space<vmem>> -> memref<80xi32, #tpu.memory_space<vmem>>
      %dma_wait3A_814 = arith.constant 0 : i32
      %dma_wait3A_815 = tpu.memref_slice %arg3[%dma_wait3A_814] : memref<320000xi32, #tpu.memory_space<hbm>> -> memref<80xi32, #tpu.memory_space<hbm>>
      tpu.wait_dma2 semaphore(%arg23 : memref<!tpu.dma_semaphore, #tpu.memory_space<semaphore_mem>>) src(%dma_wait3A_815 : memref<80xi32, #tpu.memory_space<hbm>>) dst(%dma_wait3A_813 : memref<80xi32, #tpu.memory_space<vmem>>)
      %dma_start3A_816 = arith.constant 2 : i32
      %dma_start3A_817 = arith.constant 0 : i32
      %dma_start3A_818 = tpu.memref_slice %arg9[%dma_start3A_816, %dma_start3A_817] : memref<6x80xi32, #tpu.memory_space<vmem>> -> memref<1x80xi32, #tpu.memory_space<vmem>>
      %dma_start3A_819 = tpu.memref_squeeze %dma_start3A_818 : memref<1x80xi32, #tpu.memory_space<vmem>> -> memref<80xi32, #tpu.memory_space<vmem>>
      %dma_start3A_820 = arith.constant 0 : i32
      %dma_start3A_821 = arith.constant 0 : i32
      %dma_start3A_822 = tpu.memref_slice %arg2[%dma_start3A_820, %dma_start3A_821] : memref<10000x128xf32, #tpu.memory_space<hbm>> -> memref<10000x128xf32, #tpu.memory_space<hbm>>
      tpu.enqueue_indirect_dma source(%dma_start3A_822 : memref<10000x128xf32, #tpu.memory_space<hbm>>) target(%arg13 : memref<80x128xf32, #tpu.memory_space<vmem>>) offsets(%dma_start3A_819 : memref<80xi32, #tpu.memory_space<vmem>>) semaphore(%arg20 : memref<!tpu.dma_semaphore, #tpu.memory_space<semaphore_mem>>)
      %lt3A = arith.constant 19 : i32
      %lt3A_823 = arith.cmpi slt, %add3A_464, %lt3A : i32
      %convert_element_type3A_824 = arith.extui %lt3A_823 : i1 to i32
      %cond3A_825 = arith.constant 0 : i32
      %cond3A_826 = arith.cmpi ne, %convert_element_type3A_824, %cond3A_825 : i32
      scf.if %cond3A_826 {
        %add3A_827 = arith.constant 11 : i32
        %add3A_828 = arith.addi %mul3A_466, %add3A_827 : i32
        %mul3A_829 = arith.constant 10000 : i32
        %mul3A_830 = arith.muli %add3A, %mul3A_829 : i32
        %mul3A_831 = arith.constant 80 : i32
        %mul3A_832 = arith.muli %add3A_828, %mul3A_831 : i32
        %add3A_833 = arith.addi %mul3A_830, %mul3A_832 : i32
        %dma_start3A_834 = arith.constant 5 : i32
        %dma_start3A_835 = arith.constant 0 : i32
        %dma_start3A_836 = tpu.memref_slice %arg9[%dma_start3A_834, %dma_start3A_835] : memref<6x80xi32, #tpu.memory_space<vmem>> -> memref<1x80xi32, #tpu.memory_space<vmem>>
        %dma_start3A_837 = tpu.memref_squeeze %dma_start3A_836 : memref<1x80xi32, #tpu.memory_space<vmem>> -> memref<80xi32, #tpu.memory_space<vmem>>
        %dma_start3A_838 = tpu.memref_slice %arg3[%add3A_833] : memref<320000xi32, #tpu.memory_space<hbm>> -> memref<80xi32, #tpu.memory_space<hbm>>
        %dma_start3A_839 = arith.constant 0 : i32
        %dma_start3A_840 = tpu.memref_slice %arg9[%dma_start3A_834, %dma_start3A_839] : memref<6x80xi32, #tpu.memory_space<vmem>> -> memref<1x80xi32, #tpu.memory_space<vmem>>
        %dma_start3A_841 = tpu.memref_squeeze %dma_start3A_840 : memref<1x80xi32, #tpu.memory_space<vmem>> -> memref<80xi32, #tpu.memory_space<vmem>>
        %dma_start3A_842 = tpu.memref_slice %arg3[%add3A_833] : memref<320000xi32, #tpu.memory_space<hbm>> -> memref<80xi32, #tpu.memory_space<hbm>>
        tpu.enqueue_dma source(%dma_start3A_842 : memref<80xi32, #tpu.memory_space<hbm>>) target(%dma_start3A_841 : memref<80xi32, #tpu.memory_space<vmem>>) target_semaphore(%arg26 : memref<!tpu.dma_semaphore, #tpu.memory_space<semaphore_mem>>)
      } else {
      }
    }
    %scan3A_224 = arith.constant 20 : i32
    %dma_wait3A_225 = arith.constant 0 : i32
    %dma_wait3A_226 = arith.constant 0 : i32
    %dma_wait3A_227 = tpu.memref_slice %arg9[%dma_wait3A_225, %dma_wait3A_226] : memref<6x80xi32, #tpu.memory_space<vmem>> -> memref<1x80xi32, #tpu.memory_space<vmem>>
    %dma_wait3A_228 = tpu.memref_squeeze %dma_wait3A_227 : memref<1x80xi32, #tpu.memory_space<vmem>> -> memref<80xi32, #tpu.memory_space<vmem>>
    %dma_wait3A_229 = arith.constant 0 : i32
    %dma_wait3A_230 = arith.constant 0 : i32
    %dma_wait3A_231 = tpu.memref_slice %arg2[%dma_wait3A_229, %dma_wait3A_230] : memref<10000x128xf32, #tpu.memory_space<hbm>> -> memref<10000x128xf32, #tpu.memory_space<hbm>>
    tpu.wait_indirect_dma semaphore(%arg18 : memref<!tpu.dma_semaphore, #tpu.memory_space<semaphore_mem>>) src(%dma_wait3A_231 : memref<10000x128xf32, #tpu.memory_space<hbm>>) dst(%arg11 : memref<80x128xf32, #tpu.memory_space<vmem>>)
    %run_scoped3A = arith.constant 120 : i32
    "tpu.region"() ({
      %run_scoped3A_460 = tpu.sem_alloc : memref<!tpu.dma_semaphore, #tpu.memory_space<semaphore_mem>>
      %dma_start3A_461 = arith.constant 0 : i32
      %dma_start3A_462 = tpu.memref_slice %arg10[%run_scoped3A, %dma_start3A_461] : memref<125x80xi32, #tpu.memory_space<vmem>> -> memref<1x80xi32, #tpu.memory_space<vmem>>
      %dma_start3A_463 = tpu.memref_squeeze %dma_start3A_462 : memref<1x80xi32, #tpu.memory_space<vmem>> -> memref<80xi32, #tpu.memory_space<vmem>>
      %dma_start3A_464 = arith.constant 0 : i32
      %dma_start3A_465 = arith.constant 0 : i32
      %dma_start3A_466 = tpu.memref_slice %arg16[%dma_start3A_464, %dma_start3A_465] : memref<10000x128xf32, #tpu.memory_space<vmem_shared>> -> memref<10000x128xf32, #tpu.memory_space<vmem_shared>>
      tpu.enqueue_indirect_dma source(%arg11 : memref<80x128xf32, #tpu.memory_space<vmem>>) target(%dma_start3A_466 : memref<10000x128xf32, #tpu.memory_space<vmem_shared>>) offsets(%dma_start3A_463 : memref<80xi32, #tpu.memory_space<vmem>>) semaphore(%run_scoped3A_460 : memref<!tpu.dma_semaphore, #tpu.memory_space<semaphore_mem>>) {add = true}
      %dma_wait3A_467 = arith.constant 0 : i32
      %dma_wait3A_468 = tpu.memref_slice %arg10[%run_scoped3A, %dma_wait3A_467] : memref<125x80xi32, #tpu.memory_space<vmem>> -> memref<1x80xi32, #tpu.memory_space<vmem>>
      %dma_wait3A_469 = tpu.memref_squeeze %dma_wait3A_468 : memref<1x80xi32, #tpu.memory_space<vmem>> -> memref<80xi32, #tpu.memory_space<vmem>>
      %dma_wait3A_470 = arith.constant 0 : i32
      %dma_wait3A_471 = arith.constant 0 : i32
      %dma_wait3A_472 = tpu.memref_slice %arg16[%dma_wait3A_470, %dma_wait3A_471] : memref<10000x128xf32, #tpu.memory_space<vmem_shared>> -> memref<10000x128xf32, #tpu.memory_space<vmem_shared>>
      tpu.wait_indirect_dma semaphore(%run_scoped3A_460 : memref<!tpu.dma_semaphore, #tpu.memory_space<semaphore_mem>>) src(%arg11 : memref<80x128xf32, #tpu.memory_space<vmem>>) dst(%dma_wait3A_472 : memref<10000x128xf32, #tpu.memory_space<vmem_shared>>)
      tpu.yield
    }) : () -> ()
    %dma_wait3A_232 = arith.constant 0 : i32
    %dma_wait3A_233 = tpu.memref_slice %arg15[%dma_wait3A_232] : memref<640xf32, #tpu.memory_space<vmem>> -> memref<80xf32, #tpu.memory_space<vmem>>
    %dma_wait3A_234 = arith.constant 0 : i32
    %dma_wait3A_235 = tpu.memref_slice %arg6[%dma_wait3A_234] : memref<640xf32, #tpu.memory_space<hbm>> -> memref<80xf32, #tpu.memory_space<hbm>>
    %dma_wait3A_236 = arith.constant 0 : i32
    %dma_wait3A_237 = tpu.memref_slice %arg15[%dma_wait3A_236] : memref<640xf32, #tpu.memory_space<vmem>> -> memref<80xf32, #tpu.memory_space<vmem>>
    %dma_wait3A_238 = arith.constant 0 : i32
    %dma_wait3A_239 = tpu.memref_slice %arg6[%dma_wait3A_238] : memref<640xf32, #tpu.memory_space<hbm>> -> memref<80xf32, #tpu.memory_space<hbm>>
    tpu.wait_dma2 semaphore(%arg27 : memref<!tpu.dma_semaphore, #tpu.memory_space<semaphore_mem>>) src(%dma_wait3A_239 : memref<80xf32, #tpu.memory_space<hbm>>) dst(%dma_wait3A_237 : memref<80xf32, #tpu.memory_space<vmem>>)
    %dma_start3A_240 = arith.constant 122 : i32
    %dma_start3A_241 = arith.constant 0 : i32
    %dma_start3A_242 = tpu.memref_slice %arg14[%dma_start3A_241] : memref<112xf32, #tpu.memory_space<vmem>> -> memref<80xf32, #tpu.memory_space<vmem>>
    %dma_start3A_243 = arith.constant 0 : i32
    %dma_start3A_244 = tpu.memref_slice %arg10[%dma_start3A_240, %dma_start3A_243] : memref<125x80xi32, #tpu.memory_space<vmem>> -> memref<1x80xi32, #tpu.memory_space<vmem>>
    %dma_start3A_245 = tpu.memref_squeeze %dma_start3A_244 : memref<1x80xi32, #tpu.memory_space<vmem>> -> memref<80xi32, #tpu.memory_space<vmem>>
    %dma_start3A_246 = arith.constant 0 : i32
    %dma_start3A_247 = tpu.memref_slice %arg17[%dma_start3A_246] : memref<10000xf32, #tpu.memory_space<vmem_shared>> -> memref<10000xf32, #tpu.memory_space<vmem_shared>>
    tpu.enqueue_indirect_dma source(%dma_start3A_242 : memref<80xf32, #tpu.memory_space<vmem>>) target(%dma_start3A_247 : memref<10000xf32, #tpu.memory_space<vmem_shared>>) offsets(%dma_start3A_245 : memref<80xi32, #tpu.memory_space<vmem>>) semaphore(%arg27 : memref<!tpu.dma_semaphore, #tpu.memory_space<semaphore_mem>>) {add = true}
    %dma_wait3A_248 = arith.constant 3 : i32
    %dma_wait3A_249 = arith.constant 0 : i32
    %dma_wait3A_250 = tpu.memref_slice %arg9[%dma_wait3A_248, %dma_wait3A_249] : memref<6x80xi32, #tpu.memory_space<vmem>> -> memref<1x80xi32, #tpu.memory_space<vmem>>
    %dma_wait3A_251 = tpu.memref_squeeze %dma_wait3A_250 : memref<1x80xi32, #tpu.memory_space<vmem>> -> memref<80xi32, #tpu.memory_space<vmem>>
    %dma_wait3A_252 = arith.constant 0 : i32
    %dma_wait3A_253 = tpu.memref_slice %arg3[%dma_wait3A_252] : memref<320000xi32, #tpu.memory_space<hbm>> -> memref<80xi32, #tpu.memory_space<hbm>>
    %dma_wait3A_254 = arith.constant 0 : i32
    %dma_wait3A_255 = tpu.memref_slice %arg9[%dma_wait3A_248, %dma_wait3A_254] : memref<6x80xi32, #tpu.memory_space<vmem>> -> memref<1x80xi32, #tpu.memory_space<vmem>>
    %dma_wait3A_256 = tpu.memref_squeeze %dma_wait3A_255 : memref<1x80xi32, #tpu.memory_space<vmem>> -> memref<80xi32, #tpu.memory_space<vmem>>
    %dma_wait3A_257 = arith.constant 0 : i32
    %dma_wait3A_258 = tpu.memref_slice %arg3[%dma_wait3A_257] : memref<320000xi32, #tpu.memory_space<hbm>> -> memref<80xi32, #tpu.memory_space<hbm>>
    tpu.wait_dma2 semaphore(%arg24 : memref<!tpu.dma_semaphore, #tpu.memory_space<semaphore_mem>>) src(%dma_wait3A_258 : memref<80xi32, #tpu.memory_space<hbm>>) dst(%dma_wait3A_256 : memref<80xi32, #tpu.memory_space<vmem>>)
    %dma_start3A_259 = arith.constant 3 : i32
    %dma_start3A_260 = arith.constant 0 : i32
    %dma_start3A_261 = tpu.memref_slice %arg9[%dma_start3A_259, %dma_start3A_260] : memref<6x80xi32, #tpu.memory_space<vmem>> -> memref<1x80xi32, #tpu.memory_space<vmem>>
    %dma_start3A_262 = tpu.memref_squeeze %dma_start3A_261 : memref<1x80xi32, #tpu.memory_space<vmem>> -> memref<80xi32, #tpu.memory_space<vmem>>
    %dma_start3A_263 = arith.constant 0 : i32
    %dma_start3A_264 = arith.constant 0 : i32
    %dma_start3A_265 = tpu.memref_slice %arg2[%dma_start3A_263, %dma_start3A_264] : memref<10000x128xf32, #tpu.memory_space<hbm>> -> memref<10000x128xf32, #tpu.memory_space<hbm>>
    tpu.enqueue_indirect_dma source(%dma_start3A_265 : memref<10000x128xf32, #tpu.memory_space<hbm>>) target(%arg11 : memref<80x128xf32, #tpu.memory_space<vmem>>) offsets(%dma_start3A_262 : memref<80xi32, #tpu.memory_space<vmem>>) semaphore(%arg18 : memref<!tpu.dma_semaphore, #tpu.memory_space<semaphore_mem>>)
    %dma_wait3A_266 = arith.constant 0 : i32
    %dma_wait3A_267 = arith.constant 0 : i32
    %dma_wait3A_268 = tpu.memref_slice %arg9[%dma_wait3A_266, %dma_wait3A_267] : memref<6x80xi32, #tpu.memory_space<vmem>> -> memref<1x80xi32, #tpu.memory_space<vmem>>
    %dma_wait3A_269 = tpu.memref_squeeze %dma_wait3A_268 : memref<1x80xi32, #tpu.memory_space<vmem>> -> memref<80xi32, #tpu.memory_space<vmem>>
    %dma_wait3A_270 = arith.constant 0 : i32
    %dma_wait3A_271 = arith.constant 0 : i32
    %dma_wait3A_272 = tpu.memref_slice %arg2[%dma_wait3A_270, %dma_wait3A_271] : memref<10000x128xf32, #tpu.memory_space<hbm>> -> memref<10000x128xf32, #tpu.memory_space<hbm>>
    tpu.wait_indirect_dma semaphore(%arg19 : memref<!tpu.dma_semaphore, #tpu.memory_space<semaphore_mem>>) src(%dma_wait3A_272 : memref<10000x128xf32, #tpu.memory_space<hbm>>) dst(%arg12 : memref<80x128xf32, #tpu.memory_space<vmem>>)
    %run_scoped3A_273 = arith.constant 121 : i32
    "tpu.region"() ({
      %run_scoped3A_460 = tpu.sem_alloc : memref<!tpu.dma_semaphore, #tpu.memory_space<semaphore_mem>>
      %dma_start3A_461 = arith.constant 0 : i32
      %dma_start3A_462 = tpu.memref_slice %arg10[%run_scoped3A_273, %dma_start3A_461] : memref<125x80xi32, #tpu.memory_space<vmem>> -> memref<1x80xi32, #tpu.memory_space<vmem>>
      %dma_start3A_463 = tpu.memref_squeeze %dma_start3A_462 : memref<1x80xi32, #tpu.memory_space<vmem>> -> memref<80xi32, #tpu.memory_space<vmem>>
      %dma_start3A_464 = arith.constant 0 : i32
      %dma_start3A_465 = arith.constant 0 : i32
      %dma_start3A_466 = tpu.memref_slice %arg16[%dma_start3A_464, %dma_start3A_465] : memref<10000x128xf32, #tpu.memory_space<vmem_shared>> -> memref<10000x128xf32, #tpu.memory_space<vmem_shared>>
      tpu.enqueue_indirect_dma source(%arg12 : memref<80x128xf32, #tpu.memory_space<vmem>>) target(%dma_start3A_466 : memref<10000x128xf32, #tpu.memory_space<vmem_shared>>) offsets(%dma_start3A_463 : memref<80xi32, #tpu.memory_space<vmem>>) semaphore(%run_scoped3A_460 : memref<!tpu.dma_semaphore, #tpu.memory_space<semaphore_mem>>) {add = true}
      %dma_wait3A_467 = arith.constant 0 : i32
      %dma_wait3A_468 = tpu.memref_slice %arg10[%run_scoped3A_273, %dma_wait3A_467] : memref<125x80xi32, #tpu.memory_space<vmem>> -> memref<1x80xi32, #tpu.memory_space<vmem>>
      %dma_wait3A_469 = tpu.memref_squeeze %dma_wait3A_468 : memref<1x80xi32, #tpu.memory_space<vmem>> -> memref<80xi32, #tpu.memory_space<vmem>>
      %dma_wait3A_470 = arith.constant 0 : i32
      %dma_wait3A_471 = arith.constant 0 : i32
      %dma_wait3A_472 = tpu.memref_slice %arg16[%dma_wait3A_470, %dma_wait3A_471] : memref<10000x128xf32, #tpu.memory_space<vmem_shared>> -> memref<10000x128xf32, #tpu.memory_space<vmem_shared>>
      tpu.wait_indirect_dma semaphore(%run_scoped3A_460 : memref<!tpu.dma_semaphore, #tpu.memory_space<semaphore_mem>>) src(%arg12 : memref<80x128xf32, #tpu.memory_space<vmem>>) dst(%dma_wait3A_472 : memref<10000x128xf32, #tpu.memory_space<vmem_shared>>)
      tpu.yield
    }) : () -> ()
    %dma_wait3A_274 = arith.constant 0 : i32
    %dma_wait3A_275 = tpu.memref_slice %arg15[%dma_wait3A_274] : memref<640xf32, #tpu.memory_space<vmem>> -> memref<80xf32, #tpu.memory_space<vmem>>
    %dma_wait3A_276 = arith.constant 0 : i32
    %dma_wait3A_277 = tpu.memref_slice %arg6[%dma_wait3A_276] : memref<640xf32, #tpu.memory_space<hbm>> -> memref<80xf32, #tpu.memory_space<hbm>>
    %dma_wait3A_278 = arith.constant 0 : i32
    %dma_wait3A_279 = tpu.memref_slice %arg15[%dma_wait3A_278] : memref<640xf32, #tpu.memory_space<vmem>> -> memref<80xf32, #tpu.memory_space<vmem>>
    %dma_wait3A_280 = arith.constant 0 : i32
    %dma_wait3A_281 = tpu.memref_slice %arg6[%dma_wait3A_280] : memref<640xf32, #tpu.memory_space<hbm>> -> memref<80xf32, #tpu.memory_space<hbm>>
    tpu.wait_dma2 semaphore(%arg28 : memref<!tpu.dma_semaphore, #tpu.memory_space<semaphore_mem>>) src(%dma_wait3A_281 : memref<80xf32, #tpu.memory_space<hbm>>) dst(%dma_wait3A_279 : memref<80xf32, #tpu.memory_space<vmem>>)
    %dma_start3A_282 = arith.constant 123 : i32
    %dma_start3A_283 = arith.constant 0 : i32
    %dma_start3A_284 = tpu.memref_slice %arg14[%dma_start3A_283] : memref<112xf32, #tpu.memory_space<vmem>> -> memref<80xf32, #tpu.memory_space<vmem>>
    %dma_start3A_285 = arith.constant 0 : i32
    %dma_start3A_286 = tpu.memref_slice %arg10[%dma_start3A_282, %dma_start3A_285] : memref<125x80xi32, #tpu.memory_space<vmem>> -> memref<1x80xi32, #tpu.memory_space<vmem>>
    %dma_start3A_287 = tpu.memref_squeeze %dma_start3A_286 : memref<1x80xi32, #tpu.memory_space<vmem>> -> memref<80xi32, #tpu.memory_space<vmem>>
    %dma_start3A_288 = arith.constant 0 : i32
    %dma_start3A_289 = tpu.memref_slice %arg17[%dma_start3A_288] : memref<10000xf32, #tpu.memory_space<vmem_shared>> -> memref<10000xf32, #tpu.memory_space<vmem_shared>>
    tpu.enqueue_indirect_dma source(%dma_start3A_284 : memref<80xf32, #tpu.memory_space<vmem>>) target(%dma_start3A_289 : memref<10000xf32, #tpu.memory_space<vmem_shared>>) offsets(%dma_start3A_287 : memref<80xi32, #tpu.memory_space<vmem>>) semaphore(%arg28 : memref<!tpu.dma_semaphore, #tpu.memory_space<semaphore_mem>>) {add = true}
    %dma_wait3A_290 = arith.constant 4 : i32
    %dma_wait3A_291 = arith.constant 0 : i32
    %dma_wait3A_292 = tpu.memref_slice %arg9[%dma_wait3A_290, %dma_wait3A_291] : memref<6x80xi32, #tpu.memory_space<vmem>> -> memref<1x80xi32, #tpu.memory_space<vmem>>
    %dma_wait3A_293 = tpu.memref_squeeze %dma_wait3A_292 : memref<1x80xi32, #tpu.memory_space<vmem>> -> memref<80xi32, #tpu.memory_space<vmem>>
    %dma_wait3A_294 = arith.constant 0 : i32
    %dma_wait3A_295 = tpu.memref_slice %arg3[%dma_wait3A_294] : memref<320000xi32, #tpu.memory_space<hbm>> -> memref<80xi32, #tpu.memory_space<hbm>>
    %dma_wait3A_296 = arith.constant 0 : i32
    %dma_wait3A_297 = tpu.memref_slice %arg9[%dma_wait3A_290, %dma_wait3A_296] : memref<6x80xi32, #tpu.memory_space<vmem>> -> memref<1x80xi32, #tpu.memory_space<vmem>>
    %dma_wait3A_298 = tpu.memref_squeeze %dma_wait3A_297 : memref<1x80xi32, #tpu.memory_space<vmem>> -> memref<80xi32, #tpu.memory_space<vmem>>
    %dma_wait3A_299 = arith.constant 0 : i32
    %dma_wait3A_300 = tpu.memref_slice %arg3[%dma_wait3A_299] : memref<320000xi32, #tpu.memory_space<hbm>> -> memref<80xi32, #tpu.memory_space<hbm>>
    tpu.wait_dma2 semaphore(%arg25 : memref<!tpu.dma_semaphore, #tpu.memory_space<semaphore_mem>>) src(%dma_wait3A_300 : memref<80xi32, #tpu.memory_space<hbm>>) dst(%dma_wait3A_298 : memref<80xi32, #tpu.memory_space<vmem>>)
    %dma_start3A_301 = arith.constant 4 : i32
    %dma_start3A_302 = arith.constant 0 : i32
    %dma_start3A_303 = tpu.memref_slice %arg9[%dma_start3A_301, %dma_start3A_302] : memref<6x80xi32, #tpu.memory_space<vmem>> -> memref<1x80xi32, #tpu.memory_space<vmem>>
    %dma_start3A_304 = tpu.memref_squeeze %dma_start3A_303 : memref<1x80xi32, #tpu.memory_space<vmem>> -> memref<80xi32, #tpu.memory_space<vmem>>
    %dma_start3A_305 = arith.constant 0 : i32
    %dma_start3A_306 = arith.constant 0 : i32
    %dma_start3A_307 = tpu.memref_slice %arg2[%dma_start3A_305, %dma_start3A_306] : memref<10000x128xf32, #tpu.memory_space<hbm>> -> memref<10000x128xf32, #tpu.memory_space<hbm>>
    tpu.enqueue_indirect_dma source(%dma_start3A_307 : memref<10000x128xf32, #tpu.memory_space<hbm>>) target(%arg12 : memref<80x128xf32, #tpu.memory_space<vmem>>) offsets(%dma_start3A_304 : memref<80xi32, #tpu.memory_space<vmem>>) semaphore(%arg19 : memref<!tpu.dma_semaphore, #tpu.memory_space<semaphore_mem>>)
    %dma_wait3A_308 = arith.constant 0 : i32
    %dma_wait3A_309 = arith.constant 0 : i32
    %dma_wait3A_310 = tpu.memref_slice %arg9[%dma_wait3A_308, %dma_wait3A_309] : memref<6x80xi32, #tpu.memory_space<vmem>> -> memref<1x80xi32, #tpu.memory_space<vmem>>
    %dma_wait3A_311 = tpu.memref_squeeze %dma_wait3A_310 : memref<1x80xi32, #tpu.memory_space<vmem>> -> memref<80xi32, #tpu.memory_space<vmem>>
    %dma_wait3A_312 = arith.constant 0 : i32
    %dma_wait3A_313 = arith.constant 0 : i32
    %dma_wait3A_314 = tpu.memref_slice %arg2[%dma_wait3A_312, %dma_wait3A_313] : memref<10000x128xf32, #tpu.memory_space<hbm>> -> memref<10000x128xf32, #tpu.memory_space<hbm>>
    tpu.wait_indirect_dma semaphore(%arg20 : memref<!tpu.dma_semaphore, #tpu.memory_space<semaphore_mem>>) src(%dma_wait3A_314 : memref<10000x128xf32, #tpu.memory_space<hbm>>) dst(%arg13 : memref<80x128xf32, #tpu.memory_space<vmem>>)
    %run_scoped3A_315 = arith.constant 122 : i32
    "tpu.region"() ({
      %run_scoped3A_460 = tpu.sem_alloc : memref<!tpu.dma_semaphore, #tpu.memory_space<semaphore_mem>>
      %dma_start3A_461 = arith.constant 0 : i32
      %dma_start3A_462 = tpu.memref_slice %arg10[%run_scoped3A_315, %dma_start3A_461] : memref<125x80xi32, #tpu.memory_space<vmem>> -> memref<1x80xi32, #tpu.memory_space<vmem>>
      %dma_start3A_463 = tpu.memref_squeeze %dma_start3A_462 : memref<1x80xi32, #tpu.memory_space<vmem>> -> memref<80xi32, #tpu.memory_space<vmem>>
      %dma_start3A_464 = arith.constant 0 : i32
      %dma_start3A_465 = arith.constant 0 : i32
      %dma_start3A_466 = tpu.memref_slice %arg16[%dma_start3A_464, %dma_start3A_465] : memref<10000x128xf32, #tpu.memory_space<vmem_shared>> -> memref<10000x128xf32, #tpu.memory_space<vmem_shared>>
      tpu.enqueue_indirect_dma source(%arg13 : memref<80x128xf32, #tpu.memory_space<vmem>>) target(%dma_start3A_466 : memref<10000x128xf32, #tpu.memory_space<vmem_shared>>) offsets(%dma_start3A_463 : memref<80xi32, #tpu.memory_space<vmem>>) semaphore(%run_scoped3A_460 : memref<!tpu.dma_semaphore, #tpu.memory_space<semaphore_mem>>) {add = true}
      %dma_wait3A_467 = arith.constant 0 : i32
      %dma_wait3A_468 = tpu.memref_slice %arg10[%run_scoped3A_315, %dma_wait3A_467] : memref<125x80xi32, #tpu.memory_space<vmem>> -> memref<1x80xi32, #tpu.memory_space<vmem>>
      %dma_wait3A_469 = tpu.memref_squeeze %dma_wait3A_468 : memref<1x80xi32, #tpu.memory_space<vmem>> -> memref<80xi32, #tpu.memory_space<vmem>>
      %dma_wait3A_470 = arith.constant 0 : i32
      %dma_wait3A_471 = arith.constant 0 : i32
      %dma_wait3A_472 = tpu.memref_slice %arg16[%dma_wait3A_470, %dma_wait3A_471] : memref<10000x128xf32, #tpu.memory_space<vmem_shared>> -> memref<10000x128xf32, #tpu.memory_space<vmem_shared>>
      tpu.wait_indirect_dma semaphore(%run_scoped3A_460 : memref<!tpu.dma_semaphore, #tpu.memory_space<semaphore_mem>>) src(%arg13 : memref<80x128xf32, #tpu.memory_space<vmem>>) dst(%dma_wait3A_472 : memref<10000x128xf32, #tpu.memory_space<vmem_shared>>)
      tpu.yield
    }) : () -> ()
    %dma_wait3A_316 = arith.constant 0 : i32
    %dma_wait3A_317 = tpu.memref_slice %arg15[%dma_wait3A_316] : memref<640xf32, #tpu.memory_space<vmem>> -> memref<80xf32, #tpu.memory_space<vmem>>
    %dma_wait3A_318 = arith.constant 0 : i32
    %dma_wait3A_319 = tpu.memref_slice %arg6[%dma_wait3A_318] : memref<640xf32, #tpu.memory_space<hbm>> -> memref<80xf32, #tpu.memory_space<hbm>>
    %dma_wait3A_320 = arith.constant 0 : i32
    %dma_wait3A_321 = tpu.memref_slice %arg15[%dma_wait3A_320] : memref<640xf32, #tpu.memory_space<vmem>> -> memref<80xf32, #tpu.memory_space<vmem>>
    %dma_wait3A_322 = arith.constant 0 : i32
    %dma_wait3A_323 = tpu.memref_slice %arg6[%dma_wait3A_322] : memref<640xf32, #tpu.memory_space<hbm>> -> memref<80xf32, #tpu.memory_space<hbm>>
    tpu.wait_dma2 semaphore(%arg27 : memref<!tpu.dma_semaphore, #tpu.memory_space<semaphore_mem>>) src(%dma_wait3A_323 : memref<80xf32, #tpu.memory_space<hbm>>) dst(%dma_wait3A_321 : memref<80xf32, #tpu.memory_space<vmem>>)
    %dma_start3A_324 = arith.constant 124 : i32
    %dma_start3A_325 = arith.constant 0 : i32
    %dma_start3A_326 = tpu.memref_slice %arg14[%dma_start3A_325] : memref<112xf32, #tpu.memory_space<vmem>> -> memref<80xf32, #tpu.memory_space<vmem>>
    %dma_start3A_327 = arith.constant 0 : i32
    %dma_start3A_328 = tpu.memref_slice %arg10[%dma_start3A_324, %dma_start3A_327] : memref<125x80xi32, #tpu.memory_space<vmem>> -> memref<1x80xi32, #tpu.memory_space<vmem>>
    %dma_start3A_329 = tpu.memref_squeeze %dma_start3A_328 : memref<1x80xi32, #tpu.memory_space<vmem>> -> memref<80xi32, #tpu.memory_space<vmem>>
    %dma_start3A_330 = arith.constant 0 : i32
    %dma_start3A_331 = tpu.memref_slice %arg17[%dma_start3A_330] : memref<10000xf32, #tpu.memory_space<vmem_shared>> -> memref<10000xf32, #tpu.memory_space<vmem_shared>>
    tpu.enqueue_indirect_dma source(%dma_start3A_326 : memref<80xf32, #tpu.memory_space<vmem>>) target(%dma_start3A_331 : memref<10000xf32, #tpu.memory_space<vmem_shared>>) offsets(%dma_start3A_329 : memref<80xi32, #tpu.memory_space<vmem>>) semaphore(%arg27 : memref<!tpu.dma_semaphore, #tpu.memory_space<semaphore_mem>>) {add = true}
    %dma_wait3A_332 = arith.constant 0 : i32
    %dma_wait3A_333 = arith.constant 0 : i32
    %dma_wait3A_334 = tpu.memref_slice %arg9[%dma_wait3A_332, %dma_wait3A_333] : memref<6x80xi32, #tpu.memory_space<vmem>> -> memref<1x80xi32, #tpu.memory_space<vmem>>
    %dma_wait3A_335 = tpu.memref_squeeze %dma_wait3A_334 : memref<1x80xi32, #tpu.memory_space<vmem>> -> memref<80xi32, #tpu.memory_space<vmem>>
    %dma_wait3A_336 = arith.constant 0 : i32
    %dma_wait3A_337 = arith.constant 0 : i32
    %dma_wait3A_338 = tpu.memref_slice %arg2[%dma_wait3A_336, %dma_wait3A_337] : memref<10000x128xf32, #tpu.memory_space<hbm>> -> memref<10000x128xf32, #tpu.memory_space<hbm>>
    tpu.wait_indirect_dma semaphore(%arg18 : memref<!tpu.dma_semaphore, #tpu.memory_space<semaphore_mem>>) src(%dma_wait3A_338 : memref<10000x128xf32, #tpu.memory_space<hbm>>) dst(%arg11 : memref<80x128xf32, #tpu.memory_space<vmem>>)
    %run_scoped3A_339 = arith.constant 123 : i32
    "tpu.region"() ({
      %run_scoped3A_460 = tpu.sem_alloc : memref<!tpu.dma_semaphore, #tpu.memory_space<semaphore_mem>>
      %dma_start3A_461 = arith.constant 0 : i32
      %dma_start3A_462 = tpu.memref_slice %arg10[%run_scoped3A_339, %dma_start3A_461] : memref<125x80xi32, #tpu.memory_space<vmem>> -> memref<1x80xi32, #tpu.memory_space<vmem>>
      %dma_start3A_463 = tpu.memref_squeeze %dma_start3A_462 : memref<1x80xi32, #tpu.memory_space<vmem>> -> memref<80xi32, #tpu.memory_space<vmem>>
      %dma_start3A_464 = arith.constant 0 : i32
      %dma_start3A_465 = arith.constant 0 : i32
      %dma_start3A_466 = tpu.memref_slice %arg16[%dma_start3A_464, %dma_start3A_465] : memref<10000x128xf32, #tpu.memory_space<vmem_shared>> -> memref<10000x128xf32, #tpu.memory_space<vmem_shared>>
      tpu.enqueue_indirect_dma source(%arg11 : memref<80x128xf32, #tpu.memory_space<vmem>>) target(%dma_start3A_466 : memref<10000x128xf32, #tpu.memory_space<vmem_shared>>) offsets(%dma_start3A_463 : memref<80xi32, #tpu.memory_space<vmem>>) semaphore(%run_scoped3A_460 : memref<!tpu.dma_semaphore, #tpu.memory_space<semaphore_mem>>) {add = true}
      %dma_wait3A_467 = arith.constant 0 : i32
      %dma_wait3A_468 = tpu.memref_slice %arg10[%run_scoped3A_339, %dma_wait3A_467] : memref<125x80xi32, #tpu.memory_space<vmem>> -> memref<1x80xi32, #tpu.memory_space<vmem>>
      %dma_wait3A_469 = tpu.memref_squeeze %dma_wait3A_468 : memref<1x80xi32, #tpu.memory_space<vmem>> -> memref<80xi32, #tpu.memory_space<vmem>>
      %dma_wait3A_470 = arith.constant 0 : i32
      %dma_wait3A_471 = arith.constant 0 : i32
      %dma_wait3A_472 = tpu.memref_slice %arg16[%dma_wait3A_470, %dma_wait3A_471] : memref<10000x128xf32, #tpu.memory_space<vmem_shared>> -> memref<10000x128xf32, #tpu.memory_space<vmem_shared>>
      tpu.wait_indirect_dma semaphore(%run_scoped3A_460 : memref<!tpu.dma_semaphore, #tpu.memory_space<semaphore_mem>>) src(%arg11 : memref<80x128xf32, #tpu.memory_space<vmem>>) dst(%dma_wait3A_472 : memref<10000x128xf32, #tpu.memory_space<vmem_shared>>)
      tpu.yield
    }) : () -> ()
    %dma_wait3A_340 = arith.constant 0 : i32
    %dma_wait3A_341 = tpu.memref_slice %arg15[%dma_wait3A_340] : memref<640xf32, #tpu.memory_space<vmem>> -> memref<80xf32, #tpu.memory_space<vmem>>
    %dma_wait3A_342 = arith.constant 0 : i32
    %dma_wait3A_343 = tpu.memref_slice %arg6[%dma_wait3A_342] : memref<640xf32, #tpu.memory_space<hbm>> -> memref<80xf32, #tpu.memory_space<hbm>>
    %dma_wait3A_344 = arith.constant 0 : i32
    %dma_wait3A_345 = tpu.memref_slice %arg15[%dma_wait3A_344] : memref<640xf32, #tpu.memory_space<vmem>> -> memref<80xf32, #tpu.memory_space<vmem>>
    %dma_wait3A_346 = arith.constant 0 : i32
    %dma_wait3A_347 = tpu.memref_slice %arg6[%dma_wait3A_346] : memref<640xf32, #tpu.memory_space<hbm>> -> memref<80xf32, #tpu.memory_space<hbm>>
    tpu.wait_dma2 semaphore(%arg28 : memref<!tpu.dma_semaphore, #tpu.memory_space<semaphore_mem>>) src(%dma_wait3A_347 : memref<80xf32, #tpu.memory_space<hbm>>) dst(%dma_wait3A_345 : memref<80xf32, #tpu.memory_space<vmem>>)
    %dma_wait3A_348 = arith.constant 0 : i32
    %dma_wait3A_349 = arith.constant 0 : i32
    %dma_wait3A_350 = tpu.memref_slice %arg9[%dma_wait3A_348, %dma_wait3A_349] : memref<6x80xi32, #tpu.memory_space<vmem>> -> memref<1x80xi32, #tpu.memory_space<vmem>>
    %dma_wait3A_351 = tpu.memref_squeeze %dma_wait3A_350 : memref<1x80xi32, #tpu.memory_space<vmem>> -> memref<80xi32, #tpu.memory_space<vmem>>
    %dma_wait3A_352 = arith.constant 0 : i32
    %dma_wait3A_353 = arith.constant 0 : i32
    %dma_wait3A_354 = tpu.memref_slice %arg2[%dma_wait3A_352, %dma_wait3A_353] : memref<10000x128xf32, #tpu.memory_space<hbm>> -> memref<10000x128xf32, #tpu.memory_space<hbm>>
    tpu.wait_indirect_dma semaphore(%arg19 : memref<!tpu.dma_semaphore, #tpu.memory_space<semaphore_mem>>) src(%dma_wait3A_354 : memref<10000x128xf32, #tpu.memory_space<hbm>>) dst(%arg12 : memref<80x128xf32, #tpu.memory_space<vmem>>)
    %run_scoped3A_355 = arith.constant 124 : i32
    "tpu.region"() ({
      %run_scoped3A_460 = tpu.sem_alloc : memref<!tpu.dma_semaphore, #tpu.memory_space<semaphore_mem>>
      %dma_start3A_461 = arith.constant 0 : i32
      %dma_start3A_462 = tpu.memref_slice %arg10[%run_scoped3A_355, %dma_start3A_461] : memref<125x80xi32, #tpu.memory_space<vmem>> -> memref<1x80xi32, #tpu.memory_space<vmem>>
      %dma_start3A_463 = tpu.memref_squeeze %dma_start3A_462 : memref<1x80xi32, #tpu.memory_space<vmem>> -> memref<80xi32, #tpu.memory_space<vmem>>
      %dma_start3A_464 = arith.constant 0 : i32
      %dma_start3A_465 = arith.constant 0 : i32
      %dma_start3A_466 = tpu.memref_slice %arg16[%dma_start3A_464, %dma_start3A_465] : memref<10000x128xf32, #tpu.memory_space<vmem_shared>> -> memref<10000x128xf32, #tpu.memory_space<vmem_shared>>
      tpu.enqueue_indirect_dma source(%arg12 : memref<80x128xf32, #tpu.memory_space<vmem>>) target(%dma_start3A_466 : memref<10000x128xf32, #tpu.memory_space<vmem_shared>>) offsets(%dma_start3A_463 : memref<80xi32, #tpu.memory_space<vmem>>) semaphore(%run_scoped3A_460 : memref<!tpu.dma_semaphore, #tpu.memory_space<semaphore_mem>>) {add = true}
      %dma_wait3A_467 = arith.constant 0 : i32
      %dma_wait3A_468 = tpu.memref_slice %arg10[%run_scoped3A_355, %dma_wait3A_467] : memref<125x80xi32, #tpu.memory_space<vmem>> -> memref<1x80xi32, #tpu.memory_space<vmem>>
      %dma_wait3A_469 = tpu.memref_squeeze %dma_wait3A_468 : memref<1x80xi32, #tpu.memory_space<vmem>> -> memref<80xi32, #tpu.memory_space<vmem>>
      %dma_wait3A_470 = arith.constant 0 : i32
      %dma_wait3A_471 = arith.constant 0 : i32
      %dma_wait3A_472 = tpu.memref_slice %arg16[%dma_wait3A_470, %dma_wait3A_471] : memref<10000x128xf32, #tpu.memory_space<vmem_shared>> -> memref<10000x128xf32, #tpu.memory_space<vmem_shared>>
      tpu.wait_indirect_dma semaphore(%run_scoped3A_460 : memref<!tpu.dma_semaphore, #tpu.memory_space<semaphore_mem>>) src(%arg12 : memref<80x128xf32, #tpu.memory_space<vmem>>) dst(%dma_wait3A_472 : memref<10000x128xf32, #tpu.memory_space<vmem_shared>>)
      tpu.yield
    }) : () -> ()
    %dma_wait3A_356 = arith.constant 0 : i32
    %dma_wait3A_357 = tpu.memref_slice %arg15[%dma_wait3A_356] : memref<640xf32, #tpu.memory_space<vmem>> -> memref<80xf32, #tpu.memory_space<vmem>>
    %dma_wait3A_358 = arith.constant 0 : i32
    %dma_wait3A_359 = tpu.memref_slice %arg6[%dma_wait3A_358] : memref<640xf32, #tpu.memory_space<hbm>> -> memref<80xf32, #tpu.memory_space<hbm>>
    %dma_wait3A_360 = arith.constant 0 : i32
    %dma_wait3A_361 = tpu.memref_slice %arg15[%dma_wait3A_360] : memref<640xf32, #tpu.memory_space<vmem>> -> memref<80xf32, #tpu.memory_space<vmem>>
    %dma_wait3A_362 = arith.constant 0 : i32
    %dma_wait3A_363 = tpu.memref_slice %arg6[%dma_wait3A_362] : memref<640xf32, #tpu.memory_space<hbm>> -> memref<80xf32, #tpu.memory_space<hbm>>
    tpu.wait_dma2 semaphore(%arg27 : memref<!tpu.dma_semaphore, #tpu.memory_space<semaphore_mem>>) src(%dma_wait3A_363 : memref<80xf32, #tpu.memory_space<hbm>>) dst(%dma_wait3A_361 : memref<80xf32, #tpu.memory_space<vmem>>)
    %barrier3A_364 = arith.constant 0 : index
    tpu.barrier barrier_id(%barrier3A_364)
    %convert_element_type3A_365 = arith.extui %eq3A_3 : i1 to i32
    %cond3A_366 = arith.constant 0 : i32
    %cond3A_367 = arith.cmpi ne, %convert_element_type3A_365, %cond3A_366 : i32
    scf.if %cond3A_367 {
      %dma_start3A_460 = arith.constant 0 : i32
      %dma_start3A_461 = tpu.memref_slice %arg15[%dma_start3A_460] : memref<640xf32, #tpu.memory_space<vmem>> -> memref<400xf32, #tpu.memory_space<vmem>>
      %dma_start3A_462 = tpu.memref_slice %arg17[%mul3A_2] : memref<10000xf32, #tpu.memory_space<vmem_shared>> -> memref<400xf32, #tpu.memory_space<vmem_shared>>
      %dma_start3A_463 = arith.constant 0 : i32
      %dma_start3A_464 = tpu.memref_slice %arg15[%dma_start3A_463] : memref<640xf32, #tpu.memory_space<vmem>> -> memref<400xf32, #tpu.memory_space<vmem>>
      %dma_start3A_465 = tpu.memref_slice %arg17[%mul3A_2] : memref<10000xf32, #tpu.memory_space<vmem_shared>> -> memref<400xf32, #tpu.memory_space<vmem_shared>>
      tpu.enqueue_dma source(%dma_start3A_465 : memref<400xf32, #tpu.memory_space<vmem_shared>>) target(%dma_start3A_464 : memref<400xf32, #tpu.memory_space<vmem>>) target_semaphore(%arg27 : memref<!tpu.dma_semaphore, #tpu.memory_space<semaphore_mem>>)
    } else {
    }
    %not3A_368 = arith.constant true
    %not3A_369 = arith.xori %eq3A_3, %not3A_368 : i1
    %convert_element_type3A_370 = arith.extui %not3A_369 : i1 to i32
    %cond3A_371 = arith.constant 0 : i32
    %cond3A_372 = arith.cmpi ne, %convert_element_type3A_370, %cond3A_371 : i32
    scf.if %cond3A_372 {
      %dma_start3A_460 = tpu.memref_slice %arg17[%mul3A_2] : memref<10000xf32, #tpu.memory_space<vmem_shared>> -> memref<640xf32, #tpu.memory_space<vmem_shared>>
      %dma_start3A_461 = tpu.memref_slice %arg17[%mul3A_2] : memref<10000xf32, #tpu.memory_space<vmem_shared>> -> memref<640xf32, #tpu.memory_space<vmem_shared>>
      tpu.enqueue_dma source(%dma_start3A_461 : memref<640xf32, #tpu.memory_space<vmem_shared>>) target(%arg15 : memref<640xf32, #tpu.memory_space<vmem>>) target_semaphore(%arg27 : memref<!tpu.dma_semaphore, #tpu.memory_space<semaphore_mem>>)
    } else {
    }
    %add3A_373 = arith.constant 0 : i32
    %add3A_374 = arith.addi %mul3A_2, %add3A_373 : i32
    %gt3A = arith.constant 0 : i32
    %gt3A_375 = arith.cmpi sgt, %select_n3A, %gt3A : i32
    %convert_element_type3A_376 = arith.extui %gt3A_375 : i1 to i32
    %cond3A_377 = arith.constant 0 : i32
    %cond3A_378 = arith.cmpi ne, %convert_element_type3A_376, %cond3A_377 : i32
    scf.if %cond3A_378 {
      "tpu.region"() ({
        %run_scoped3A_472 = tpu.sem_alloc : memref<!tpu.dma_semaphore, #tpu.memory_space<semaphore_mem>>
        %dma_start3A_473 = arith.constant 0 : i32
        %dma_start3A_474 = arith.constant 0 : i32
        %dma_start3A_475 = tpu.memref_slice %arg11[%dma_start3A_473, %dma_start3A_474] : memref<80x128xf32, #tpu.memory_space<vmem>> -> memref<80x128xf32, #tpu.memory_space<vmem>>
        %dma_start3A_476 = arith.constant 0 : i32
        %dma_start3A_477 = tpu.memref_slice %arg16[%add3A_374, %dma_start3A_476] : memref<10000x128xf32, #tpu.memory_space<vmem_shared>> -> memref<80x128xf32, #tpu.memory_space<vmem_shared>>
        %dma_start3A_478 = arith.constant 0 : i32
        %dma_start3A_479 = arith.constant 0 : i32
        %dma_start3A_480 = tpu.memref_slice %arg11[%dma_start3A_478, %dma_start3A_479] : memref<80x128xf32, #tpu.memory_space<vmem>> -> memref<80x128xf32, #tpu.memory_space<vmem>>
        %dma_start3A_481 = arith.constant 0 : i32
        %dma_start3A_482 = tpu.memref_slice %arg16[%add3A_374, %dma_start3A_481] : memref<10000x128xf32, #tpu.memory_space<vmem_shared>> -> memref<80x128xf32, #tpu.memory_space<vmem_shared>>
        tpu.enqueue_dma source(%dma_start3A_482 : memref<80x128xf32, #tpu.memory_space<vmem_shared>>) target(%dma_start3A_480 : memref<80x128xf32, #tpu.memory_space<vmem>>) target_semaphore(%run_scoped3A_472 : memref<!tpu.dma_semaphore, #tpu.memory_space<semaphore_mem>>)
        %dma_wait3A_483 = arith.constant 0 : i32
        %dma_wait3A_484 = arith.constant 0 : i32
        %dma_wait3A_485 = tpu.memref_slice %arg11[%dma_wait3A_483, %dma_wait3A_484] : memref<80x128xf32, #tpu.memory_space<vmem>> -> memref<80x128xf32, #tpu.memory_space<vmem>>
        %dma_wait3A_486 = arith.constant 0 : i32
        %dma_wait3A_487 = tpu.memref_slice %arg16[%add3A_374, %dma_wait3A_486] : memref<10000x128xf32, #tpu.memory_space<vmem_shared>> -> memref<80x128xf32, #tpu.memory_space<vmem_shared>>
        %dma_wait3A_488 = arith.constant 0 : i32
        %dma_wait3A_489 = arith.constant 0 : i32
        %dma_wait3A_490 = tpu.memref_slice %arg11[%dma_wait3A_488, %dma_wait3A_489] : memref<80x128xf32, #tpu.memory_space<vmem>> -> memref<80x128xf32, #tpu.memory_space<vmem>>
        %dma_wait3A_491 = arith.constant 0 : i32
        %dma_wait3A_492 = tpu.memref_slice %arg16[%add3A_374, %dma_wait3A_491] : memref<10000x128xf32, #tpu.memory_space<vmem_shared>> -> memref<80x128xf32, #tpu.memory_space<vmem_shared>>
        tpu.wait_dma2 semaphore(%run_scoped3A_472 : memref<!tpu.dma_semaphore, #tpu.memory_space<semaphore_mem>>) src(%dma_wait3A_492 : memref<80x128xf32, #tpu.memory_space<vmem_shared>>) dst(%dma_wait3A_490 : memref<80x128xf32, #tpu.memory_space<vmem>>)
        tpu.yield
      }) : () -> ()
      %dma_start3A_460 = arith.constant 0 : i32
      %dma_start3A_461 = arith.constant 0 : i32
      %dma_start3A_462 = tpu.memref_slice %arg11[%dma_start3A_460, %dma_start3A_461] : memref<80x128xf32, #tpu.memory_space<vmem>> -> memref<80x128xf32, #tpu.memory_space<vmem>>
      %dma_start3A_463 = arith.constant 0 : i32
      %dma_start3A_464 = tpu.memref_slice %arg7[%arg0, %add3A_374, %dma_start3A_463] : memref<2x10000x128xf32, #tpu.memory_space<hbm>> -> memref<1x80x128xf32, #tpu.memory_space<hbm>>
      %dma_start3A_465 = tpu.memref_squeeze %dma_start3A_464 : memref<1x80x128xf32, #tpu.memory_space<hbm>> -> memref<80x128xf32, #tpu.memory_space<hbm>>
      %dma_start3A_466 = arith.constant 0 : i32
      %dma_start3A_467 = tpu.memref_slice %arg7[%arg0, %add3A_374, %dma_start3A_466] : memref<2x10000x128xf32, #tpu.memory_space<hbm>> -> memref<1x80x128xf32, #tpu.memory_space<hbm>>
      %dma_start3A_468 = tpu.memref_squeeze %dma_start3A_467 : memref<1x80x128xf32, #tpu.memory_space<hbm>> -> memref<80x128xf32, #tpu.memory_space<hbm>>
      %dma_start3A_469 = arith.constant 0 : i32
      %dma_start3A_470 = arith.constant 0 : i32
      %dma_start3A_471 = tpu.memref_slice %arg11[%dma_start3A_469, %dma_start3A_470] : memref<80x128xf32, #tpu.memory_space<vmem>> -> memref<80x128xf32, #tpu.memory_space<vmem>>
      tpu.enqueue_dma source(%dma_start3A_471 : memref<80x128xf32, #tpu.memory_space<vmem>>) target(%dma_start3A_468 : memref<80x128xf32, #tpu.memory_space<hbm>>) target_semaphore(%arg18 : memref<!tpu.dma_semaphore, #tpu.memory_space<semaphore_mem>>)
    } else {
    }
    %add3A_379 = arith.constant 80 : i32
    %add3A_380 = arith.addi %mul3A_2, %add3A_379 : i32
    %gt3A_381 = arith.constant 1 : i32
    %gt3A_382 = arith.cmpi sgt, %select_n3A, %gt3A_381 : i32
    %convert_element_type3A_383 = arith.extui %gt3A_382 : i1 to i32
    %cond3A_384 = arith.constant 0 : i32
    %cond3A_385 = arith.cmpi ne, %convert_element_type3A_383, %cond3A_384 : i32
    scf.if %cond3A_385 {
      "tpu.region"() ({
        %run_scoped3A_472 = tpu.sem_alloc : memref<!tpu.dma_semaphore, #tpu.memory_space<semaphore_mem>>
        %dma_start3A_473 = arith.constant 0 : i32
        %dma_start3A_474 = arith.constant 0 : i32
        %dma_start3A_475 = tpu.memref_slice %arg12[%dma_start3A_473, %dma_start3A_474] : memref<80x128xf32, #tpu.memory_space<vmem>> -> memref<80x128xf32, #tpu.memory_space<vmem>>
        %dma_start3A_476 = arith.constant 0 : i32
        %dma_start3A_477 = tpu.memref_slice %arg16[%add3A_380, %dma_start3A_476] : memref<10000x128xf32, #tpu.memory_space<vmem_shared>> -> memref<80x128xf32, #tpu.memory_space<vmem_shared>>
        %dma_start3A_478 = arith.constant 0 : i32
        %dma_start3A_479 = arith.constant 0 : i32
        %dma_start3A_480 = tpu.memref_slice %arg12[%dma_start3A_478, %dma_start3A_479] : memref<80x128xf32, #tpu.memory_space<vmem>> -> memref<80x128xf32, #tpu.memory_space<vmem>>
        %dma_start3A_481 = arith.constant 0 : i32
        %dma_start3A_482 = tpu.memref_slice %arg16[%add3A_380, %dma_start3A_481] : memref<10000x128xf32, #tpu.memory_space<vmem_shared>> -> memref<80x128xf32, #tpu.memory_space<vmem_shared>>
        tpu.enqueue_dma source(%dma_start3A_482 : memref<80x128xf32, #tpu.memory_space<vmem_shared>>) target(%dma_start3A_480 : memref<80x128xf32, #tpu.memory_space<vmem>>) target_semaphore(%run_scoped3A_472 : memref<!tpu.dma_semaphore, #tpu.memory_space<semaphore_mem>>)
        %dma_wait3A_483 = arith.constant 0 : i32
        %dma_wait3A_484 = arith.constant 0 : i32
        %dma_wait3A_485 = tpu.memref_slice %arg12[%dma_wait3A_483, %dma_wait3A_484] : memref<80x128xf32, #tpu.memory_space<vmem>> -> memref<80x128xf32, #tpu.memory_space<vmem>>
        %dma_wait3A_486 = arith.constant 0 : i32
        %dma_wait3A_487 = tpu.memref_slice %arg16[%add3A_380, %dma_wait3A_486] : memref<10000x128xf32, #tpu.memory_space<vmem_shared>> -> memref<80x128xf32, #tpu.memory_space<vmem_shared>>
        %dma_wait3A_488 = arith.constant 0 : i32
        %dma_wait3A_489 = arith.constant 0 : i32
        %dma_wait3A_490 = tpu.memref_slice %arg12[%dma_wait3A_488, %dma_wait3A_489] : memref<80x128xf32, #tpu.memory_space<vmem>> -> memref<80x128xf32, #tpu.memory_space<vmem>>
        %dma_wait3A_491 = arith.constant 0 : i32
        %dma_wait3A_492 = tpu.memref_slice %arg16[%add3A_380, %dma_wait3A_491] : memref<10000x128xf32, #tpu.memory_space<vmem_shared>> -> memref<80x128xf32, #tpu.memory_space<vmem_shared>>
        tpu.wait_dma2 semaphore(%run_scoped3A_472 : memref<!tpu.dma_semaphore, #tpu.memory_space<semaphore_mem>>) src(%dma_wait3A_492 : memref<80x128xf32, #tpu.memory_space<vmem_shared>>) dst(%dma_wait3A_490 : memref<80x128xf32, #tpu.memory_space<vmem>>)
        tpu.yield
      }) : () -> ()
      %dma_start3A_460 = arith.constant 0 : i32
      %dma_start3A_461 = arith.constant 0 : i32
      %dma_start3A_462 = tpu.memref_slice %arg12[%dma_start3A_460, %dma_start3A_461] : memref<80x128xf32, #tpu.memory_space<vmem>> -> memref<80x128xf32, #tpu.memory_space<vmem>>
      %dma_start3A_463 = arith.constant 0 : i32
      %dma_start3A_464 = tpu.memref_slice %arg7[%arg0, %add3A_380, %dma_start3A_463] : memref<2x10000x128xf32, #tpu.memory_space<hbm>> -> memref<1x80x128xf32, #tpu.memory_space<hbm>>
      %dma_start3A_465 = tpu.memref_squeeze %dma_start3A_464 : memref<1x80x128xf32, #tpu.memory_space<hbm>> -> memref<80x128xf32, #tpu.memory_space<hbm>>
      %dma_start3A_466 = arith.constant 0 : i32
      %dma_start3A_467 = tpu.memref_slice %arg7[%arg0, %add3A_380, %dma_start3A_466] : memref<2x10000x128xf32, #tpu.memory_space<hbm>> -> memref<1x80x128xf32, #tpu.memory_space<hbm>>
      %dma_start3A_468 = tpu.memref_squeeze %dma_start3A_467 : memref<1x80x128xf32, #tpu.memory_space<hbm>> -> memref<80x128xf32, #tpu.memory_space<hbm>>
      %dma_start3A_469 = arith.constant 0 : i32
      %dma_start3A_470 = arith.constant 0 : i32
      %dma_start3A_471 = tpu.memref_slice %arg12[%dma_start3A_469, %dma_start3A_470] : memref<80x128xf32, #tpu.memory_space<vmem>> -> memref<80x128xf32, #tpu.memory_space<vmem>>
      tpu.enqueue_dma source(%dma_start3A_471 : memref<80x128xf32, #tpu.memory_space<vmem>>) target(%dma_start3A_468 : memref<80x128xf32, #tpu.memory_space<hbm>>) target_semaphore(%arg19 : memref<!tpu.dma_semaphore, #tpu.memory_space<semaphore_mem>>)
    } else {
    }
    %add3A_386 = arith.constant 160 : i32
    %add3A_387 = arith.addi %mul3A_2, %add3A_386 : i32
    %gt3A_388 = arith.constant 2 : i32
    %gt3A_389 = arith.cmpi sgt, %select_n3A, %gt3A_388 : i32
    %convert_element_type3A_390 = arith.extui %gt3A_389 : i1 to i32
    %cond3A_391 = arith.constant 0 : i32
    %cond3A_392 = arith.cmpi ne, %convert_element_type3A_390, %cond3A_391 : i32
    scf.if %cond3A_392 {
      %dma_wait3A_460 = arith.constant 0 : i32
      %dma_wait3A_461 = arith.constant 0 : i32
      %dma_wait3A_462 = tpu.memref_slice %arg11[%dma_wait3A_460, %dma_wait3A_461] : memref<80x128xf32, #tpu.memory_space<vmem>> -> memref<80x128xf32, #tpu.memory_space<vmem>>
      %dma_wait3A_463 = arith.constant 0 : i32
      %dma_wait3A_464 = tpu.memref_slice %arg7[%arg0, %mul3A_2, %dma_wait3A_463] : memref<2x10000x128xf32, #tpu.memory_space<hbm>> -> memref<1x80x128xf32, #tpu.memory_space<hbm>>
      %dma_wait3A_465 = tpu.memref_squeeze %dma_wait3A_464 : memref<1x80x128xf32, #tpu.memory_space<hbm>> -> memref<80x128xf32, #tpu.memory_space<hbm>>
      %dma_wait3A_466 = arith.constant 0 : i32
      %dma_wait3A_467 = tpu.memref_slice %arg7[%arg0, %mul3A_2, %dma_wait3A_466] : memref<2x10000x128xf32, #tpu.memory_space<hbm>> -> memref<1x80x128xf32, #tpu.memory_space<hbm>>
      %dma_wait3A_468 = tpu.memref_squeeze %dma_wait3A_467 : memref<1x80x128xf32, #tpu.memory_space<hbm>> -> memref<80x128xf32, #tpu.memory_space<hbm>>
      %dma_wait3A_469 = arith.constant 0 : i32
      %dma_wait3A_470 = arith.constant 0 : i32
      %dma_wait3A_471 = tpu.memref_slice %arg11[%dma_wait3A_469, %dma_wait3A_470] : memref<80x128xf32, #tpu.memory_space<vmem>> -> memref<80x128xf32, #tpu.memory_space<vmem>>
      tpu.wait_dma2 semaphore(%arg18 : memref<!tpu.dma_semaphore, #tpu.memory_space<semaphore_mem>>) src(%dma_wait3A_471 : memref<80x128xf32, #tpu.memory_space<vmem>>) dst(%dma_wait3A_468 : memref<80x128xf32, #tpu.memory_space<hbm>>)
      "tpu.region"() ({
        %run_scoped3A_484 = tpu.sem_alloc : memref<!tpu.dma_semaphore, #tpu.memory_space<semaphore_mem>>
        %dma_start3A_485 = arith.constant 0 : i32
        %dma_start3A_486 = arith.constant 0 : i32
        %dma_start3A_487 = tpu.memref_slice %arg11[%dma_start3A_485, %dma_start3A_486] : memref<80x128xf32, #tpu.memory_space<vmem>> -> memref<80x128xf32, #tpu.memory_space<vmem>>
        %dma_start3A_488 = arith.constant 0 : i32
        %dma_start3A_489 = tpu.memref_slice %arg16[%add3A_387, %dma_start3A_488] : memref<10000x128xf32, #tpu.memory_space<vmem_shared>> -> memref<80x128xf32, #tpu.memory_space<vmem_shared>>
        %dma_start3A_490 = arith.constant 0 : i32
        %dma_start3A_491 = arith.constant 0 : i32
        %dma_start3A_492 = tpu.memref_slice %arg11[%dma_start3A_490, %dma_start3A_491] : memref<80x128xf32, #tpu.memory_space<vmem>> -> memref<80x128xf32, #tpu.memory_space<vmem>>
        %dma_start3A_493 = arith.constant 0 : i32
        %dma_start3A_494 = tpu.memref_slice %arg16[%add3A_387, %dma_start3A_493] : memref<10000x128xf32, #tpu.memory_space<vmem_shared>> -> memref<80x128xf32, #tpu.memory_space<vmem_shared>>
        tpu.enqueue_dma source(%dma_start3A_494 : memref<80x128xf32, #tpu.memory_space<vmem_shared>>) target(%dma_start3A_492 : memref<80x128xf32, #tpu.memory_space<vmem>>) target_semaphore(%run_scoped3A_484 : memref<!tpu.dma_semaphore, #tpu.memory_space<semaphore_mem>>)
        %dma_wait3A_495 = arith.constant 0 : i32
        %dma_wait3A_496 = arith.constant 0 : i32
        %dma_wait3A_497 = tpu.memref_slice %arg11[%dma_wait3A_495, %dma_wait3A_496] : memref<80x128xf32, #tpu.memory_space<vmem>> -> memref<80x128xf32, #tpu.memory_space<vmem>>
        %dma_wait3A_498 = arith.constant 0 : i32
        %dma_wait3A_499 = tpu.memref_slice %arg16[%add3A_387, %dma_wait3A_498] : memref<10000x128xf32, #tpu.memory_space<vmem_shared>> -> memref<80x128xf32, #tpu.memory_space<vmem_shared>>
        %dma_wait3A_500 = arith.constant 0 : i32
        %dma_wait3A_501 = arith.constant 0 : i32
        %dma_wait3A_502 = tpu.memref_slice %arg11[%dma_wait3A_500, %dma_wait3A_501] : memref<80x128xf32, #tpu.memory_space<vmem>> -> memref<80x128xf32, #tpu.memory_space<vmem>>
        %dma_wait3A_503 = arith.constant 0 : i32
        %dma_wait3A_504 = tpu.memref_slice %arg16[%add3A_387, %dma_wait3A_503] : memref<10000x128xf32, #tpu.memory_space<vmem_shared>> -> memref<80x128xf32, #tpu.memory_space<vmem_shared>>
        tpu.wait_dma2 semaphore(%run_scoped3A_484 : memref<!tpu.dma_semaphore, #tpu.memory_space<semaphore_mem>>) src(%dma_wait3A_504 : memref<80x128xf32, #tpu.memory_space<vmem_shared>>) dst(%dma_wait3A_502 : memref<80x128xf32, #tpu.memory_space<vmem>>)
        tpu.yield
      }) : () -> ()
      %dma_start3A_472 = arith.constant 0 : i32
      %dma_start3A_473 = arith.constant 0 : i32
      %dma_start3A_474 = tpu.memref_slice %arg11[%dma_start3A_472, %dma_start3A_473] : memref<80x128xf32, #tpu.memory_space<vmem>> -> memref<80x128xf32, #tpu.memory_space<vmem>>
      %dma_start3A_475 = arith.constant 0 : i32
      %dma_start3A_476 = tpu.memref_slice %arg7[%arg0, %add3A_387, %dma_start3A_475] : memref<2x10000x128xf32, #tpu.memory_space<hbm>> -> memref<1x80x128xf32, #tpu.memory_space<hbm>>
      %dma_start3A_477 = tpu.memref_squeeze %dma_start3A_476 : memref<1x80x128xf32, #tpu.memory_space<hbm>> -> memref<80x128xf32, #tpu.memory_space<hbm>>
      %dma_start3A_478 = arith.constant 0 : i32
      %dma_start3A_479 = tpu.memref_slice %arg7[%arg0, %add3A_387, %dma_start3A_478] : memref<2x10000x128xf32, #tpu.memory_space<hbm>> -> memref<1x80x128xf32, #tpu.memory_space<hbm>>
      %dma_start3A_480 = tpu.memref_squeeze %dma_start3A_479 : memref<1x80x128xf32, #tpu.memory_space<hbm>> -> memref<80x128xf32, #tpu.memory_space<hbm>>
      %dma_start3A_481 = arith.constant 0 : i32
      %dma_start3A_482 = arith.constant 0 : i32
      %dma_start3A_483 = tpu.memref_slice %arg11[%dma_start3A_481, %dma_start3A_482] : memref<80x128xf32, #tpu.memory_space<vmem>> -> memref<80x128xf32, #tpu.memory_space<vmem>>
      tpu.enqueue_dma source(%dma_start3A_483 : memref<80x128xf32, #tpu.memory_space<vmem>>) target(%dma_start3A_480 : memref<80x128xf32, #tpu.memory_space<hbm>>) target_semaphore(%arg18 : memref<!tpu.dma_semaphore, #tpu.memory_space<semaphore_mem>>)
    } else {
    }
    %add3A_393 = arith.constant 240 : i32
    %add3A_394 = arith.addi %mul3A_2, %add3A_393 : i32
    %gt3A_395 = arith.constant 3 : i32
    %gt3A_396 = arith.cmpi sgt, %select_n3A, %gt3A_395 : i32
    %convert_element_type3A_397 = arith.extui %gt3A_396 : i1 to i32
    %cond3A_398 = arith.constant 0 : i32
    %cond3A_399 = arith.cmpi ne, %convert_element_type3A_397, %cond3A_398 : i32
    scf.if %cond3A_399 {
      %dma_wait3A_460 = arith.constant 0 : i32
      %dma_wait3A_461 = arith.constant 0 : i32
      %dma_wait3A_462 = tpu.memref_slice %arg12[%dma_wait3A_460, %dma_wait3A_461] : memref<80x128xf32, #tpu.memory_space<vmem>> -> memref<80x128xf32, #tpu.memory_space<vmem>>
      %dma_wait3A_463 = arith.constant 0 : i32
      %dma_wait3A_464 = tpu.memref_slice %arg7[%arg0, %mul3A_2, %dma_wait3A_463] : memref<2x10000x128xf32, #tpu.memory_space<hbm>> -> memref<1x80x128xf32, #tpu.memory_space<hbm>>
      %dma_wait3A_465 = tpu.memref_squeeze %dma_wait3A_464 : memref<1x80x128xf32, #tpu.memory_space<hbm>> -> memref<80x128xf32, #tpu.memory_space<hbm>>
      %dma_wait3A_466 = arith.constant 0 : i32
      %dma_wait3A_467 = tpu.memref_slice %arg7[%arg0, %mul3A_2, %dma_wait3A_466] : memref<2x10000x128xf32, #tpu.memory_space<hbm>> -> memref<1x80x128xf32, #tpu.memory_space<hbm>>
      %dma_wait3A_468 = tpu.memref_squeeze %dma_wait3A_467 : memref<1x80x128xf32, #tpu.memory_space<hbm>> -> memref<80x128xf32, #tpu.memory_space<hbm>>
      %dma_wait3A_469 = arith.constant 0 : i32
      %dma_wait3A_470 = arith.constant 0 : i32
      %dma_wait3A_471 = tpu.memref_slice %arg12[%dma_wait3A_469, %dma_wait3A_470] : memref<80x128xf32, #tpu.memory_space<vmem>> -> memref<80x128xf32, #tpu.memory_space<vmem>>
      tpu.wait_dma2 semaphore(%arg19 : memref<!tpu.dma_semaphore, #tpu.memory_space<semaphore_mem>>) src(%dma_wait3A_471 : memref<80x128xf32, #tpu.memory_space<vmem>>) dst(%dma_wait3A_468 : memref<80x128xf32, #tpu.memory_space<hbm>>)
      "tpu.region"() ({
        %run_scoped3A_484 = tpu.sem_alloc : memref<!tpu.dma_semaphore, #tpu.memory_space<semaphore_mem>>
        %dma_start3A_485 = arith.constant 0 : i32
        %dma_start3A_486 = arith.constant 0 : i32
        %dma_start3A_487 = tpu.memref_slice %arg12[%dma_start3A_485, %dma_start3A_486] : memref<80x128xf32, #tpu.memory_space<vmem>> -> memref<80x128xf32, #tpu.memory_space<vmem>>
        %dma_start3A_488 = arith.constant 0 : i32
        %dma_start3A_489 = tpu.memref_slice %arg16[%add3A_394, %dma_start3A_488] : memref<10000x128xf32, #tpu.memory_space<vmem_shared>> -> memref<80x128xf32, #tpu.memory_space<vmem_shared>>
        %dma_start3A_490 = arith.constant 0 : i32
        %dma_start3A_491 = arith.constant 0 : i32
        %dma_start3A_492 = tpu.memref_slice %arg12[%dma_start3A_490, %dma_start3A_491] : memref<80x128xf32, #tpu.memory_space<vmem>> -> memref<80x128xf32, #tpu.memory_space<vmem>>
        %dma_start3A_493 = arith.constant 0 : i32
        %dma_start3A_494 = tpu.memref_slice %arg16[%add3A_394, %dma_start3A_493] : memref<10000x128xf32, #tpu.memory_space<vmem_shared>> -> memref<80x128xf32, #tpu.memory_space<vmem_shared>>
        tpu.enqueue_dma source(%dma_start3A_494 : memref<80x128xf32, #tpu.memory_space<vmem_shared>>) target(%dma_start3A_492 : memref<80x128xf32, #tpu.memory_space<vmem>>) target_semaphore(%run_scoped3A_484 : memref<!tpu.dma_semaphore, #tpu.memory_space<semaphore_mem>>)
        %dma_wait3A_495 = arith.constant 0 : i32
        %dma_wait3A_496 = arith.constant 0 : i32
        %dma_wait3A_497 = tpu.memref_slice %arg12[%dma_wait3A_495, %dma_wait3A_496] : memref<80x128xf32, #tpu.memory_space<vmem>> -> memref<80x128xf32, #tpu.memory_space<vmem>>
        %dma_wait3A_498 = arith.constant 0 : i32
        %dma_wait3A_499 = tpu.memref_slice %arg16[%add3A_394, %dma_wait3A_498] : memref<10000x128xf32, #tpu.memory_space<vmem_shared>> -> memref<80x128xf32, #tpu.memory_space<vmem_shared>>
        %dma_wait3A_500 = arith.constant 0 : i32
        %dma_wait3A_501 = arith.constant 0 : i32
        %dma_wait3A_502 = tpu.memref_slice %arg12[%dma_wait3A_500, %dma_wait3A_501] : memref<80x128xf32, #tpu.memory_space<vmem>> -> memref<80x128xf32, #tpu.memory_space<vmem>>
        %dma_wait3A_503 = arith.constant 0 : i32
        %dma_wait3A_504 = tpu.memref_slice %arg16[%add3A_394, %dma_wait3A_503] : memref<10000x128xf32, #tpu.memory_space<vmem_shared>> -> memref<80x128xf32, #tpu.memory_space<vmem_shared>>
        tpu.wait_dma2 semaphore(%run_scoped3A_484 : memref<!tpu.dma_semaphore, #tpu.memory_space<semaphore_mem>>) src(%dma_wait3A_504 : memref<80x128xf32, #tpu.memory_space<vmem_shared>>) dst(%dma_wait3A_502 : memref<80x128xf32, #tpu.memory_space<vmem>>)
        tpu.yield
      }) : () -> ()
      %dma_start3A_472 = arith.constant 0 : i32
      %dma_start3A_473 = arith.constant 0 : i32
      %dma_start3A_474 = tpu.memref_slice %arg12[%dma_start3A_472, %dma_start3A_473] : memref<80x128xf32, #tpu.memory_space<vmem>> -> memref<80x128xf32, #tpu.memory_space<vmem>>
      %dma_start3A_475 = arith.constant 0 : i32
      %dma_start3A_476 = tpu.memref_slice %arg7[%arg0, %add3A_394, %dma_start3A_475] : memref<2x10000x128xf32, #tpu.memory_space<hbm>> -> memref<1x80x128xf32, #tpu.memory_space<hbm>>
      %dma_start3A_477 = tpu.memref_squeeze %dma_start3A_476 : memref<1x80x128xf32, #tpu.memory_space<hbm>> -> memref<80x128xf32, #tpu.memory_space<hbm>>
      %dma_start3A_478 = arith.constant 0 : i32
      %dma_start3A_479 = tpu.memref_slice %arg7[%arg0, %add3A_394, %dma_start3A_478] : memref<2x10000x128xf32, #tpu.memory_space<hbm>> -> memref<1x80x128xf32, #tpu.memory_space<hbm>>
      %dma_start3A_480 = tpu.memref_squeeze %dma_start3A_479 : memref<1x80x128xf32, #tpu.memory_space<hbm>> -> memref<80x128xf32, #tpu.memory_space<hbm>>
      %dma_start3A_481 = arith.constant 0 : i32
      %dma_start3A_482 = arith.constant 0 : i32
      %dma_start3A_483 = tpu.memref_slice %arg12[%dma_start3A_481, %dma_start3A_482] : memref<80x128xf32, #tpu.memory_space<vmem>> -> memref<80x128xf32, #tpu.memory_space<vmem>>
      tpu.enqueue_dma source(%dma_start3A_483 : memref<80x128xf32, #tpu.memory_space<vmem>>) target(%dma_start3A_480 : memref<80x128xf32, #tpu.memory_space<hbm>>) target_semaphore(%arg19 : memref<!tpu.dma_semaphore, #tpu.memory_space<semaphore_mem>>)
    } else {
    }
    %add3A_400 = arith.constant 320 : i32
    %add3A_401 = arith.addi %mul3A_2, %add3A_400 : i32
    %gt3A_402 = arith.constant 4 : i32
    %gt3A_403 = arith.cmpi sgt, %select_n3A, %gt3A_402 : i32
    %convert_element_type3A_404 = arith.extui %gt3A_403 : i1 to i32
    %cond3A_405 = arith.constant 0 : i32
    %cond3A_406 = arith.cmpi ne, %convert_element_type3A_404, %cond3A_405 : i32
    scf.if %cond3A_406 {
      %dma_wait3A_460 = arith.constant 0 : i32
      %dma_wait3A_461 = arith.constant 0 : i32
      %dma_wait3A_462 = tpu.memref_slice %arg11[%dma_wait3A_460, %dma_wait3A_461] : memref<80x128xf32, #tpu.memory_space<vmem>> -> memref<80x128xf32, #tpu.memory_space<vmem>>
      %dma_wait3A_463 = arith.constant 0 : i32
      %dma_wait3A_464 = tpu.memref_slice %arg7[%arg0, %mul3A_2, %dma_wait3A_463] : memref<2x10000x128xf32, #tpu.memory_space<hbm>> -> memref<1x80x128xf32, #tpu.memory_space<hbm>>
      %dma_wait3A_465 = tpu.memref_squeeze %dma_wait3A_464 : memref<1x80x128xf32, #tpu.memory_space<hbm>> -> memref<80x128xf32, #tpu.memory_space<hbm>>
      %dma_wait3A_466 = arith.constant 0 : i32
      %dma_wait3A_467 = tpu.memref_slice %arg7[%arg0, %mul3A_2, %dma_wait3A_466] : memref<2x10000x128xf32, #tpu.memory_space<hbm>> -> memref<1x80x128xf32, #tpu.memory_space<hbm>>
      %dma_wait3A_468 = tpu.memref_squeeze %dma_wait3A_467 : memref<1x80x128xf32, #tpu.memory_space<hbm>> -> memref<80x128xf32, #tpu.memory_space<hbm>>
      %dma_wait3A_469 = arith.constant 0 : i32
      %dma_wait3A_470 = arith.constant 0 : i32
      %dma_wait3A_471 = tpu.memref_slice %arg11[%dma_wait3A_469, %dma_wait3A_470] : memref<80x128xf32, #tpu.memory_space<vmem>> -> memref<80x128xf32, #tpu.memory_space<vmem>>
      tpu.wait_dma2 semaphore(%arg18 : memref<!tpu.dma_semaphore, #tpu.memory_space<semaphore_mem>>) src(%dma_wait3A_471 : memref<80x128xf32, #tpu.memory_space<vmem>>) dst(%dma_wait3A_468 : memref<80x128xf32, #tpu.memory_space<hbm>>)
      "tpu.region"() ({
        %run_scoped3A_484 = tpu.sem_alloc : memref<!tpu.dma_semaphore, #tpu.memory_space<semaphore_mem>>
        %dma_start3A_485 = arith.constant 0 : i32
        %dma_start3A_486 = arith.constant 0 : i32
        %dma_start3A_487 = tpu.memref_slice %arg11[%dma_start3A_485, %dma_start3A_486] : memref<80x128xf32, #tpu.memory_space<vmem>> -> memref<80x128xf32, #tpu.memory_space<vmem>>
        %dma_start3A_488 = arith.constant 0 : i32
        %dma_start3A_489 = tpu.memref_slice %arg16[%add3A_401, %dma_start3A_488] : memref<10000x128xf32, #tpu.memory_space<vmem_shared>> -> memref<80x128xf32, #tpu.memory_space<vmem_shared>>
        %dma_start3A_490 = arith.constant 0 : i32
        %dma_start3A_491 = arith.constant 0 : i32
        %dma_start3A_492 = tpu.memref_slice %arg11[%dma_start3A_490, %dma_start3A_491] : memref<80x128xf32, #tpu.memory_space<vmem>> -> memref<80x128xf32, #tpu.memory_space<vmem>>
        %dma_start3A_493 = arith.constant 0 : i32
        %dma_start3A_494 = tpu.memref_slice %arg16[%add3A_401, %dma_start3A_493] : memref<10000x128xf32, #tpu.memory_space<vmem_shared>> -> memref<80x128xf32, #tpu.memory_space<vmem_shared>>
        tpu.enqueue_dma source(%dma_start3A_494 : memref<80x128xf32, #tpu.memory_space<vmem_shared>>) target(%dma_start3A_492 : memref<80x128xf32, #tpu.memory_space<vmem>>) target_semaphore(%run_scoped3A_484 : memref<!tpu.dma_semaphore, #tpu.memory_space<semaphore_mem>>)
        %dma_wait3A_495 = arith.constant 0 : i32
        %dma_wait3A_496 = arith.constant 0 : i32
        %dma_wait3A_497 = tpu.memref_slice %arg11[%dma_wait3A_495, %dma_wait3A_496] : memref<80x128xf32, #tpu.memory_space<vmem>> -> memref<80x128xf32, #tpu.memory_space<vmem>>
        %dma_wait3A_498 = arith.constant 0 : i32
        %dma_wait3A_499 = tpu.memref_slice %arg16[%add3A_401, %dma_wait3A_498] : memref<10000x128xf32, #tpu.memory_space<vmem_shared>> -> memref<80x128xf32, #tpu.memory_space<vmem_shared>>
        %dma_wait3A_500 = arith.constant 0 : i32
        %dma_wait3A_501 = arith.constant 0 : i32
        %dma_wait3A_502 = tpu.memref_slice %arg11[%dma_wait3A_500, %dma_wait3A_501] : memref<80x128xf32, #tpu.memory_space<vmem>> -> memref<80x128xf32, #tpu.memory_space<vmem>>
        %dma_wait3A_503 = arith.constant 0 : i32
        %dma_wait3A_504 = tpu.memref_slice %arg16[%add3A_401, %dma_wait3A_503] : memref<10000x128xf32, #tpu.memory_space<vmem_shared>> -> memref<80x128xf32, #tpu.memory_space<vmem_shared>>
        tpu.wait_dma2 semaphore(%run_scoped3A_484 : memref<!tpu.dma_semaphore, #tpu.memory_space<semaphore_mem>>) src(%dma_wait3A_504 : memref<80x128xf32, #tpu.memory_space<vmem_shared>>) dst(%dma_wait3A_502 : memref<80x128xf32, #tpu.memory_space<vmem>>)
        tpu.yield
      }) : () -> ()
      %dma_start3A_472 = arith.constant 0 : i32
      %dma_start3A_473 = arith.constant 0 : i32
      %dma_start3A_474 = tpu.memref_slice %arg11[%dma_start3A_472, %dma_start3A_473] : memref<80x128xf32, #tpu.memory_space<vmem>> -> memref<80x128xf32, #tpu.memory_space<vmem>>
      %dma_start3A_475 = arith.constant 0 : i32
      %dma_start3A_476 = tpu.memref_slice %arg7[%arg0, %add3A_401, %dma_start3A_475] : memref<2x10000x128xf32, #tpu.memory_space<hbm>> -> memref<1x80x128xf32, #tpu.memory_space<hbm>>
      %dma_start3A_477 = tpu.memref_squeeze %dma_start3A_476 : memref<1x80x128xf32, #tpu.memory_space<hbm>> -> memref<80x128xf32, #tpu.memory_space<hbm>>
      %dma_start3A_478 = arith.constant 0 : i32
      %dma_start3A_479 = tpu.memref_slice %arg7[%arg0, %add3A_401, %dma_start3A_478] : memref<2x10000x128xf32, #tpu.memory_space<hbm>> -> memref<1x80x128xf32, #tpu.memory_space<hbm>>
      %dma_start3A_480 = tpu.memref_squeeze %dma_start3A_479 : memref<1x80x128xf32, #tpu.memory_space<hbm>> -> memref<80x128xf32, #tpu.memory_space<hbm>>
      %dma_start3A_481 = arith.constant 0 : i32
      %dma_start3A_482 = arith.constant 0 : i32
      %dma_start3A_483 = tpu.memref_slice %arg11[%dma_start3A_481, %dma_start3A_482] : memref<80x128xf32, #tpu.memory_space<vmem>> -> memref<80x128xf32, #tpu.memory_space<vmem>>
      tpu.enqueue_dma source(%dma_start3A_483 : memref<80x128xf32, #tpu.memory_space<vmem>>) target(%dma_start3A_480 : memref<80x128xf32, #tpu.memory_space<hbm>>) target_semaphore(%arg18 : memref<!tpu.dma_semaphore, #tpu.memory_space<semaphore_mem>>)
    } else {
    }
    %add3A_407 = arith.constant 400 : i32
    %add3A_408 = arith.addi %mul3A_2, %add3A_407 : i32
    %gt3A_409 = arith.constant 5 : i32
    %gt3A_410 = arith.cmpi sgt, %select_n3A, %gt3A_409 : i32
    %convert_element_type3A_411 = arith.extui %gt3A_410 : i1 to i32
    %cond3A_412 = arith.constant 0 : i32
    %cond3A_413 = arith.cmpi ne, %convert_element_type3A_411, %cond3A_412 : i32
    scf.if %cond3A_413 {
      %dma_wait3A_460 = arith.constant 0 : i32
      %dma_wait3A_461 = arith.constant 0 : i32
      %dma_wait3A_462 = tpu.memref_slice %arg12[%dma_wait3A_460, %dma_wait3A_461] : memref<80x128xf32, #tpu.memory_space<vmem>> -> memref<80x128xf32, #tpu.memory_space<vmem>>
      %dma_wait3A_463 = arith.constant 0 : i32
      %dma_wait3A_464 = tpu.memref_slice %arg7[%arg0, %mul3A_2, %dma_wait3A_463] : memref<2x10000x128xf32, #tpu.memory_space<hbm>> -> memref<1x80x128xf32, #tpu.memory_space<hbm>>
      %dma_wait3A_465 = tpu.memref_squeeze %dma_wait3A_464 : memref<1x80x128xf32, #tpu.memory_space<hbm>> -> memref<80x128xf32, #tpu.memory_space<hbm>>
      %dma_wait3A_466 = arith.constant 0 : i32
      %dma_wait3A_467 = tpu.memref_slice %arg7[%arg0, %mul3A_2, %dma_wait3A_466] : memref<2x10000x128xf32, #tpu.memory_space<hbm>> -> memref<1x80x128xf32, #tpu.memory_space<hbm>>
      %dma_wait3A_468 = tpu.memref_squeeze %dma_wait3A_467 : memref<1x80x128xf32, #tpu.memory_space<hbm>> -> memref<80x128xf32, #tpu.memory_space<hbm>>
      %dma_wait3A_469 = arith.constant 0 : i32
      %dma_wait3A_470 = arith.constant 0 : i32
      %dma_wait3A_471 = tpu.memref_slice %arg12[%dma_wait3A_469, %dma_wait3A_470] : memref<80x128xf32, #tpu.memory_space<vmem>> -> memref<80x128xf32, #tpu.memory_space<vmem>>
      tpu.wait_dma2 semaphore(%arg19 : memref<!tpu.dma_semaphore, #tpu.memory_space<semaphore_mem>>) src(%dma_wait3A_471 : memref<80x128xf32, #tpu.memory_space<vmem>>) dst(%dma_wait3A_468 : memref<80x128xf32, #tpu.memory_space<hbm>>)
      "tpu.region"() ({
        %run_scoped3A_484 = tpu.sem_alloc : memref<!tpu.dma_semaphore, #tpu.memory_space<semaphore_mem>>
        %dma_start3A_485 = arith.constant 0 : i32
        %dma_start3A_486 = arith.constant 0 : i32
        %dma_start3A_487 = tpu.memref_slice %arg12[%dma_start3A_485, %dma_start3A_486] : memref<80x128xf32, #tpu.memory_space<vmem>> -> memref<80x128xf32, #tpu.memory_space<vmem>>
        %dma_start3A_488 = arith.constant 0 : i32
        %dma_start3A_489 = tpu.memref_slice %arg16[%add3A_408, %dma_start3A_488] : memref<10000x128xf32, #tpu.memory_space<vmem_shared>> -> memref<80x128xf32, #tpu.memory_space<vmem_shared>>
        %dma_start3A_490 = arith.constant 0 : i32
        %dma_start3A_491 = arith.constant 0 : i32
        %dma_start3A_492 = tpu.memref_slice %arg12[%dma_start3A_490, %dma_start3A_491] : memref<80x128xf32, #tpu.memory_space<vmem>> -> memref<80x128xf32, #tpu.memory_space<vmem>>
        %dma_start3A_493 = arith.constant 0 : i32
        %dma_start3A_494 = tpu.memref_slice %arg16[%add3A_408, %dma_start3A_493] : memref<10000x128xf32, #tpu.memory_space<vmem_shared>> -> memref<80x128xf32, #tpu.memory_space<vmem_shared>>
        tpu.enqueue_dma source(%dma_start3A_494 : memref<80x128xf32, #tpu.memory_space<vmem_shared>>) target(%dma_start3A_492 : memref<80x128xf32, #tpu.memory_space<vmem>>) target_semaphore(%run_scoped3A_484 : memref<!tpu.dma_semaphore, #tpu.memory_space<semaphore_mem>>)
        %dma_wait3A_495 = arith.constant 0 : i32
        %dma_wait3A_496 = arith.constant 0 : i32
        %dma_wait3A_497 = tpu.memref_slice %arg12[%dma_wait3A_495, %dma_wait3A_496] : memref<80x128xf32, #tpu.memory_space<vmem>> -> memref<80x128xf32, #tpu.memory_space<vmem>>
        %dma_wait3A_498 = arith.constant 0 : i32
        %dma_wait3A_499 = tpu.memref_slice %arg16[%add3A_408, %dma_wait3A_498] : memref<10000x128xf32, #tpu.memory_space<vmem_shared>> -> memref<80x128xf32, #tpu.memory_space<vmem_shared>>
        %dma_wait3A_500 = arith.constant 0 : i32
        %dma_wait3A_501 = arith.constant 0 : i32
        %dma_wait3A_502 = tpu.memref_slice %arg12[%dma_wait3A_500, %dma_wait3A_501] : memref<80x128xf32, #tpu.memory_space<vmem>> -> memref<80x128xf32, #tpu.memory_space<vmem>>
        %dma_wait3A_503 = arith.constant 0 : i32
        %dma_wait3A_504 = tpu.memref_slice %arg16[%add3A_408, %dma_wait3A_503] : memref<10000x128xf32, #tpu.memory_space<vmem_shared>> -> memref<80x128xf32, #tpu.memory_space<vmem_shared>>
        tpu.wait_dma2 semaphore(%run_scoped3A_484 : memref<!tpu.dma_semaphore, #tpu.memory_space<semaphore_mem>>) src(%dma_wait3A_504 : memref<80x128xf32, #tpu.memory_space<vmem_shared>>) dst(%dma_wait3A_502 : memref<80x128xf32, #tpu.memory_space<vmem>>)
        tpu.yield
      }) : () -> ()
      %dma_start3A_472 = arith.constant 0 : i32
      %dma_start3A_473 = arith.constant 0 : i32
      %dma_start3A_474 = tpu.memref_slice %arg12[%dma_start3A_472, %dma_start3A_473] : memref<80x128xf32, #tpu.memory_space<vmem>> -> memref<80x128xf32, #tpu.memory_space<vmem>>
      %dma_start3A_475 = arith.constant 0 : i32
      %dma_start3A_476 = tpu.memref_slice %arg7[%arg0, %add3A_408, %dma_start3A_475] : memref<2x10000x128xf32, #tpu.memory_space<hbm>> -> memref<1x80x128xf32, #tpu.memory_space<hbm>>
      %dma_start3A_477 = tpu.memref_squeeze %dma_start3A_476 : memref<1x80x128xf32, #tpu.memory_space<hbm>> -> memref<80x128xf32, #tpu.memory_space<hbm>>
      %dma_start3A_478 = arith.constant 0 : i32
      %dma_start3A_479 = tpu.memref_slice %arg7[%arg0, %add3A_408, %dma_start3A_478] : memref<2x10000x128xf32, #tpu.memory_space<hbm>> -> memref<1x80x128xf32, #tpu.memory_space<hbm>>
      %dma_start3A_480 = tpu.memref_squeeze %dma_start3A_479 : memref<1x80x128xf32, #tpu.memory_space<hbm>> -> memref<80x128xf32, #tpu.memory_space<hbm>>
      %dma_start3A_481 = arith.constant 0 : i32
      %dma_start3A_482 = arith.constant 0 : i32
      %dma_start3A_483 = tpu.memref_slice %arg12[%dma_start3A_481, %dma_start3A_482] : memref<80x128xf32, #tpu.memory_space<vmem>> -> memref<80x128xf32, #tpu.memory_space<vmem>>
      tpu.enqueue_dma source(%dma_start3A_483 : memref<80x128xf32, #tpu.memory_space<vmem>>) target(%dma_start3A_480 : memref<80x128xf32, #tpu.memory_space<hbm>>) target_semaphore(%arg19 : memref<!tpu.dma_semaphore, #tpu.memory_space<semaphore_mem>>)
    } else {
    }
    %add3A_414 = arith.constant 480 : i32
    %add3A_415 = arith.addi %mul3A_2, %add3A_414 : i32
    %gt3A_416 = arith.constant 6 : i32
    %gt3A_417 = arith.cmpi sgt, %select_n3A, %gt3A_416 : i32
    %convert_element_type3A_418 = arith.extui %gt3A_417 : i1 to i32
    %cond3A_419 = arith.constant 0 : i32
    %cond3A_420 = arith.cmpi ne, %convert_element_type3A_418, %cond3A_419 : i32
    scf.if %cond3A_420 {
      %dma_wait3A_460 = arith.constant 0 : i32
      %dma_wait3A_461 = arith.constant 0 : i32
      %dma_wait3A_462 = tpu.memref_slice %arg11[%dma_wait3A_460, %dma_wait3A_461] : memref<80x128xf32, #tpu.memory_space<vmem>> -> memref<80x128xf32, #tpu.memory_space<vmem>>
      %dma_wait3A_463 = arith.constant 0 : i32
      %dma_wait3A_464 = tpu.memref_slice %arg7[%arg0, %mul3A_2, %dma_wait3A_463] : memref<2x10000x128xf32, #tpu.memory_space<hbm>> -> memref<1x80x128xf32, #tpu.memory_space<hbm>>
      %dma_wait3A_465 = tpu.memref_squeeze %dma_wait3A_464 : memref<1x80x128xf32, #tpu.memory_space<hbm>> -> memref<80x128xf32, #tpu.memory_space<hbm>>
      %dma_wait3A_466 = arith.constant 0 : i32
      %dma_wait3A_467 = tpu.memref_slice %arg7[%arg0, %mul3A_2, %dma_wait3A_466] : memref<2x10000x128xf32, #tpu.memory_space<hbm>> -> memref<1x80x128xf32, #tpu.memory_space<hbm>>
      %dma_wait3A_468 = tpu.memref_squeeze %dma_wait3A_467 : memref<1x80x128xf32, #tpu.memory_space<hbm>> -> memref<80x128xf32, #tpu.memory_space<hbm>>
      %dma_wait3A_469 = arith.constant 0 : i32
      %dma_wait3A_470 = arith.constant 0 : i32
      %dma_wait3A_471 = tpu.memref_slice %arg11[%dma_wait3A_469, %dma_wait3A_470] : memref<80x128xf32, #tpu.memory_space<vmem>> -> memref<80x128xf32, #tpu.memory_space<vmem>>
      tpu.wait_dma2 semaphore(%arg18 : memref<!tpu.dma_semaphore, #tpu.memory_space<semaphore_mem>>) src(%dma_wait3A_471 : memref<80x128xf32, #tpu.memory_space<vmem>>) dst(%dma_wait3A_468 : memref<80x128xf32, #tpu.memory_space<hbm>>)
      "tpu.region"() ({
        %run_scoped3A_484 = tpu.sem_alloc : memref<!tpu.dma_semaphore, #tpu.memory_space<semaphore_mem>>
        %dma_start3A_485 = arith.constant 0 : i32
        %dma_start3A_486 = arith.constant 0 : i32
        %dma_start3A_487 = tpu.memref_slice %arg11[%dma_start3A_485, %dma_start3A_486] : memref<80x128xf32, #tpu.memory_space<vmem>> -> memref<80x128xf32, #tpu.memory_space<vmem>>
        %dma_start3A_488 = arith.constant 0 : i32
        %dma_start3A_489 = tpu.memref_slice %arg16[%add3A_415, %dma_start3A_488] : memref<10000x128xf32, #tpu.memory_space<vmem_shared>> -> memref<80x128xf32, #tpu.memory_space<vmem_shared>>
        %dma_start3A_490 = arith.constant 0 : i32
        %dma_start3A_491 = arith.constant 0 : i32
        %dma_start3A_492 = tpu.memref_slice %arg11[%dma_start3A_490, %dma_start3A_491] : memref<80x128xf32, #tpu.memory_space<vmem>> -> memref<80x128xf32, #tpu.memory_space<vmem>>
        %dma_start3A_493 = arith.constant 0 : i32
        %dma_start3A_494 = tpu.memref_slice %arg16[%add3A_415, %dma_start3A_493] : memref<10000x128xf32, #tpu.memory_space<vmem_shared>> -> memref<80x128xf32, #tpu.memory_space<vmem_shared>>
        tpu.enqueue_dma source(%dma_start3A_494 : memref<80x128xf32, #tpu.memory_space<vmem_shared>>) target(%dma_start3A_492 : memref<80x128xf32, #tpu.memory_space<vmem>>) target_semaphore(%run_scoped3A_484 : memref<!tpu.dma_semaphore, #tpu.memory_space<semaphore_mem>>)
        %dma_wait3A_495 = arith.constant 0 : i32
        %dma_wait3A_496 = arith.constant 0 : i32
        %dma_wait3A_497 = tpu.memref_slice %arg11[%dma_wait3A_495, %dma_wait3A_496] : memref<80x128xf32, #tpu.memory_space<vmem>> -> memref<80x128xf32, #tpu.memory_space<vmem>>
        %dma_wait3A_498 = arith.constant 0 : i32
        %dma_wait3A_499 = tpu.memref_slice %arg16[%add3A_415, %dma_wait3A_498] : memref<10000x128xf32, #tpu.memory_space<vmem_shared>> -> memref<80x128xf32, #tpu.memory_space<vmem_shared>>
        %dma_wait3A_500 = arith.constant 0 : i32
        %dma_wait3A_501 = arith.constant 0 : i32
        %dma_wait3A_502 = tpu.memref_slice %arg11[%dma_wait3A_500, %dma_wait3A_501] : memref<80x128xf32, #tpu.memory_space<vmem>> -> memref<80x128xf32, #tpu.memory_space<vmem>>
        %dma_wait3A_503 = arith.constant 0 : i32
        %dma_wait3A_504 = tpu.memref_slice %arg16[%add3A_415, %dma_wait3A_503] : memref<10000x128xf32, #tpu.memory_space<vmem_shared>> -> memref<80x128xf32, #tpu.memory_space<vmem_shared>>
        tpu.wait_dma2 semaphore(%run_scoped3A_484 : memref<!tpu.dma_semaphore, #tpu.memory_space<semaphore_mem>>) src(%dma_wait3A_504 : memref<80x128xf32, #tpu.memory_space<vmem_shared>>) dst(%dma_wait3A_502 : memref<80x128xf32, #tpu.memory_space<vmem>>)
        tpu.yield
      }) : () -> ()
      %dma_start3A_472 = arith.constant 0 : i32
      %dma_start3A_473 = arith.constant 0 : i32
      %dma_start3A_474 = tpu.memref_slice %arg11[%dma_start3A_472, %dma_start3A_473] : memref<80x128xf32, #tpu.memory_space<vmem>> -> memref<80x128xf32, #tpu.memory_space<vmem>>
      %dma_start3A_475 = arith.constant 0 : i32
      %dma_start3A_476 = tpu.memref_slice %arg7[%arg0, %add3A_415, %dma_start3A_475] : memref<2x10000x128xf32, #tpu.memory_space<hbm>> -> memref<1x80x128xf32, #tpu.memory_space<hbm>>
      %dma_start3A_477 = tpu.memref_squeeze %dma_start3A_476 : memref<1x80x128xf32, #tpu.memory_space<hbm>> -> memref<80x128xf32, #tpu.memory_space<hbm>>
      %dma_start3A_478 = arith.constant 0 : i32
      %dma_start3A_479 = tpu.memref_slice %arg7[%arg0, %add3A_415, %dma_start3A_478] : memref<2x10000x128xf32, #tpu.memory_space<hbm>> -> memref<1x80x128xf32, #tpu.memory_space<hbm>>
      %dma_start3A_480 = tpu.memref_squeeze %dma_start3A_479 : memref<1x80x128xf32, #tpu.memory_space<hbm>> -> memref<80x128xf32, #tpu.memory_space<hbm>>
      %dma_start3A_481 = arith.constant 0 : i32
      %dma_start3A_482 = arith.constant 0 : i32
      %dma_start3A_483 = tpu.memref_slice %arg11[%dma_start3A_481, %dma_start3A_482] : memref<80x128xf32, #tpu.memory_space<vmem>> -> memref<80x128xf32, #tpu.memory_space<vmem>>
      tpu.enqueue_dma source(%dma_start3A_483 : memref<80x128xf32, #tpu.memory_space<vmem>>) target(%dma_start3A_480 : memref<80x128xf32, #tpu.memory_space<hbm>>) target_semaphore(%arg18 : memref<!tpu.dma_semaphore, #tpu.memory_space<semaphore_mem>>)
    } else {
    }
    %add3A_421 = arith.constant 560 : i32
    %add3A_422 = arith.addi %mul3A_2, %add3A_421 : i32
    %gt3A_423 = arith.constant 7 : i32
    %gt3A_424 = arith.cmpi sgt, %select_n3A, %gt3A_423 : i32
    %convert_element_type3A_425 = arith.extui %gt3A_424 : i1 to i32
    %cond3A_426 = arith.constant 0 : i32
    %cond3A_427 = arith.cmpi ne, %convert_element_type3A_425, %cond3A_426 : i32
    scf.if %cond3A_427 {
      %dma_wait3A_460 = arith.constant 0 : i32
      %dma_wait3A_461 = arith.constant 0 : i32
      %dma_wait3A_462 = tpu.memref_slice %arg12[%dma_wait3A_460, %dma_wait3A_461] : memref<80x128xf32, #tpu.memory_space<vmem>> -> memref<80x128xf32, #tpu.memory_space<vmem>>
      %dma_wait3A_463 = arith.constant 0 : i32
      %dma_wait3A_464 = tpu.memref_slice %arg7[%arg0, %mul3A_2, %dma_wait3A_463] : memref<2x10000x128xf32, #tpu.memory_space<hbm>> -> memref<1x80x128xf32, #tpu.memory_space<hbm>>
      %dma_wait3A_465 = tpu.memref_squeeze %dma_wait3A_464 : memref<1x80x128xf32, #tpu.memory_space<hbm>> -> memref<80x128xf32, #tpu.memory_space<hbm>>
      %dma_wait3A_466 = arith.constant 0 : i32
      %dma_wait3A_467 = tpu.memref_slice %arg7[%arg0, %mul3A_2, %dma_wait3A_466] : memref<2x10000x128xf32, #tpu.memory_space<hbm>> -> memref<1x80x128xf32, #tpu.memory_space<hbm>>
      %dma_wait3A_468 = tpu.memref_squeeze %dma_wait3A_467 : memref<1x80x128xf32, #tpu.memory_space<hbm>> -> memref<80x128xf32, #tpu.memory_space<hbm>>
      %dma_wait3A_469 = arith.constant 0 : i32
      %dma_wait3A_470 = arith.constant 0 : i32
      %dma_wait3A_471 = tpu.memref_slice %arg12[%dma_wait3A_469, %dma_wait3A_470] : memref<80x128xf32, #tpu.memory_space<vmem>> -> memref<80x128xf32, #tpu.memory_space<vmem>>
      tpu.wait_dma2 semaphore(%arg19 : memref<!tpu.dma_semaphore, #tpu.memory_space<semaphore_mem>>) src(%dma_wait3A_471 : memref<80x128xf32, #tpu.memory_space<vmem>>) dst(%dma_wait3A_468 : memref<80x128xf32, #tpu.memory_space<hbm>>)
      "tpu.region"() ({
        %run_scoped3A_484 = tpu.sem_alloc : memref<!tpu.dma_semaphore, #tpu.memory_space<semaphore_mem>>
        %dma_start3A_485 = arith.constant 0 : i32
        %dma_start3A_486 = arith.constant 0 : i32
        %dma_start3A_487 = tpu.memref_slice %arg12[%dma_start3A_485, %dma_start3A_486] : memref<80x128xf32, #tpu.memory_space<vmem>> -> memref<80x128xf32, #tpu.memory_space<vmem>>
        %dma_start3A_488 = arith.constant 0 : i32
        %dma_start3A_489 = tpu.memref_slice %arg16[%add3A_422, %dma_start3A_488] : memref<10000x128xf32, #tpu.memory_space<vmem_shared>> -> memref<80x128xf32, #tpu.memory_space<vmem_shared>>
        %dma_start3A_490 = arith.constant 0 : i32
        %dma_start3A_491 = arith.constant 0 : i32
        %dma_start3A_492 = tpu.memref_slice %arg12[%dma_start3A_490, %dma_start3A_491] : memref<80x128xf32, #tpu.memory_space<vmem>> -> memref<80x128xf32, #tpu.memory_space<vmem>>
        %dma_start3A_493 = arith.constant 0 : i32
        %dma_start3A_494 = tpu.memref_slice %arg16[%add3A_422, %dma_start3A_493] : memref<10000x128xf32, #tpu.memory_space<vmem_shared>> -> memref<80x128xf32, #tpu.memory_space<vmem_shared>>
        tpu.enqueue_dma source(%dma_start3A_494 : memref<80x128xf32, #tpu.memory_space<vmem_shared>>) target(%dma_start3A_492 : memref<80x128xf32, #tpu.memory_space<vmem>>) target_semaphore(%run_scoped3A_484 : memref<!tpu.dma_semaphore, #tpu.memory_space<semaphore_mem>>)
        %dma_wait3A_495 = arith.constant 0 : i32
        %dma_wait3A_496 = arith.constant 0 : i32
        %dma_wait3A_497 = tpu.memref_slice %arg12[%dma_wait3A_495, %dma_wait3A_496] : memref<80x128xf32, #tpu.memory_space<vmem>> -> memref<80x128xf32, #tpu.memory_space<vmem>>
        %dma_wait3A_498 = arith.constant 0 : i32
        %dma_wait3A_499 = tpu.memref_slice %arg16[%add3A_422, %dma_wait3A_498] : memref<10000x128xf32, #tpu.memory_space<vmem_shared>> -> memref<80x128xf32, #tpu.memory_space<vmem_shared>>
        %dma_wait3A_500 = arith.constant 0 : i32
        %dma_wait3A_501 = arith.constant 0 : i32
        %dma_wait3A_502 = tpu.memref_slice %arg12[%dma_wait3A_500, %dma_wait3A_501] : memref<80x128xf32, #tpu.memory_space<vmem>> -> memref<80x128xf32, #tpu.memory_space<vmem>>
        %dma_wait3A_503 = arith.constant 0 : i32
        %dma_wait3A_504 = tpu.memref_slice %arg16[%add3A_422, %dma_wait3A_503] : memref<10000x128xf32, #tpu.memory_space<vmem_shared>> -> memref<80x128xf32, #tpu.memory_space<vmem_shared>>
        tpu.wait_dma2 semaphore(%run_scoped3A_484 : memref<!tpu.dma_semaphore, #tpu.memory_space<semaphore_mem>>) src(%dma_wait3A_504 : memref<80x128xf32, #tpu.memory_space<vmem_shared>>) dst(%dma_wait3A_502 : memref<80x128xf32, #tpu.memory_space<vmem>>)
        tpu.yield
      }) : () -> ()
      %dma_start3A_472 = arith.constant 0 : i32
      %dma_start3A_473 = arith.constant 0 : i32
      %dma_start3A_474 = tpu.memref_slice %arg12[%dma_start3A_472, %dma_start3A_473] : memref<80x128xf32, #tpu.memory_space<vmem>> -> memref<80x128xf32, #tpu.memory_space<vmem>>
      %dma_start3A_475 = arith.constant 0 : i32
      %dma_start3A_476 = tpu.memref_slice %arg7[%arg0, %add3A_422, %dma_start3A_475] : memref<2x10000x128xf32, #tpu.memory_space<hbm>> -> memref<1x80x128xf32, #tpu.memory_space<hbm>>
      %dma_start3A_477 = tpu.memref_squeeze %dma_start3A_476 : memref<1x80x128xf32, #tpu.memory_space<hbm>> -> memref<80x128xf32, #tpu.memory_space<hbm>>
      %dma_start3A_478 = arith.constant 0 : i32
      %dma_start3A_479 = tpu.memref_slice %arg7[%arg0, %add3A_422, %dma_start3A_478] : memref<2x10000x128xf32, #tpu.memory_space<hbm>> -> memref<1x80x128xf32, #tpu.memory_space<hbm>>
      %dma_start3A_480 = tpu.memref_squeeze %dma_start3A_479 : memref<1x80x128xf32, #tpu.memory_space<hbm>> -> memref<80x128xf32, #tpu.memory_space<hbm>>
      %dma_start3A_481 = arith.constant 0 : i32
      %dma_start3A_482 = arith.constant 0 : i32
      %dma_start3A_483 = tpu.memref_slice %arg12[%dma_start3A_481, %dma_start3A_482] : memref<80x128xf32, #tpu.memory_space<vmem>> -> memref<80x128xf32, #tpu.memory_space<vmem>>
      tpu.enqueue_dma source(%dma_start3A_483 : memref<80x128xf32, #tpu.memory_space<vmem>>) target(%dma_start3A_480 : memref<80x128xf32, #tpu.memory_space<hbm>>) target_semaphore(%arg19 : memref<!tpu.dma_semaphore, #tpu.memory_space<semaphore_mem>>)
    } else {
    }
    %dma_wait3A_428 = arith.constant 0 : i32
    %dma_wait3A_429 = arith.constant 0 : i32
    %dma_wait3A_430 = tpu.memref_slice %arg11[%dma_wait3A_428, %dma_wait3A_429] : memref<80x128xf32, #tpu.memory_space<vmem>> -> memref<80x128xf32, #tpu.memory_space<vmem>>
    %dma_wait3A_431 = arith.constant 0 : i32
    %dma_wait3A_432 = tpu.memref_slice %arg7[%arg0, %mul3A_2, %dma_wait3A_431] : memref<2x10000x128xf32, #tpu.memory_space<hbm>> -> memref<1x80x128xf32, #tpu.memory_space<hbm>>
    %dma_wait3A_433 = tpu.memref_squeeze %dma_wait3A_432 : memref<1x80x128xf32, #tpu.memory_space<hbm>> -> memref<80x128xf32, #tpu.memory_space<hbm>>
    %dma_wait3A_434 = arith.constant 0 : i32
    %dma_wait3A_435 = tpu.memref_slice %arg7[%arg0, %mul3A_2, %dma_wait3A_434] : memref<2x10000x128xf32, #tpu.memory_space<hbm>> -> memref<1x80x128xf32, #tpu.memory_space<hbm>>
    %dma_wait3A_436 = tpu.memref_squeeze %dma_wait3A_435 : memref<1x80x128xf32, #tpu.memory_space<hbm>> -> memref<80x128xf32, #tpu.memory_space<hbm>>
    %dma_wait3A_437 = arith.constant 0 : i32
    %dma_wait3A_438 = arith.constant 0 : i32
    %dma_wait3A_439 = tpu.memref_slice %arg11[%dma_wait3A_437, %dma_wait3A_438] : memref<80x128xf32, #tpu.memory_space<vmem>> -> memref<80x128xf32, #tpu.memory_space<vmem>>
    tpu.wait_dma2 semaphore(%arg18 : memref<!tpu.dma_semaphore, #tpu.memory_space<semaphore_mem>>) src(%dma_wait3A_439 : memref<80x128xf32, #tpu.memory_space<vmem>>) dst(%dma_wait3A_436 : memref<80x128xf32, #tpu.memory_space<hbm>>)
    %dma_wait3A_440 = arith.constant 0 : i32
    %dma_wait3A_441 = arith.constant 0 : i32
    %dma_wait3A_442 = tpu.memref_slice %arg12[%dma_wait3A_440, %dma_wait3A_441] : memref<80x128xf32, #tpu.memory_space<vmem>> -> memref<80x128xf32, #tpu.memory_space<vmem>>
    %dma_wait3A_443 = arith.constant 0 : i32
    %dma_wait3A_444 = tpu.memref_slice %arg7[%arg0, %mul3A_2, %dma_wait3A_443] : memref<2x10000x128xf32, #tpu.memory_space<hbm>> -> memref<1x80x128xf32, #tpu.memory_space<hbm>>
    %dma_wait3A_445 = tpu.memref_squeeze %dma_wait3A_444 : memref<1x80x128xf32, #tpu.memory_space<hbm>> -> memref<80x128xf32, #tpu.memory_space<hbm>>
    %dma_wait3A_446 = arith.constant 0 : i32
    %dma_wait3A_447 = tpu.memref_slice %arg7[%arg0, %mul3A_2, %dma_wait3A_446] : memref<2x10000x128xf32, #tpu.memory_space<hbm>> -> memref<1x80x128xf32, #tpu.memory_space<hbm>>
    %dma_wait3A_448 = tpu.memref_squeeze %dma_wait3A_447 : memref<1x80x128xf32, #tpu.memory_space<hbm>> -> memref<80x128xf32, #tpu.memory_space<hbm>>
    %dma_wait3A_449 = arith.constant 0 : i32
    %dma_wait3A_450 = arith.constant 0 : i32
    %dma_wait3A_451 = tpu.memref_slice %arg12[%dma_wait3A_449, %dma_wait3A_450] : memref<80x128xf32, #tpu.memory_space<vmem>> -> memref<80x128xf32, #tpu.memory_space<vmem>>
    tpu.wait_dma2 semaphore(%arg19 : memref<!tpu.dma_semaphore, #tpu.memory_space<semaphore_mem>>) src(%dma_wait3A_451 : memref<80x128xf32, #tpu.memory_space<vmem>>) dst(%dma_wait3A_448 : memref<80x128xf32, #tpu.memory_space<hbm>>)
    %convert_element_type3A_452 = arith.extui %eq3A_3 : i1 to i32
    %cond3A_453 = arith.constant 0 : i32
    %cond3A_454 = arith.cmpi ne, %convert_element_type3A_452, %cond3A_453 : i32
    scf.if %cond3A_454 {
      %dma_wait3A_460 = arith.constant 0 : i32
      %dma_wait3A_461 = tpu.memref_slice %arg15[%dma_wait3A_460] : memref<640xf32, #tpu.memory_space<vmem>> -> memref<400xf32, #tpu.memory_space<vmem>>
      %dma_wait3A_462 = tpu.memref_slice %arg17[%mul3A_2] : memref<10000xf32, #tpu.memory_space<vmem_shared>> -> memref<400xf32, #tpu.memory_space<vmem_shared>>
      %dma_wait3A_463 = arith.constant 0 : i32
      %dma_wait3A_464 = tpu.memref_slice %arg15[%dma_wait3A_463] : memref<640xf32, #tpu.memory_space<vmem>> -> memref<400xf32, #tpu.memory_space<vmem>>
      %dma_wait3A_465 = tpu.memref_slice %arg17[%mul3A_2] : memref<10000xf32, #tpu.memory_space<vmem_shared>> -> memref<400xf32, #tpu.memory_space<vmem_shared>>
      tpu.wait_dma2 semaphore(%arg27 : memref<!tpu.dma_semaphore, #tpu.memory_space<semaphore_mem>>) src(%dma_wait3A_465 : memref<400xf32, #tpu.memory_space<vmem_shared>>) dst(%dma_wait3A_464 : memref<400xf32, #tpu.memory_space<vmem>>)
      %mul3A_466 = arith.constant 10000 : i32
      %mul3A_467 = arith.muli %arg0, %mul3A_466 : i32
      %add3A_468 = arith.addi %mul3A_467, %mul3A_2 : i32
      "tpu.region"() ({
        %run_scoped3A_469 = tpu.sem_alloc : memref<!tpu.dma_semaphore, #tpu.memory_space<semaphore_mem>>
        %dma_start3A_470 = arith.constant 0 : i32
        %dma_start3A_471 = tpu.memref_slice %arg15[%dma_start3A_470] : memref<640xf32, #tpu.memory_space<vmem>> -> memref<400xf32, #tpu.memory_space<vmem>>
        %dma_start3A_472 = tpu.memref_slice %arg8[%add3A_468] : memref<20000xf32, #tpu.memory_space<hbm>> -> memref<400xf32, #tpu.memory_space<hbm>>
        %dma_start3A_473 = tpu.memref_slice %arg8[%add3A_468] : memref<20000xf32, #tpu.memory_space<hbm>> -> memref<400xf32, #tpu.memory_space<hbm>>
        %dma_start3A_474 = arith.constant 0 : i32
        %dma_start3A_475 = tpu.memref_slice %arg15[%dma_start3A_474] : memref<640xf32, #tpu.memory_space<vmem>> -> memref<400xf32, #tpu.memory_space<vmem>>
        tpu.enqueue_dma source(%dma_start3A_475 : memref<400xf32, #tpu.memory_space<vmem>>) target(%dma_start3A_473 : memref<400xf32, #tpu.memory_space<hbm>>) target_semaphore(%run_scoped3A_469 : memref<!tpu.dma_semaphore, #tpu.memory_space<semaphore_mem>>)
        %dma_wait3A_476 = arith.constant 0 : i32
        %dma_wait3A_477 = tpu.memref_slice %arg15[%dma_wait3A_476] : memref<640xf32, #tpu.memory_space<vmem>> -> memref<400xf32, #tpu.memory_space<vmem>>
        %dma_wait3A_478 = tpu.memref_slice %arg8[%add3A_468] : memref<20000xf32, #tpu.memory_space<hbm>> -> memref<400xf32, #tpu.memory_space<hbm>>
        %dma_wait3A_479 = tpu.memref_slice %arg8[%add3A_468] : memref<20000xf32, #tpu.memory_space<hbm>> -> memref<400xf32, #tpu.memory_space<hbm>>
        %dma_wait3A_480 = arith.constant 0 : i32
        %dma_wait3A_481 = tpu.memref_slice %arg15[%dma_wait3A_480] : memref<640xf32, #tpu.memory_space<vmem>> -> memref<400xf32, #tpu.memory_space<vmem>>
        tpu.wait_dma2 semaphore(%run_scoped3A_469 : memref<!tpu.dma_semaphore, #tpu.memory_space<semaphore_mem>>) src(%dma_wait3A_481 : memref<400xf32, #tpu.memory_space<vmem>>) dst(%dma_wait3A_479 : memref<400xf32, #tpu.memory_space<hbm>>)
        tpu.yield
      }) : () -> ()
    } else {
    }
    %not3A_455 = arith.constant true
    %not3A_456 = arith.xori %eq3A_3, %not3A_455 : i1
    %convert_element_type3A_457 = arith.extui %not3A_456 : i1 to i32
    %cond3A_458 = arith.constant 0 : i32
    %cond3A_459 = arith.cmpi ne, %convert_element_type3A_457, %cond3A_458 : i32
    scf.if %cond3A_459 {
      %dma_wait3A_460 = tpu.memref_slice %arg17[%mul3A_2] : memref<10000xf32, #tpu.memory_space<vmem_shared>> -> memref<640xf32, #tpu.memory_space<vmem_shared>>
      %dma_wait3A_461 = tpu.memref_slice %arg17[%mul3A_2] : memref<10000xf32, #tpu.memory_space<vmem_shared>> -> memref<640xf32, #tpu.memory_space<vmem_shared>>
      tpu.wait_dma2 semaphore(%arg27 : memref<!tpu.dma_semaphore, #tpu.memory_space<semaphore_mem>>) src(%dma_wait3A_461 : memref<640xf32, #tpu.memory_space<vmem_shared>>) dst(%arg15 : memref<640xf32, #tpu.memory_space<vmem>>)
      %mul3A_462 = arith.constant 10000 : i32
      %mul3A_463 = arith.muli %arg0, %mul3A_462 : i32
      %add3A_464 = arith.addi %mul3A_463, %mul3A_2 : i32
      "tpu.region"() ({
        %run_scoped3A_465 = tpu.sem_alloc : memref<!tpu.dma_semaphore, #tpu.memory_space<semaphore_mem>>
        %dma_start3A_466 = tpu.memref_slice %arg8[%add3A_464] : memref<20000xf32, #tpu.memory_space<hbm>> -> memref<640xf32, #tpu.memory_space<hbm>>
        %dma_start3A_467 = tpu.memref_slice %arg8[%add3A_464] : memref<20000xf32, #tpu.memory_space<hbm>> -> memref<640xf32, #tpu.memory_space<hbm>>
        tpu.enqueue_dma source(%arg15 : memref<640xf32, #tpu.memory_space<vmem>>) target(%dma_start3A_467 : memref<640xf32, #tpu.memory_space<hbm>>) target_semaphore(%run_scoped3A_465 : memref<!tpu.dma_semaphore, #tpu.memory_space<semaphore_mem>>)
        %dma_wait3A_468 = tpu.memref_slice %arg8[%add3A_464] : memref<20000xf32, #tpu.memory_space<hbm>> -> memref<640xf32, #tpu.memory_space<hbm>>
        %dma_wait3A_469 = tpu.memref_slice %arg8[%add3A_464] : memref<20000xf32, #tpu.memory_space<hbm>> -> memref<640xf32, #tpu.memory_space<hbm>>
        tpu.wait_dma2 semaphore(%run_scoped3A_465 : memref<!tpu.dma_semaphore, #tpu.memory_space<semaphore_mem>>) src(%arg15 : memref<640xf32, #tpu.memory_space<vmem>>) dst(%dma_wait3A_469 : memref<640xf32, #tpu.memory_space<hbm>>)
        tpu.yield
      }) : () -> ()
    } else {
    }
    return
  }
}

module attributes {stable_mosaic.version = 14 : i64} {
  func.func @_mlp_body(%arg0: i32, %arg1: memref<1000x128xf32, #tpu.memory_space<vmem>>, %arg2: memref<2x1000x128xf32, #tpu.memory_space<vmem>>, %arg3: memref<2x1000x1xf32, #tpu.memory_space<vmem>>, %arg4: memref<128x128xf32, #tpu.memory_space<vmem>>, %arg5: memref<128x128xf32, #tpu.memory_space<vmem>>, %arg6: memref<1x128xf32, #tpu.memory_space<vmem>>, %arg7: memref<128x32xf32, #tpu.memory_space<vmem>>, %arg8: memref<1x32xf32, #tpu.memory_space<vmem>>, %arg9: memref<32x3xf32, #tpu.memory_space<vmem>>, %arg10: memref<1x3xf32, #tpu.memory_space<vmem>>, %arg11: memref<1000x3xf32, #tpu.memory_space<vmem>>) attributes {dimension_semantics = [#tpu.dimension_semantics<arbitrary>], iteration_bounds = array<i64: 10>, scalar_prefetch = 0 : i64, scratch_operands = 0 : i64, tpu.core_type = #tpu.core_type<tc>, window_params = [{transform_indices = @transform_0, window_bounds = array<i64: 1000, 128>}, {transform_indices = @transform_1, window_bounds = array<i64: 2, 1000, 128>}, {transform_indices = @transform_2, window_bounds = array<i64: 2, 1000, 1>}, {pipeline_mode = #tpu.pipeline_mode<synchronous>, transform_indices = @transform_3, window_bounds = array<i64: 128, 128>}, {pipeline_mode = #tpu.pipeline_mode<synchronous>, transform_indices = @transform_4, window_bounds = array<i64: 128, 128>}, {pipeline_mode = #tpu.pipeline_mode<synchronous>, transform_indices = @transform_5, window_bounds = array<i64: 1, 128>}, {pipeline_mode = #tpu.pipeline_mode<synchronous>, transform_indices = @transform_6, window_bounds = array<i64: 128, 32>}, {pipeline_mode = #tpu.pipeline_mode<synchronous>, transform_indices = @transform_7, window_bounds = array<i64: 1, 32>}, {pipeline_mode = #tpu.pipeline_mode<synchronous>, transform_indices = @transform_8, window_bounds = array<i64: 32, 3>}, {pipeline_mode = #tpu.pipeline_mode<synchronous>, transform_indices = @transform_9, window_bounds = array<i64: 1, 3>}, {transform_indices = @transform_10, window_bounds = array<i64: 1000, 3>}]} {
    %get3A = arith.constant 0 : index
    %get3A_0 = arith.constant 0 : index
    %get3A_1 = arith.constant 0 : index
    %get3A_2 = vector.load %arg2[%get3A, %get3A_0, %get3A_1] : memref<2x1000x128xf32, #tpu.memory_space<vmem>>, vector<1x1000x128xf32>
    %get3A_3 = vector.shape_cast %get3A_2 : vector<1x1000x128xf32> to vector<1000x128xf32>
    %get3A_4 = arith.constant 1 : index
    %get3A_5 = arith.constant 0 : index
    %get3A_6 = arith.constant 0 : index
    %get3A_7 = vector.load %arg2[%get3A_4, %get3A_5, %get3A_6] : memref<2x1000x128xf32, #tpu.memory_space<vmem>>, vector<1x1000x128xf32>
    %get3A_8 = vector.shape_cast %get3A_7 : vector<1x1000x128xf32> to vector<1000x128xf32>
    %add3A = arith.addf %get3A_3, %get3A_8 : vector<1000x128xf32>
    %get3A_9 = arith.constant 0 : index
    %get3A_10 = arith.constant 0 : index
    %get3A_11 = arith.constant 0 : index
    %get3A_12 = vector.load %arg3[%get3A_9, %get3A_10, %get3A_11] : memref<2x1000x1xf32, #tpu.memory_space<vmem>>, vector<1x1000x1xf32>
    %get3A_13 = vector.shape_cast %get3A_12 : vector<1x1000x1xf32> to vector<1000x1xf32>
    %get3A_14 = arith.constant 1 : index
    %get3A_15 = arith.constant 0 : index
    %get3A_16 = arith.constant 0 : index
    %get3A_17 = vector.load %arg3[%get3A_14, %get3A_15, %get3A_16] : memref<2x1000x1xf32, #tpu.memory_space<vmem>>, vector<1x1000x1xf32>
    %get3A_18 = vector.shape_cast %get3A_17 : vector<1x1000x1xf32> to vector<1000x1xf32>
    %add3A_19 = arith.addf %get3A_13, %get3A_18 : vector<1000x1xf32>
    %max3A = arith.constant 1.000000e+00 : f32
    %max3A_20 = vector.broadcast %max3A : f32 to vector<1000x1xf32>
    %max3A_21 = arith.maximumf %add3A_19, %max3A_20 : vector<1000x1xf32>
    %div3A = vector.broadcast %max3A_21 : vector<1000x1xf32> to vector<1000x128xf32>
    %div3A_22 = arith.divf %add3A, %div3A : vector<1000x128xf32>
    %get3A_23 = arith.constant 0 : index
    %get3A_24 = arith.constant 0 : index
    %get3A_25 = vector.load %arg4[%get3A_23, %get3A_24] : memref<128x128xf32, #tpu.memory_space<vmem>>, vector<128x128xf32>
    %dot_general3A = arith.constant dense<0.000000e+00> : vector<1000x128xf32>
    %dot_general3A_26 = tpu.matmul %div3A_22, %get3A_25, %dot_general3A {dimension_numbers = #tpu.dot_dimension_numbers<[1], [0], [0], [1], [0, 0, 1, 1], [], []>, transpose_lhs_hint = false} : vector<1000x128xf32>, vector<128x128xf32>, vector<1000x128xf32> -> vector<1000x128xf32>
    %get3A_27 = arith.constant 0 : index
    %get3A_28 = arith.constant 0 : index
    %get3A_29 = vector.load %arg1[%get3A_27, %get3A_28] : memref<1000x128xf32, #tpu.memory_space<vmem>>, vector<1000x128xf32>
    %get3A_30 = arith.constant 0 : index
    %get3A_31 = arith.constant 0 : index
    %get3A_32 = vector.load %arg5[%get3A_30, %get3A_31] : memref<128x128xf32, #tpu.memory_space<vmem>>, vector<128x128xf32>
    %dot_general3A_33 = arith.constant dense<0.000000e+00> : vector<1000x128xf32>
    %dot_general3A_34 = tpu.matmul %get3A_29, %get3A_32, %dot_general3A_33 {dimension_numbers = #tpu.dot_dimension_numbers<[1], [0], [0], [1], [0, 0, 1, 1], [], []>, transpose_lhs_hint = false} : vector<1000x128xf32>, vector<128x128xf32>, vector<1000x128xf32> -> vector<1000x128xf32>
    %add3A_35 = arith.addf %dot_general3A_26, %dot_general3A_34 : vector<1000x128xf32>
    %get3A_36 = arith.constant 0 : index
    %get3A_37 = arith.constant 0 : index
    %get3A_38 = vector.load %arg6[%get3A_36, %get3A_37] : memref<1x128xf32, #tpu.memory_space<vmem>>, vector<1x128xf32>
    %add3A_39 = vector.broadcast %get3A_38 : vector<1x128xf32> to vector<1000x128xf32>
    %add3A_40 = arith.addf %add3A_35, %add3A_39 : vector<1000x128xf32>
    %ge3A = arith.constant 0.000000e+00 : f32
    %ge3A_41 = vector.broadcast %ge3A : f32 to vector<1000x128xf32>
    %ge3A_42 = arith.cmpf oge, %add3A_40, %ge3A_41 : vector<1000x128xf32>
    %mul3A = arith.constant 0.00999999977 : f32
    %mul3A_43 = vector.broadcast %mul3A : f32 to vector<1000x128xf32>
    %mul3A_44 = arith.mulf %mul3A_43, %add3A_40 : vector<1000x128xf32>
    %select_n3A = arith.select %ge3A_42, %add3A_40, %mul3A_44 : vector<1000x128xi1>, vector<1000x128xf32>
    %get3A_45 = arith.constant 0 : index
    %get3A_46 = arith.constant 0 : index
    %get3A_47 = vector.load %arg7[%get3A_45, %get3A_46] : memref<128x32xf32, #tpu.memory_space<vmem>>, vector<128x32xf32>
    %dot_general3A_48 = arith.constant dense<0.000000e+00> : vector<1000x32xf32>
    %dot_general3A_49 = tpu.matmul %select_n3A, %get3A_47, %dot_general3A_48 {dimension_numbers = #tpu.dot_dimension_numbers<[1], [0], [0], [1], [0, 0, 1, 1], [], []>, transpose_lhs_hint = false} : vector<1000x128xf32>, vector<128x32xf32>, vector<1000x32xf32> -> vector<1000x32xf32>
    %get3A_50 = arith.constant 0 : index
    %get3A_51 = arith.constant 0 : index
    %get3A_52 = vector.load %arg8[%get3A_50, %get3A_51] : memref<1x32xf32, #tpu.memory_space<vmem>>, vector<1x32xf32>
    %add3A_53 = vector.broadcast %get3A_52 : vector<1x32xf32> to vector<1000x32xf32>
    %add3A_54 = arith.addf %dot_general3A_49, %add3A_53 : vector<1000x32xf32>
    %max3A_55 = arith.constant 0.000000e+00 : f32
    %max3A_56 = vector.broadcast %max3A_55 : f32 to vector<1000x32xf32>
    %max3A_57 = arith.maximumf %add3A_54, %max3A_56 : vector<1000x32xf32>
    %get3A_58 = arith.constant 0 : index
    %get3A_59 = arith.constant 0 : index
    %get3A_60 = vector.load %arg9[%get3A_58, %get3A_59] : memref<32x3xf32, #tpu.memory_space<vmem>>, vector<32x3xf32>
    %dot_general3A_61 = arith.constant dense<0.000000e+00> : vector<1000x3xf32>
    %dot_general3A_62 = tpu.matmul %max3A_57, %get3A_60, %dot_general3A_61 {dimension_numbers = #tpu.dot_dimension_numbers<[1], [0], [0], [1], [0, 0, 1, 1], [], []>, transpose_lhs_hint = false} : vector<1000x32xf32>, vector<32x3xf32>, vector<1000x3xf32> -> vector<1000x3xf32>
    %get3A_63 = arith.constant 0 : index
    %get3A_64 = arith.constant 0 : index
    %get3A_65 = vector.load %arg10[%get3A_63, %get3A_64] : memref<1x3xf32, #tpu.memory_space<vmem>>, vector<1x3xf32>
    %add3A_66 = vector.broadcast %get3A_65 : vector<1x3xf32> to vector<1000x3xf32>
    %add3A_67 = arith.addf %dot_general3A_62, %add3A_66 : vector<1000x3xf32>
    %swap3A = arith.constant 0 : index
    %swap3A_68 = arith.constant 0 : index
    %swap3A_69 = vector.load %arg11[%swap3A, %swap3A_68] : memref<1000x3xf32, #tpu.memory_space<vmem>>, vector<1000x3xf32>
    tpu.vector_store %arg11[%swap3A, %swap3A_68], %add3A_67 {strides = array<i32>} : memref<1000x3xf32, #tpu.memory_space<vmem>>, vector<1000x3xf32>,
    return
  }
  func.func @transform_0(%arg0: i32) -> (i32, i32) {
    %c0_i32 = arith.constant 0 : i32
    %c0_i32_0 = arith.constant 0 : i32
    return %arg0, %c0_i32 : i32, i32
  }
  func.func @transform_1(%arg0: i32) -> (i32, i32, i32) {
    %c0_i32 = arith.constant 0 : i32
    %c0_i32_0 = arith.constant 0 : i32
    %c0_i32_1 = arith.constant 0 : i32
    return %c0_i32, %arg0, %c0_i32_0 : i32, i32, i32
  }
  func.func @transform_2(%arg0: i32) -> (i32, i32, i32) {
    %c0_i32 = arith.constant 0 : i32
    %c0_i32_0 = arith.constant 0 : i32
    %c0_i32_1 = arith.constant 0 : i32
    return %c0_i32, %arg0, %c0_i32_0 : i32, i32, i32
  }
  func.func @transform_3(%arg0: i32) -> (i32, i32) {
    %c0_i32 = arith.constant 0 : i32
    %c0_i32_0 = arith.constant 0 : i32
    %c0_i32_1 = arith.constant 0 : i32
    return %c0_i32, %c0_i32_0 : i32, i32
  }
  func.func @transform_4(%arg0: i32) -> (i32, i32) {
    %c0_i32 = arith.constant 0 : i32
    %c0_i32_0 = arith.constant 0 : i32
    %c0_i32_1 = arith.constant 0 : i32
    return %c0_i32, %c0_i32_0 : i32, i32
  }
  func.func @transform_5(%arg0: i32) -> (i32, i32) {
    %c0_i32 = arith.constant 0 : i32
    %c0_i32_0 = arith.constant 0 : i32
    %c0_i32_1 = arith.constant 0 : i32
    return %c0_i32, %c0_i32_0 : i32, i32
  }
  func.func @transform_6(%arg0: i32) -> (i32, i32) {
    %c0_i32 = arith.constant 0 : i32
    %c0_i32_0 = arith.constant 0 : i32
    %c0_i32_1 = arith.constant 0 : i32
    return %c0_i32, %c0_i32_0 : i32, i32
  }
  func.func @transform_7(%arg0: i32) -> (i32, i32) {
    %c0_i32 = arith.constant 0 : i32
    %c0_i32_0 = arith.constant 0 : i32
    %c0_i32_1 = arith.constant 0 : i32
    return %c0_i32, %c0_i32_0 : i32, i32
  }
  func.func @transform_8(%arg0: i32) -> (i32, i32) {
    %c0_i32 = arith.constant 0 : i32
    %c0_i32_0 = arith.constant 0 : i32
    %c0_i32_1 = arith.constant 0 : i32
    return %c0_i32, %c0_i32_0 : i32, i32
  }
  func.func @transform_9(%arg0: i32) -> (i32, i32) {
    %c0_i32 = arith.constant 0 : i32
    %c0_i32_0 = arith.constant 0 : i32
    %c0_i32_1 = arith.constant 0 : i32
    return %c0_i32, %c0_i32_0 : i32, i32
  }
  func.func @transform_10(%arg0: i32) -> (i32, i32) {
    %c0_i32 = arith.constant 0 : i32
    %c0_i32_0 = arith.constant 0 : i32
    return %arg0, %c0_i32 : i32, i32
  }
}

</mosaic_0001>

<sc_bundles>
// kernel: kernel.4.cloned.1.call-start
scs
__scs_entry_jumppad:
0x0: {  	(pc) =	sbr.rel $0x88, $3  }
0x1: {  	(tag) =	ssettag $0x0;
	lr =	simm.s32 $0x1  }
0x2: {  	[smem:$0x3F94] =	sst lr;
	_ =	strace $0xD0000000  }
0x3: {  	_ = 	snop  }
0x4: {  	_ = 	snop  }
0x5: {  	_ = 	snop  }
0x6: {  	_ = 	snop  }
0x7: {  	_ = 	snop  }
__scs_overlays_trampoline_lowered:
0x8: {  	[smem:$0x3FA3] =	sst s0  }
0x9: {  	[smem:$0x3FA4] =	sst s1  }
0xa: {  	[smem:$0x3FA5] =	sst s2  }
0xb: {  	[smem:$0x3FA6] =	sst s3  }
0xc: {  	[smem:$0x3FA7] =	sst s4  }
0xd: {  	[smem:$0x3FA8] =	sst s5  }
0xe: {  	[smem:$0x3FA9] =	sst s6  }
0xf: {  	[smem:$0x3FAA] =	sst s7  }
0x10: {  	[smem:$0x3FAB] =	sst s8  }
0x11: {  	[smem:$0x3FAC] =	sst s9;
	s0 =	simm.s32 @!p0 $0x0  }
0x12: {  	s1 =	sld [smem:$0x3F92];
	s0 =	simm.s32 @p0 $0x1  }
0x13: {  	[smem:$0x3FAD] =	sst s0;
	s0 =	simm.s32 @!p1 $0x0  }
0x14: {  	s2 =	sld [smem:$0x3F91];
	s0 =	simm.s32 @p1 $0x1  }
0x15: {  	[smem:$0x3FAE] =	sst s0;
	s0 =	simm.s32 @!p2 $0x0  }
0x16: {  	s3 =	sld [smem:$0x3FDB];
	s0 =	simm.s32 @p2 $0x1  }
0x17: {  	s4 =	simm.s32 $0x1BF5;
	[smem:$0x3FB0] =	sst s0  }
0x18: {  	s0 =	sld [smem:$0x3F93];
	_ =	swait.ge [sflag:s4], $0x0  }
0x19: {  	s7 =	sld [smem:$0x3F94]  }
0x1a: {  	s8 =	sadd.s32 $0xFFFFE003, lr  }
0x1b: {  	s9 =	sadd.s32 $0xFFFFFEF7, lr;
	s5 =	simm.s32 $0xFFFFFFFF;
	p2 =	slt.u32 s8, $0xFFFFF086  }
0x1c: {  	p1 =	slt.u32 s9, $0xF7A;
	s5 =	simm.s32 @!p2 $0x0  }
0x1d: {  	s5 =	simm.s32 @p1 $0x1;
	p0 =	seq.s32 s7, s2  }
0x1e: {  	s7 =	smul.u32 @!p0 $0xF7A, s2;
	p2 =	seq.s32 @!p0 s5, $0x0  }
0x1f: {  	s9 =	smul.u32 $0xF7A, s1;
	s8 =	simm.s32 @!p0 $0x1BF5;
	p2 =	por !p2, p0  }
0x20: {  	[sflag:s8] =	ssyncset.s32 @!p0 $0xFFFFF086;
	s6 =	sadd.s32 @!p0 s3, s7;
	s7 =	simm.s32 @!p0 $0x108  }
0x21: {  	s3 =	sadd.s32 s3, s9;
	s6 =	sadd.s32 @!p0 $0x88, s6;
	s7 =	simm.s32 @p2 $0x1082  }
0x22: {  	[simem:s7], [sflag:s8] =	dma.local @!p0 [hbm:s6], $0xF7A  }
0x23: {  	s9 =	sor.u32 $0xD0000000, s2;
	s6 =	simm.s32 $0x108;
	_ =	swait.ge @!p0 [sflag:s8], $0x0  }
0x24: {  	s3 =	sadd.s32 $0x88, s3;
	s6 =	simm.s32 @!p1 $0x1082;
	[sflag:s4] =	ssyncset.s32 $0xFFFFF086  }
0x25: {  	[simem:s6], [sflag:s4] =	dma.local [hbm:s3], $0xF7A  }
0x26: {  	[smem:$0x3F94] =	sst s1;
	(tag) =	ssettag s2;
	_ =	strace s9  }
0x27: {  	s1 =	sld [smem:$0x3FA4]  }
0x28: {  	s2 =	sld [smem:$0x3FA5]  }
0x29: {  	s4 =	sld [smem:$0x3FA7]  }
0x2a: {  	p0 =	seq.s32 s5, $0x0;
	s5 =	sld [smem:$0x3FA8]  }
0x2b: {  	s6 =	sld [smem:$0x3FA9]  }
0x2c: {  	s7 =	sld [smem:$0x3FAA]  }
0x2d: {  	s3 =	simm.s32 $0x108;
	s8 =	sld [smem:$0x3FAB]  }
0x2e: {  	s3 =	simm.s32 @!p0 $0x1082;
	s9 =	sld [smem:$0x3FAC]  }
0x2f: {  	lr =	sadd.s32 s0, s3;
	s0 =	sld [smem:$0x3FA3]  }
0x30: {  	s3 =	sld [smem:$0x3FA6]  }
0x31: {  	[smem:$0x3FAF] =	sst s10  }
0x32: {  	s10 =	sld [smem:$0x3FAD];
	_ =	sdelay $0x3  }
0x33: {  	p0 =	seq.s32 s10, $0x1;
	s10 =	sld [smem:$0x3FAF];
	_ =	sdelay $0x3  }
0x34: {  	[smem:$0x3FAF] =	sst s10  }
0x35: {  	s10 =	sld [smem:$0x3FAE];
	_ =	sdelay $0x3  }
0x36: {  	p1 =	seq.s32 s10, $0x1;
	s10 =	sld [smem:$0x3FAF];
	_ =	sdelay $0x3  }
0x37: {  	[smem:$0x3FAF] =	sst s10  }
0x38: {  	s10 =	sld [smem:$0x3FB0]  }
0x39: {  	_ = 	snop;
	(pc) =	sbr.ind lr, $3  }
0x3a: {  	_ = 	snop  }
0x3b: {  	_ = 	snop  }
0x3c: {  	p2 =	seq.s32 s10, $0x1;
	s10 =	sld [smem:$0x3FAF]  }
0x3d: {  	_ =	shalt  }
0x3e: {  	_ =	shalt  }
0x3f: {  	_ =	shalt  }
0x40: {  	_ =	shalt  }
0x41: {  	_ =	shalt  }
0x42: {  	_ =	shalt  }
0x43: {  	_ =	shalt  }
0x44: {  	_ =	shalt  }
0x45: {  	_ =	shalt  }
0x46: {  	_ =	shalt  }
0x47: {  	_ =	shalt  }
0x48: {  	_ =	shalt  }
0x49: {  	_ =	shalt  }
0x4a: {  	_ =	shalt  }
0x4b: {  	_ =	shalt  }
0x4c: {  	_ =	shalt  }
0x4d: {  	_ =	shalt  }
0x4e: {  	_ =	shalt  }
0x4f: {  	_ =	shalt  }
0x50: {  	_ =	shalt  }
0x51: {  	_ =	shalt  }
0x52: {  	_ =	shalt  }
0x53: {  	_ =	shalt  }
0x54: {  	_ =	shalt  }
0x55: {  	_ =	shalt  }
0x56: {  	_ =	shalt  }
0x57: {  	_ =	shalt  }
0x58: {  	_ =	shalt  }
0x59: {  	_ =	shalt  }
0x5a: {  	_ =	shalt  }
0x5b: {  	_ =	shalt  }
0x5c: {  	_ =	shalt  }
0x5d: {  	_ =	shalt  }
0x5e: {  	_ =	shalt  }
0x5f: {  	_ =	shalt  }
0x60: {  	_ =	shalt  }
0x61: {  	_ =	shalt  }
0x62: {  	_ =	shalt  }
0x63: {  	_ =	shalt  }
0x64: {  	_ =	shalt  }
0x65: {  	_ =	shalt  }
0x66: {  	_ =	shalt  }
0x67: {  	_ =	shalt  }
0x68: {  	_ =	shalt  }
0x69: {  	_ =	shalt  }
0x6a: {  	_ =	shalt  }
0x6b: {  	_ =	shalt  }
0x6c: {  	_ =	shalt  }
0x6d: {  	_ =	shalt  }
0x6e: {  	_ =	shalt  }
0x6f: {  	_ =	shalt  }
0x70: {  	_ =	shalt  }
0x71: {  	_ =	shalt  }
0x72: {  	_ =	shalt  }
0x73: {  	_ =	shalt  }
0x74: {  	_ =	shalt  }
0x75: {  	_ =	shalt  }
0x76: {  	_ =	shalt  }
0x77: {  	_ =	shalt  }
0x78: {  	_ =	shalt  }
0x79: {  	_ =	shalt  }
0x7a: {  	_ =	shalt  }
0x7b: {  	_ =	shalt  }
0x7c: {  	_ =	shalt  }
0x7d: {  	_ =	shalt  }
0x7e: {  	_ =	shalt  }
0x7f: {  	_ =	shalt  }
0x80: {  	_ =	shalt  }
0x81: {  	_ =	shalt  }
0x82: {  	_ =	shalt  }
0x83: {  	_ =	shalt  }
0x84: {  	_ =	shalt  }
0x85: {  	_ =	shalt  }
0x86: {  	_ =	shalt  }
0x87: {  	_ =	shalt  }
.Lfunc_end0:
.L_simem_size_0:
called_computation_lowered:
.L_overlay_start_0:
0x88: {  	s2 =	sld [smem:$0x3FD9]  }
0x89: {  	s3 =	sld [smem:$0x3FFE];
	_ =	sdelay $0x1  }
0x8a: {  	s1 =	srdreg.scid  }
0x8b: {  	s0 =	sand.u32 $0x1, s1  }
0x8c: {  	s17 =	sshll.u32 s0, $0xA;
	s2 =	sadd.s32 s3, s2  }
0x8d: {  	s2 =	sadd.s32 s2, s17  }
0x8e: {  	[smem:$0x3FBB] =	sst s2  }
0x8f: {  	_ = 	snop  }
0x90: {  	s2 =	sld [smem:$0x3FC9]  }
0x91: {  	s18 =	sld [smem:$0x3FD0];
	(tm) =	ssettm $0x1  }
0x92: {  	s4 =	sld [smem:$0x3FFB];
	_ =	sdelay $0x3  }
0x93: {  	_ =	strace s4  }
0x94: {  	s4 =	sld [smem:$0x3FFC];
	_ =	sdelay $0x3  }
0x95: {  	_ =	strace s4  }
0x96: {  	s4 =	sld [smem:$0x3FFD];
	_ =	sdelay $0x3  }
0x97: {  	_ =	strace s4  }
0x98: {  	_ =	strace $0x8FFFFFFF  }
0x99: {  	s19 =	sld [smem:$0x3FDB];
	_ =	sdelay $0x1  }
0x9a: {  	s5 =	simm.s32 $_scs_section_size  }
0x9b: {  	s6 =	simm.s32 $_size__tile_overlayer_lowered;
	s7 =	simm.s32 $_tile_overlayer_lowered  }
0x9c: {  	s22 =	simm.s32 $0x1BFF;
	s21 =	sshll.u32 s7, $0x1;
	s4 =	sadd.s32 s5, s19  }
0x9d: {  	s8 =	simm.s32 $0x0;
	s20 =	sshll.u32 s6, $0x1;
	s6 =	sadd.s32 s21, s4  }
0x9e: {  	[timem:s8], [sflag:s22] =	dma.local [hbm:s6], s20  }
0x9f: {  	_ =	swait.ge [sflag:s22], s20  }
0xa0: {  	s5 =	ssub.s32 $0x0, s20;
	[sflag:s22] =	ssyncset.done $0x0  }
0xa1: {  	[sflag:s22] =	ssyncadd.s32 s5;
	_ =	sdelay $0x1  }
0xa2: {  	s23 =	simm.s32 $0x1B8B  }
0xa3: {  	_ =	swait.ge [sflag:s23], $0x1  }
0xa4: {  	[sflag:s23] =	ssyncset.done $0x0  }
0xa5: {  	s25 =	simm.s32 $0x1B8E;
	s24 =	sld [smem:$0x3FFE];
	[sflag:s23] =	ssyncadd.s32 $0xFFFFFFFF  }
0xa6: {  	s26 =	simm.s32 $execute0_lowered;
	[smem:$0x3FD2] =	sst s25  }
0xa7: {  	s6 =	sshll.u32 s26, $0x1;
	_ =	strace $0x80000046;
	[dreg:$0x1] =	wrdreg $0xFFFFFFFF  }
0xa8: {  	s28 =	simm.s32 $_size_execute0_lowered;
	s4 =	sadd.s32 s4, s6;
	[dreg:$0x0] =	wrdreg $0x0  }
0xa9: {  	s6 =	sshll.u32 s28, $0x1;
	[dreg:$0x2] =	wrdreg s4  }
0xaa: {  	[dreg:$0x3] =	wrdreg s6  }
0xab: {  	[dreg:$0x4] =	wrdreg $0xC0  }
0xac: {  	_ =	task [dreg:s8], $0x5FFFF  }
0xad: {  	[dreg:$0x1] =	wrdreg $0xFFFFFFFF  }
0xae: {  	[dreg:$0x0] =	wrdreg $0x60  }
0xaf: {  	[dreg:$0x2] =	wrdreg s2  }
0xb0: {  	[dreg:$0x3] =	wrdreg s24  }
0xb1: {  	[dreg:$0x4] =	wrdreg s18  }
0xb2: {  	[dreg:$0x5] =	wrdreg $0xBF000  }
0xb3: {  	[dreg:$0x6] =	wrdreg $0x1F7800  }
0xb4: {  	[dreg:$0x7] =	wrdreg $0x9  }
0xb5: {  	_ =	task.clear_ibuf [dreg:s8], $0x8FFFF;
	_ =	strace $0x90000046  }
0xb6: {  	s29 =	simm.s32 $0x9;
	_ =	strace $0x80000048  }
0xb7: {  	_ =	swait.ge [sflag:s29], $0x1  }
0xb8: {  	[sflag:s29] =	ssyncadd.s32 $0xFFFFFFFF  }
0xb9: {  	_ =	strace $0x90000048  }
0xba: {  	_ =	sfence  }
0xbb: {  	s30 =	sld [smem:$0x0];
	_ =	sdelay $0x2  }
0xbc: {  	s31 =	sshll.u32 s1, $0xD;
	s1 =	sshrl.u32 s1, $0x2  }
0xbd: {  	s3 =	sand.u32 $0x4000, s31;
	s1 =	sadd.s32 s1, s30  }
0xbe: {  	s0 =	sor.u32 s3, s0;
	s1 =	sshll.u32 s1, $0x11  }
0xbf: {  	s0 =	sor.u32 s1, s0  }
0xc0: {  	s0 =	sadd.s32 $0x8F2B, s0  }
0xc1: {  	[sflag:s0] =	ssyncadd.remote.s32 $0x1  }
0xc2: {  	_ =	sfence.sel $0xFFFF  }
0xc3: {  	[dreg:$0x0] =	wrdreg $0xFFFFFFFF;
	(pc) =	sbr.abs _section_cstart, $3  }
0xc4: {  	[dreg:$0x1] =	wrdreg $0xFFFFFFFF  }
0xc5: {  	_ =	task.clear_ibuf [dreg:s8], $0x2FFFF;
	_ =	strace $0x9FFFFFFF  }
0xc6: {  	(tm) =	ssettm $0x7FFFFFFF  }
0xc7: {  	_ =	shalt  }
tec
execute0_lowered:
.L_overlay_start_1:
0x0: {  	(tag) =	ssettag $0x1  }
0x1: {  	s4 =	rddreg [dreg:$0x1];
	s19 =	stileid.u32  }
0x2: {  	s5 =	rddreg [dreg:$0x2];
	s3 =	smul.u32 $0x280, s19  }
0x3: {  	s0 =	srdreg.scid;
	s9 =	smul.u32 $0x14000, s19  }
0x4: {  	s1 =	simm.s32 $0x0;
	s6 =	sand.u32 $0x1, s0;
	s21 =	smul.u32 $0x2710, s19  }
0x5: {  	[smem:$0x7FF] =	sst s1;
	s11 =	sadd.s32 $0x1C600, s4;
	s7 =	smul.u32 $0x138800, s6  }
0x6: {  	s20 =	sadd.s32 $0x1C000, s4;
	p0 =	seq.s32 s19, $0xF;
	s29 =	smul.u32 $0x2710, s6  }
0x7: {  	s0 =	ssub.s32 $0x2, s6;
	s2 =	sshll.u32 s6, $0x4;
	s6 =	smul.u32 $0x27100, s6  }
0x8: {  	s8 =	sshrl.u32 s0, $0x1;
	s10 =	sshll.u32 s3, $0x7;
	s22 =	sor.u32 s19, s2  }
0x9: {  	s2 =	rddreg [dreg:$0x4];
	s0 =	ssub.s32 s0, s8;
	s8 =	sor.u32 $0x2800, s10  }
0xa: {  	s9 =	sadd.s32 s9, s7;
	s15 =	sadd.s32 $0x5000, s10;
	s16 =	sadd.s32 $0xC800, s10  }
0xb: {  	s18 =	sadd.s32 s3, s29;
	s6 =	sadd.s32 s21, s6;
	s31 =	sadd.s32 s3, s2  }
0xc: {  	s12 =	sadd.s32 s7, s8;
	s9 =	sshrl.u32 s9, $0x3;
	s13 =	sadd.s32 s7, s15  }
0xd: {  	s17 =	sadd.s32 s7, s16;
	s1 =	sshrl.u32 s18, $0x3;
	s18 =	sadd.s32 $0x2000, s4  }
0xe: {  	s12 =	sshrl.u32 s12, $0x3;
	s9 =	sadd.s32 s11, s9;
	s24 =	sshrl.u32 s13, $0x3  }
0xf: {  	s28 =	sshrl.u32 s17, $0x3;
	[dreg:$0x6] =	wrdreg s9;
	s23 =	sadd.s32 s11, s12  }
0x10: {  	s17 =	sadd.s32 $0xF000, s10;
	s9 =	sadd.s32 s11, s24;
	[dreg:$0x7] =	wrdreg s23  }
0x11: {  	s12 =	sadd.s32 $0xA000, s10;
	s30 =	sadd.s32 s7, s17;
	[dreg:$0x8] =	wrdreg s9  }
0x12: {  	s9 =	sadd.s32 $0x7800, s10;
	s14 =	sadd.s32 s7, s12;
	s10 =	sadd.s32 $0x11800, s10  }
0x13: {  	s25 =	sadd.s32 s7, s9;
	s14 =	sshrl.u32 s14, $0x3;
	s7 =	sadd.s32 s7, s10  }
0x14: {  	s13 =	sshrl.u32 s25, $0x3;
	s26 =	sadd.s32 s11, s14;
	s14 =	rddreg [dreg:$0x3]  }
0x15: {  	s7 =	sshrl.u32 s7, $0x3;
	s13 =	sadd.s32 s11, s13;
	[dreg:$0xa] =	wrdreg s26  }
0x16: {  	s0 =	smax.u32 s0, $0x1;
	s7 =	sadd.s32 s11, s7;
	[dreg:$0x9] =	wrdreg s13  }
0x17: {  	s24 =	smul.u32 $0x50000, s19;
	s13 =	sadd.s32 s11, s28;
	[dreg:$0xd] =	wrdreg s7  }
0x18: {  	s7 =	sadd.s32 s5, s1;
	[dreg:$0xb] =	wrdreg s13;
	s13 =	sshrl.u32 s30, $0x3  }
0x19: {  	[dreg:$0xe] =	wrdreg s7;
	s13 =	sadd.s32 s11, s13;
	s11 =	sshll.u32 s22, $0xB  }
0x1a: {  	s23 =	smul.u32 $0x2710, s22;
	[dreg:$0xc] =	wrdreg s13;
	s11 =	sadd.s32 s11, s4  }
0x1b: {  	s4 =	sadd.s32 $0x1BE00, s4;
	_ =	strace $0x80000047;
	[dreg:$0x10] =	wrdreg s20  }
0x1c: {  	s25 =	sshrl.u32 s24, $0x2;
	s26 =	sadd.s32 s8, s14;
	[dreg:$0x11] =	wrdreg s4  }
0x1d: {  	s24 =	sadd.s32 $0x1E0, s6;
	s28 =	sadd.s32 s15, s14;
	[dreg:$0x17] =	wrdreg s26  }
0x1e: {  	s13 =	sshrl.u32 s29, $0x3;
	s29 =	sadd.s32 s9, s14;
	[dreg:$0x18] =	wrdreg s28  }
0x1f: {  	s21 =	sadd.s32 s25, s14;
	s30 =	sadd.s32 s12, s14;
	[dreg:$0x19] =	wrdreg s29  }
0x20: {  	s2 =	sadd.s32 s16, s14;
	s8 =	sadd.s32 $0x370, s6;
	[dreg:$0x1a] =	wrdreg s30  }
0x21: {  	s16 =	sadd.s32 $0x230, s6;
	s7 =	sadd.s32 s10, s14;
	[dreg:$0x1b] =	wrdreg s2  }
0x22: {  	s3 =	sshrl.u32 s8, $0x3;
	s15 =	sadd.s32 $0x280, s6;
	[dreg:$0x1d] =	wrdreg s7  }
0x23: {  	s12 =	sadd.s32 s3, s18;
	s3 =	sshrl.u32 s15, $0x3;
	[dreg:$0x1f] =	wrdreg s0  }
0x24: {  	s1 =	simm.s32 $0x0;
	s22 =	sadd.s32 s3, s18;
	[smem:$0x7F3] =	sst s12  }
0x25: {  	s10 =	sadd.s32 $0x320, s6;
	s3 =	simm.s32 $0x50;
	[smem:$0x7F6] =	sst s22  }
0x26: {  	s5 =	sadd.s32 s5, s13;
	s20 =	simm.s32 $0x5;
	[dreg:$0xf] =	wrdreg s18  }
0x27: {  	s11 =	sadd.s32 $0xBE00, s11;
	s4 =	sshrl.u32 s23, $0x3;
	[smem:$0x7F8] =	sst s24  }
0x28: {  	s13 =	sshrl.u32 s10, $0x3;
	s23 =	sshrl.u32 s16, $0x3;
	[dreg:$0x14] =	wrdreg s31  }
0x29: {  	s22 =	simm.s32 $0x400;
	s24 =	simm.s32 $0xC;
	[dreg:$0x16] =	wrdreg s21  }
0x2a: {  	[dreg:$0x13] =	wrdreg s11;
	s11 =	sadd.s32 s18, s4;
	s4 =	sadd.s32 s17, s14  }
0x2b: {  	s10 =	simm.s32 $0x200;
	s9 =	sadd.s32 $0x4B0, s5;
	[dreg:$0x1c] =	wrdreg s4  }
0x2c: {  	s16 =	simm.s32 $0xBC00;
	s0 =	sadd.s32 s13, s18;
	[dreg:$0x1e] =	wrdreg s9  }
0x2d: {  	s20 =	simm.s32 @!p0 $0x8;
	s17 =	simm.s32 $0x0;
	[smem:$0x7F4] =	sst s0  }
0x2e: {  	s14 =	sadd.s32 $0x2D0, s6;
	p0 =	sne.s32 s19, $0xF;
	[dreg:$0x15] =	wrdreg s11  }
0x2f: {  	s19 =	simm.s32 $0x180;
	s25 =	sadd.s32 $0xA, s11;
	[dreg:$0x12] =	wrdreg s20  }
0x30: {  	s0 =	sshrl.u32 s14, $0x3;
	s26 =	sadd.s32 $0x14, s11;
	[smem:$0x7F9] =	sst s25  }
0x31: {  	s28 =	sadd.s32 $0x1E, s11;
	s29 =	sadd.s32 $0x28, s11;
	[smem:$0x7FA] =	sst s26  }
.Ltmp0:
0x32: {  	s30 =	sadd.s32 $0x32, s11;
	[smem:$0x7FB] =	sst s28;
	(pc) =	sbr.rel .LBB2_1-.Ltmp0, $4  }
0x33: {  	s4 =	simm.s32 $0x6C00;
	s11 =	simm.s32 $0x9400;
	[smem:$0x7FC] =	sst s29  }
0x34: {  	s0 =	sadd.s32 s0, s18;
	[smem:$0x7FD] =	sst s30;
	s25 =	simm.s32 $0xB  }
0x35: {  	s26 =	simm.s32 $0xA;
	[smem:$0x7F5] =	sst s0;
	s0 =	sadd.s32 s23, s18  }
0x36: {  	v0 =	vimm.f32 $1.000000000e+00;
	s23 =	simm.s32 $0x4400;
	[smem:$0x7F7] =	sst s0;
	s0 =	simm.s32 $0x280  }
.LBB2_8:
0x37: {  	s6 =	simm.s32 $0x1  }
0x38: {  	_ =	swait.ge [sflag:s6], $0x2800  }
0x39: {  	[sflag:s6] =	ssyncset.done $0x0  }
0x3a: {  	[sflag:s6] =	ssyncadd.s32 $0xFFFFD800  }
0x3b: {  	s0 =	simm.s32 $0x4000;
	s4 =	rddreg [dreg:$0x3]  }
0x3c: {  	[spmem:s4] =	stream.indirect.scatter.add.f32 [tilespmem:s23], [sflag:$0xC], $0x80, s0, s3, $0xb8;
	[tilespmem:$0x1F9F8] =	vst v63  }
0x3d: {  	_ =	swait.ge [sflag:s24], $0x2800  }
0x3e: {  	[sflag:s24] =	ssyncset.done $0x0  }
0x3f: {  	[sflag:s24] =	ssyncadd.s32 $0xFFFFD800  }
0x40: {  	_ =	swait.ge [sflag:s26], $0x50  }
0x41: {  	[sflag:s26] =	ssyncset.done $0x0  }
0x42: {  	s5 =	simm.s32 $0xBC00;
	[sflag:s26] =	ssyncadd.s32 $0xFFFFFFB0  }
0x43: {  	s9 =	simm.s32 $0x4100;
	s21 =	simm.s32 $0x7;
	s2 =	rddreg [dreg:$0x4]  }
0x44: {  	[spmem:s2] =	stream.indirect.scatter.add.f32 [tilespmem:s5], [sflag:$0xA], $0x1, s9, s3, $0xb8;
	[tilespmem:$0x1F9F8] =	vst v63  }
0x45: {  	_ =	swait.ge [sflag:s21], $0x50  }
0x46: {  	[sflag:s21] =	ssyncset.done $0x0  }
0x47: {  	[sflag:s21] =	ssyncadd.s32 $0xFFFFFFB0  }
0x48: {  	s7 =	simm.s32 $0x2;
	s1 =	rddreg [dreg:$0x0]  }
0x49: {  	[tilespmem:s23], [sflag:$0x1] =	stream.indirect.gather [hbm4b:s1+s3], $0x80, s19, s3, $0xb8;
	[tilespmem:$0x1F9F8] =	vst v63  }
0x4a: {  	_ =	swait.ge [sflag:s7], $0x2800  }
0x4b: {  	[sflag:s7] =	ssyncset.done $0x0  }
0x4c: {  	s22 =	simm.s32 $0x6C00;
	s8 =	simm.s32 $0x4080;
	[sflag:s7] =	ssyncadd.s32 $0xFFFFD800  }
0x4d: {  	[spmem:s4] =	stream.indirect.scatter.add.f32 [tilespmem:s22], [sflag:$0xC], $0x80, s8, s3, $0xb8;
	[tilespmem:$0x1F9F8] =	vst v63  }
0x4e: {  	_ =	swait.ge [sflag:s24], $0x2800  }
0x4f: {  	[sflag:s24] =	ssyncset.done $0x0  }
0x50: {  	[sflag:s24] =	ssyncadd.s32 $0xFFFFD800  }
0x51: {  	_ =	swait.ge [sflag:s25], $0x50  }
0x52: {  	[sflag:s25] =	ssyncset.done $0x0  }
0x53: {  	s12 =	simm.s32 $0x4180;
	s28 =	simm.s32 $0x8;
	[sflag:s25] =	ssyncadd.s32 $0xFFFFFFB0  }
0x54: {  	[spmem:s2] =	stream.indirect.scatter.add.f32 [tilespmem:s5], [sflag:$0xB], $0x1, s12, s3, $0xb8;
	[tilespmem:$0x1F9F8] =	vst v63  }
0x55: {  	_ =	swait.ge [sflag:s28], $0x50  }
0x56: {  	[sflag:s28] =	ssyncset.done $0x0  }
0x57: {  	s29 =	simm.s32 $0x3;
	[sflag:s28] =	ssyncadd.s32 $0xFFFFFFB0  }
0x58: {  	[tilespmem:s22], [sflag:$0x2] =	stream.indirect.gather [hbm4b:s1+s3], $0x80, s10, s3, $0xb8;
	[tilespmem:$0x1F9F8] =	vst v63  }
0x59: {  	_ =	swait.ge [sflag:s29], $0x2800  }
0x5a: {  	[sflag:s29] =	ssyncset.done $0x0  }
0x5b: {  	[sflag:s29] =	ssyncadd.s32 $0xFFFFD800  }
0x5c: {  	[spmem:s4] =	stream.indirect.scatter.add.f32 [tilespmem:s11], [sflag:$0xC], $0x80, s9, s3, $0xb8;
	[tilespmem:$0x1F9F8] =	vst v63  }
0x5d: {  	_ =	swait.ge [sflag:s24], $0x2800  }
0x5e: {  	[sflag:s24] =	ssyncset.done $0x0  }
0x5f: {  	[sflag:s24] =	ssyncadd.s32 $0xFFFFD800  }
0x60: {  	_ =	swait.ge [sflag:s26], $0x50  }
0x61: {  	[sflag:s26] =	ssyncset.done $0x0  }
0x62: {  	s30 =	simm.s32 $0x4200;
	[sflag:s26] =	ssyncadd.s32 $0xFFFFFFB0  }
0x63: {  	[spmem:s2] =	stream.indirect.scatter.add.f32 [tilespmem:s5], [sflag:$0xA], $0x1, s30, s3, $0xb8;
	[tilespmem:$0x1F9F8] =	vst v63  }
0x64: {  	_ =	swait.ge [sflag:s6], $0x2800  }
0x65: {  	[sflag:s6] =	ssyncset.done $0x0  }
0x66: {  	[sflag:s6] =	ssyncadd.s32 $0xFFFFD800  }
0x67: {  	[spmem:s4] =	stream.indirect.scatter.add.f32 [tilespmem:s23], [sflag:$0xC], $0x80, s12, s3, $0xb8;
	[tilespmem:$0x1F9F8] =	vst v63  }
0x68: {  	_ =	swait.ge [sflag:s24], $0x2800  }
0x69: {  	[sflag:s24] =	ssyncset.done $0x0  }
0x6a: {  	[sflag:s24] =	ssyncadd.s32 $0xFFFFD800  }
0x6b: {  	_ =	swait.ge [sflag:s25], $0x50  }
0x6c: {  	[sflag:s25] =	ssyncset.done $0x0  }
0x6d: {  	[sflag:s25] =	ssyncadd.s32 $0xFFFFFFB0  }
0x6e: {  	_ =	swait.ge [sflag:s7], $0x2800  }
0x6f: {  	[sflag:s7] =	ssyncset.done $0x0  }
0x70: {  	[sflag:s7] =	ssyncadd.s32 $0xFFFFD800  }
0x71: {  	[spmem:s4] =	stream.indirect.scatter.add.f32 [tilespmem:s22], [sflag:$0xC], $0x80, s30, s3, $0xb8;
	[tilespmem:$0x1F9F8] =	vst v63  }
0x72: {  	_ =	swait.ge [sflag:s24], $0x2800  }
0x73: {  	[sflag:s24] =	ssyncset.done $0x0  }
0x74: {  	[sflag:s24] =	ssyncadd.s32 $0xFFFFD800  }
0x75: {  	_ =	swait.ge [sflag:s26], $0x50  }
0x76: {  	[sflag:s26] =	ssyncset.done $0x0  }
0x77: {  	[sflag:s26] =	ssyncadd.s32 $0xFFFFFFB0  }
0x78: {  	[bflag:$0x0] =	sbarrier.arrive $0xFFFF  }
0x79: {  	s15 =	simm.s32 @p0 $0xBC80;
	s31 =	rddreg [dreg:$0x14]  }
0x7a: {  	[tilespmem:s15], [sflag:$0xA] =	stream.linear.gather @p0 [spmem:s31], $0x280, $0x38;
	[tilespmem:$0x1F9F8] =	vst v63  }
0x7b: {  	s12 =	simm.s32 @!p0 $0xBC80  }
0x7c: {  	[tilespmem:s12], [sflag:$0xA] =	stream.linear.gather @!p0 [spmem:s31], $0x190, $0x38;
	[tilespmem:$0x1F9F8] =	vst v63  }
0x7d: {  	s2 =	rddreg [dreg:$0x16]  }
0x7e: {  	[tilespmem:s23], [sflag:$0xC] =	stream.linear.gather [spmem:s2], $0x2800, $0x38;
	[tilespmem:$0x1F9F8] =	vst v63  }
0x7f: {  	_ =	swait.ge [sflag:s24], $0x2800  }
0x80: {  	[sflag:s24] =	ssyncset.done $0x0  }
0x81: {  	s18 =	rddreg [dreg:$0x6];
	[sflag:s24] =	ssyncadd.s32 $0xFFFFD800  }
0x82: {  	[hbm4b:s18+s17] =	stream.linear.scatter [tilespmem:s23], [sflag:$0x1], $0x2800, $0x38;
	[tilespmem:$0x1F9F8] =	vst v63  }
0x83: {  	s5 =	rddreg [dreg:$0x17]  }
0x84: {  	[tilespmem:s22], [sflag:$0xC] =	stream.linear.gather [spmem:s5], $0x2800, $0x38;
	[tilespmem:$0x1F9F8] =	vst v63  }
0x85: {  	_ =	swait.ge [sflag:s24], $0x2800  }
0x86: {  	[sflag:s24] =	ssyncset.done $0x0  }
0x87: {  	s9 =	rddreg [dreg:$0x7];
	[sflag:s24] =	ssyncadd.s32 $0xFFFFD800  }
0x88: {  	[hbm4b:s9+s17] =	stream.linear.scatter [tilespmem:s22], [sflag:$0x2], $0x2800, $0x38;
	[tilespmem:$0x1F9F8] =	vst v63  }
0x89: {  	_ =	swait.ge [sflag:s6], $0x2800  }
0x8a: {  	[sflag:s6] =	ssyncset.done $0x0  }
0x8b: {  	s13 =	rddreg [dreg:$0x18];
	[sflag:s6] =	ssyncadd.s32 $0xFFFFD800  }
0x8c: {  	[tilespmem:s23], [sflag:$0xC] =	stream.linear.gather [spmem:s13], $0x2800, $0x38;
	[tilespmem:$0x1F9F8] =	vst v63  }
0x8d: {  	_ =	swait.ge [sflag:s24], $0x2800  }
0x8e: {  	[sflag:s24] =	ssyncset.done $0x0  }
0x8f: {  	s14 =	rddreg [dreg:$0x8];
	[sflag:s24] =	ssyncadd.s32 $0xFFFFD800  }
0x90: {  	[hbm4b:s14+s17] =	stream.linear.scatter [tilespmem:s23], [sflag:$0x1], $0x2800, $0x38;
	[tilespmem:$0x1F9F8] =	vst v63  }
0x91: {  	_ =	swait.ge [sflag:s7], $0x2800  }
0x92: {  	[sflag:s7] =	ssyncset.done $0x0  }
0x93: {  	s20 =	rddreg [dreg:$0x19];
	[sflag:s7] =	ssyncadd.s32 $0xFFFFD800  }
0x94: {  	[tilespmem:s22], [sflag:$0xC] =	stream.linear.gather [spmem:s20], $0x2800, $0x38;
	[tilespmem:$0x1F9F8] =	vst v63  }
0x95: {  	_ =	swait.ge [sflag:s24], $0x2800  }
0x96: {  	[sflag:s24] =	ssyncset.done $0x0  }
0x97: {  	s21 =	rddreg [dreg:$0x9];
	[sflag:s24] =	ssyncadd.s32 $0xFFFFD800  }
0x98: {  	[hbm4b:s21+s17] =	stream.linear.scatter [tilespmem:s22], [sflag:$0x2], $0x2800, $0x38;
	[tilespmem:$0x1F9F8] =	vst v63  }
0x99: {  	_ =	swait.ge [sflag:s6], $0x2800  }
0x9a: {  	[sflag:s6] =	ssyncset.done $0x0  }
0x9b: {  	s22 =	rddreg [dreg:$0x1a];
	[sflag:s6] =	ssyncadd.s32 $0xFFFFD800  }
0x9c: {  	[tilespmem:s23], [sflag:$0xC] =	stream.linear.gather [spmem:s22], $0x2800, $0x38;
	[tilespmem:$0x1F9F8] =	vst v63  }
0x9d: {  	_ =	swait.ge [sflag:s24], $0x2800  }
0x9e: {  	[sflag:s24] =	ssyncset.done $0x0  }
0x9f: {  	s18 =	simm.s32 @p0 $0x2;
	s28 =	rddreg [dreg:$0xa];
	[sflag:s24] =	ssyncadd.s32 $0xFFFFD800  }
0xa0: {  	[hbm4b:s28+s17] =	stream.linear.scatter [tilespmem:s23], [sflag:$0x1], $0x2800, $0x38;
	[tilespmem:$0x1F9F8] =	vst v63  }
0xa1: {  	_ =	swait.ge @p0 [sflag:s18], $0x2800  }
0xa2: {  	[sflag:s18] =	ssyncset.done @p0 $0x0  }
0xa3: {  	s20 =	simm.s32 @p0 $0x6C00;
	s21 =	rddreg [dreg:$0x1b];
	[sflag:s18] =	ssyncadd.s32 @p0 $0xFFFFD800  }
0xa4: {  	[tilespmem:s20], [sflag:$0xC] =	stream.linear.gather @p0 [spmem:s21], $0x2800, $0x38;
	[tilespmem:$0x1F9F8] =	vst v63  }
0xa5: {  	s21 =	simm.s32 @p0 $0xC  }
0xa6: {  	_ =	swait.ge @p0 [sflag:s21], $0x2800  }
0xa7: {  	[sflag:s21] =	ssyncset.done @p0 $0x0  }
0xa8: {  	s22 =	simm.s32 @p0 $0x0;
	s28 =	rddreg [dreg:$0xb];
	[sflag:s21] =	ssyncadd.s32 @p0 $0xFFFFD800  }
0xa9: {  	[hbm4b:s28+s22] =	stream.linear.scatter @p0 [tilespmem:s20], [sflag:$0x2], $0x2800, $0x38;
	[tilespmem:$0x1F9F8] =	vst v63  }
0xaa: {  	s28 =	simm.s32 @p0 $0x1  }
0xab: {  	_ =	swait.ge @p0 [sflag:s28], $0x2800  }
0xac: {  	[sflag:s28] =	ssyncset.done @p0 $0x0  }
0xad: {  	s29 =	simm.s32 @p0 $0x4400;
	s30 =	rddreg [dreg:$0x1c];
	[sflag:s28] =	ssyncadd.s32 @p0 $0xFFFFD800  }
0xae: {  	[tilespmem:s29], [sflag:$0xC] =	stream.linear.gather @p0 [spmem:s30], $0x2800, $0x38;
	[tilespmem:$0x1F9F8] =	vst v63  }
0xaf: {  	_ =	swait.ge @p0 [sflag:s21], $0x2800  }
0xb0: {  	[sflag:s21] =	ssyncset.done @p0 $0x0  }
0xb1: {  	s30 =	rddreg [dreg:$0xc];
	[sflag:s21] =	ssyncadd.s32 @p0 $0xFFFFD800  }
0xb2: {  	[hbm4b:s30+s22] =	stream.linear.scatter @p0 [tilespmem:s29], [sflag:$0x1], $0x2800, $0x38;
	[tilespmem:$0x1F9F8] =	vst v63  }
0xb3: {  	_ =	swait.ge @p0 [sflag:s18], $0x2800  }
0xb4: {  	[sflag:s18] =	ssyncset.done @p0 $0x0  }
0xb5: {  	s29 =	rddreg [dreg:$0x1d];
	[sflag:s18] =	ssyncadd.s32 @p0 $0xFFFFD800  }
0xb6: {  	[tilespmem:s20], [sflag:$0xC] =	stream.linear.gather @p0 [spmem:s29], $0x2800, $0x38;
	[tilespmem:$0x1F9F8] =	vst v63  }
0xb7: {  	_ =	swait.ge @p0 [sflag:s21], $0x2800  }
0xb8: {  	[sflag:s21] =	ssyncset.done @p0 $0x0  }
0xb9: {  	s29 =	rddreg [dreg:$0xd];
	[sflag:s21] =	ssyncadd.s32 @p0 $0xFFFFD800  }
0xba: {  	[hbm4b:s29+s22] =	stream.linear.scatter @p0 [tilespmem:s20], [sflag:$0x2], $0x2800, $0x38;
	[tilespmem:$0x1F9F8] =	vst v63  }
0xbb: {  	_ =	swait.ge @p0 [sflag:s28], $0x2800  }
0xbc: {  	[sflag:s28] =	ssyncset.done @p0 $0x0  }
0xbd: {  	[sflag:s28] =	ssyncadd.s32 @p0 $0xFFFFD800  }
0xbe: {  	_ =	swait.ge @p0 [sflag:s18], $0x2800  }
0xbf: {  	[sflag:s18] =	ssyncset.done @p0 $0x0  }
0xc0: {  	[sflag:s18] =	ssyncadd.s32 @p0 $0xFFFFD800;
	s18 =	simm.s32 @p0 $0xA  }
0xc1: {  	_ =	swait.ge @p0 [sflag:s18], $0x280  }
0xc2: {  	[sflag:s18] =	ssyncset.done @p0 $0x0  }
0xc3: {  	[sflag:s18] =	ssyncadd.s32 @p0 $0xFFFFFD80;
	s18 =	rddreg [dreg:$0xe]  }
0xc4: {  	[hbm4b:s18+s22] =	stream.linear.scatter @p0 [tilespmem:s15], [sflag:$0xC], $0x280, $0x38;
	[tilespmem:$0x1F9F8] =	vst v63  }
0xc5: {  	_ =	swait.ge @p0 [sflag:s21], $0x280  }
0xc6: {  	[sflag:s21] =	ssyncset.done @p0 $0x0  }
0xc7: {  	s15 =	simm.s32 @!p0 $0x1;
	[sflag:s21] =	ssyncadd.s32 @p0 $0xFFFFFD80  }
0xc8: {  	_ =	swait.ge @!p0 [sflag:s15], $0x2800  }
0xc9: {  	[sflag:s15] =	ssyncset.done @!p0 $0x0  }
0xca: {  	[sflag:s15] =	ssyncadd.s32 @!p0 $0xFFFFD800;
	s15 =	simm.s32 @!p0 $0x2  }
0xcb: {  	_ =	swait.ge @!p0 [sflag:s15], $0x2800  }
0xcc: {  	[sflag:s15] =	ssyncset.done @!p0 $0x0  }
0xcd: {  	[sflag:s15] =	ssyncadd.s32 @!p0 $0xFFFFD800;
	s15 =	simm.s32 @!p0 $0xA  }
0xce: {  	_ =	swait.ge @!p0 [sflag:s15], $0x190  }
0xcf: {  	[sflag:s15] =	ssyncset.done @!p0 $0x0  }
0xd0: {  	s8 =	rddreg [dreg:$0x1e];
	[sflag:s15] =	ssyncadd.s32 @!p0 $0xFFFFFE70;
	s15 =	simm.s32 @!p0 $0x0  }
0xd1: {  	[hbm4b:s8+s15] =	stream.linear.scatter @!p0 [tilespmem:s12], [sflag:$0xC], $0x190, $0x38;
	[tilespmem:$0x1F9F8] =	vst v63  }
0xd2: {  	s12 =	simm.s32 @!p0 $0xC  }
0xd3: {  	_ =	swait.ge @!p0 [sflag:s12], $0x190  }
0xd4: {  	s29 =	sld [smem:$0x7F2];
	_ =	sdelay $0x2  }
0xd5: {  	s30 =	rddreg [dreg:$0x1f];
	s1 =	sadd.s32 $0x1, s29  }
0xd6: {  	p1 =	sne.s32 s1, s30  }
.Ltmp1:
0xd7: {  	_ = 	snop;
	(pc) =	sbr.rel @!p1 .LBB2_9-.Ltmp1, $4  }
0xd8: {  	_ = 	snop  }
0xd9: {  	s0 =	simm.s32 $0x280  }
0xda: {  	s4 =	simm.s32 $0x6C00;
	s22 =	simm.s32 $0x400;
	[sflag:s12] =	ssyncset.done @!p0 $0x0  }
0xdb: {  	s21 =	smov.u32 s2;
	s20 =	rddreg [dreg:$0x12];
	[sflag:s12] =	ssyncadd.s32 @!p0 $0xFFFFFE70  }
.LBB2_1:
0xdc: {  	s8 =	rddreg [dreg:$0x13]  }
0xdd: {  	[tilespmem:s22], [sflag:$0xA] =	stream.linear.gather [hbm4b:s8+s17], $0x3E80, $0x38;
	[tilespmem:$0x1F9F8] =	vst v63  }
0xde: {  	s29 =	rddreg [dreg:$0x10]  }
0xdf: {  	[tilespmem:s23], [sflag:$0xC] =	stream.linear.gather [hbm4b:s29+s17], $0x2800, $0x38;
	[tilespmem:$0x1F9F8] =	vst v63  }
0xe0: {  	_ =	swait.ge [sflag:s24], $0x2800  }
0xe1: {  	s12 =	simm.s32 $0xBC80;
	[sflag:s24] =	ssyncset.done $0x0  }
0xe2: {  	p1 =	sne.s32 s20, $0x1;
	s30 =	rddreg [dreg:$0x11];
	[sflag:s24] =	ssyncadd.s32 $0xFFFFD800  }
0xe3: {  	[tilespmem:s12], [sflag:$0xC] =	stream.linear.gather [hbm4b:s30+s17], $0x280, $0x38;
	[tilespmem:$0x1F9F8] =	vst v63  }
.Ltmp2:
0xe4: {  	_ = 	snop;
	(pc) =	sbr.rel @!p1 .LBB2_3-.Ltmp2, $4  }
0xe5: {  	_ =	swait.ge [sflag:s24], $0x280  }
0xe6: {  	[sflag:s24] =	ssyncset.done $0x0  }
0xe7: {  	s15 =	smov.u32 s21;
	s12 =	sadd.s32 $0xFFFFFFFF, s20;
	[sflag:s24] =	ssyncadd.s32 $0xFFFFFD80  }
0xe8: {  	[spmem:s21] =	stream.linear.scatter [tilespmem:s23], [sflag:$0xB], $0x2800, $0x38;
	[tilespmem:$0x1F9F8] =	vst v63  }
.LBB2_2:
0xe9: {  	p2 =	sne.s32 s12, $0x1  }
.Ltmp3:
0xea: {  	_ = 	snop;
	(pc) =	sbr.rel @p2 .LBB2_2-.Ltmp3, $3  }
0xeb: {  	_ = 	snop  }
0xec: {  	s12 =	sadd.s32 $0xFFFFFFFF, s12;
	s15 =	sadd.s32 $0x2800, s15;
	_ =	sdelay $0x1  }
0xed: {  	[spmem:s15] =	stream.linear.scatter [tilespmem:s23], [sflag:$0xB], $0x2800, $0x38;
	[tilespmem:$0x1F9F8] =	vst v63  }
.LBB2_3:
0xee: {  	s12 =	simm.s32 @p0 $0xBC80  }
0xef: {  	[spmem:s31] =	stream.linear.scatter @p0 [tilespmem:s12], [sflag:$0x1], $0x280, $0x38;
	[tilespmem:$0x1F9F8] =	vst v63  }
0xf0: {  	s12 =	simm.s32 @!p0 $0xBC80  }
0xf1: {  	[spmem:s31] =	stream.linear.scatter @!p0 [tilespmem:s12], [sflag:$0x1], $0x190, $0x38;
	[tilespmem:$0x1F9F8] =	vst v63  }
0xf2: {  	[tilespmem:$0xBC00] =	vst v0  }
0xf3: {  	[tilespmem:$0xBC10] =	vst v0  }
0xf4: {  	[tilespmem:$0xBC20] =	vst v0  }
0xf5: {  	[tilespmem:$0xBC30] =	vst v0  }
.Ltmp4:
0xf6: {  	[tilespmem:$0xBC40] =	vst v0;
	(pc) =	sbr.rel @!p1 .LBB2_5-.Ltmp4, $4  }
0xf7: {  	[tilespmem:$0xBC50] =	vst v0  }
0xf8: {  	[smem:$0x7F2] =	sst s1;
	[tilespmem:$0xBC60] =	vst v0  }
0xf9: {  	_ =	swait.ge [sflag:s25], $0x2800  }
0xfa: {  	s12 =	sadd.s32 $0xFFFFFFFF, s20;
	[sflag:s25] =	ssyncset.done $0x0  }
.LBB2_4:
0xfb: {  	p1 =	sne.s32 s12, $0x1;
	s12 =	sadd.s32 $0xFFFFFFFF, s12;
	[sflag:s25] =	ssyncadd.s32 $0xFFFFD800  }
.Ltmp5:
0xfc: {  	(pc) =	sbr.rel @p1 .LBB2_4-.Ltmp5, $3  }
0xfd: {  	_ =	sdelay $0x1  }
0xfe: {  	_ =	swait.ge [sflag:s25], $0x2800  }
0xff: {  	[sflag:s25] =	ssyncset.done $0x0  }
.LBB2_5:
0x100: {  	[sflag:s25] =	ssyncadd.s32 $0xFFFFD800;
	s12 =	simm.s32 @p0 $0x1  }
0x101: {  	_ =	swait.ge @p0 [sflag:s12], $0x280  }
0x102: {  	[sflag:s12] =	ssyncset.done @p0 $0x0  }
0x103: {  	[sflag:s12] =	ssyncadd.s32 @p0 $0xFFFFFD80;
	s12 =	simm.s32 @!p0 $0x1  }
0x104: {  	_ =	swait.ge @!p0 [sflag:s12], $0x190  }
0x105: {  	[sflag:s12] =	ssyncset.done @!p0 $0x0  }
0x106: {  	[sflag:s12] =	ssyncadd.s32 @!p0 $0xFFFFFE70  }
0x107: {  	_ =	swait.ge [sflag:s26], $0x3E80  }
0x108: {  	[sflag:s26] =	ssyncset.done $0x0;
	s8 =	rddreg [dreg:$0x15]  }
0x109: {  	s18 =	simm.s32 $0x0;
	s7 =	sld [smem:$0x7F9];
	[sflag:s26] =	ssyncadd.s32 $0xFFFFC180  }
0x10a: {  	[tilespmem:s18], [sflag:$0x4] =	stream.linear.gather [hbm4b:s8+s18], $0x50, $0x38;
	[tilespmem:$0x1F9F8] =	vst v63  }
0x10b: {  	s9 =	simm.s32 $0x80;
	s13 =	sld [smem:$0x7FA]  }
0x10c: {  	[tilespmem:s9], [sflag:$0x5] =	stream.linear.gather [hbm4b:s7+s18], $0x50, $0x38;
	[tilespmem:$0x1F9F8] =	vst v63  }
0x10d: {  	s15 =	simm.s32 $0x100;
	s14 =	sld [smem:$0x7FB]  }
0x10e: {  	[tilespmem:s15], [sflag:$0x6] =	stream.linear.gather [hbm4b:s13+s18], $0x50, $0x38;
	[tilespmem:$0x1F9F8] =	vst v63  }
0x10f: {  	_ = 	snop  }
0x110: {  	[tilespmem:s19], [sflag:$0x7] =	stream.linear.gather [hbm4b:s14+s18], $0x50, $0x38;
	[tilespmem:$0x1F9F8] =	vst v63  }
0x111: {  	s19 =	sld [smem:$0x7FC];
	_ =	sdelay $0x1  }
0x112: {  	s20 =	sld [smem:$0x7FD]  }
0x113: {  	[tilespmem:s10], [sflag:$0x8] =	stream.linear.gather [hbm4b:s19+s18], $0x50, $0x38;
	[tilespmem:$0x1F9F8] =	vst v63  }
0x114: {  	s5 =	simm.s32 $0x4  }
0x115: {  	[tilespmem:s0], [sflag:$0x9] =	stream.linear.gather [hbm4b:s20+s18], $0x50, $0x38;
	[tilespmem:$0x1F9F8] =	vst v63  }
0x116: {  	_ =	swait.ge [sflag:s5], $0x50  }
0x117: {  	[sflag:s5] =	ssyncset.done $0x0  }
0x118: {  	[sflag:s5] =	ssyncadd.s32 $0xFFFFFFB0  }
0x119: {  	s21 =	simm.s32 $0x5;
	s1 =	rddreg [dreg:$0x0]  }
0x11a: {  	[tilespmem:s23], [sflag:$0x1] =	stream.indirect.gather [hbm4b:s1+s3], $0x80, s18, s3, $0xb8;
	[tilespmem:$0x1F9F8] =	vst v63  }
0x11b: {  	_ =	swait.ge [sflag:s21], $0x50  }
0x11c: {  	[sflag:s21] =	ssyncset.done $0x0  }
0x11d: {  	s29 =	simm.s32 $0x6;
	[sflag:s21] =	ssyncadd.s32 $0xFFFFFFB0  }
0x11e: {  	[tilespmem:s4], [sflag:$0x2] =	stream.indirect.gather [hbm4b:s1+s3], $0x80, s9, s3, $0xb8;
	[tilespmem:$0x1F9F8] =	vst v63  }
0x11f: {  	_ =	swait.ge [sflag:s29], $0x50  }
0x120: {  	[sflag:s29] =	ssyncset.done $0x0  }
0x121: {  	[sflag:s29] =	ssyncadd.s32 $0xFFFFFFB0  }
0x122: {  	[tilespmem:s11], [sflag:$0x3] =	stream.indirect.gather [hbm4b:s1+s3], $0x80, s15, s3, $0xb8;
	[tilespmem:$0x1F9F8] =	vst v63  }
0x123: {  	[bflag:$0x0] =	sbarrier.arrive $0xFFFF  }
0x124: {  	s30 =	rddreg [dreg:$0x4]  }
0x125: {  	s20 =	sld [smem:$0x7F7]  }
0x126: {  	s21 =	sld [smem:$0x7F6]  }
0x127: {  	s15 =	sld [smem:$0x7F5]  }
0x128: {  	s12 =	sld [smem:$0x7F4]  }
0x129: {  	s2 =	simm.s32 $0xBC00;
	s28 =	sld [smem:$0x7F3]  }
0x12a: {  	[spmem:s30] =	stream.indirect.scatter.add.f32 [tilespmem:s2], [sflag:$0xA], $0x1, s22, s3, $0xb8;
	[tilespmem:$0x1F9F8] =	vst v63  }
0x12b: {  	s31 =	simm.s32 $0x480;
	s22 =	sld [smem:$0x7F8]  }
0x12c: {  	[spmem:s30] =	stream.indirect.scatter.add.f32 [tilespmem:s2], [sflag:$0xB], $0x1, s31, s3, $0xb8;
	[tilespmem:$0x1F9F8] =	vst v63  }
.LBB2_6:
0x12d: {  	s19 =	simm.s32 $0x1  }
0x12e: {  	_ =	swait.ge [sflag:s19], $0x2800  }
0x12f: {  	[sflag:s19] =	ssyncset.done $0x0  }
0x130: {  	s29 =	sshra.s32 s18, $0x2;
	[sflag:s19] =	ssyncadd.s32 $0xFFFFD800  }
0x131: {  	s30 =	sadd.s32 $0x400, s29;
	s14 =	rddreg [dreg:$0x3]  }
0x132: {  	[spmem:s14] =	stream.indirect.scatter.add.f32 [tilespmem:s23], [sflag:$0xC], $0x80, s30, s3, $0xb8;
	[tilespmem:$0x1F9F8] =	vst v63  }
0x133: {  	_ =	swait.ge [sflag:s24], $0x2800  }
0x134: {  	[sflag:s24] =	ssyncset.done $0x0  }
0x135: {  	[sflag:s24] =	ssyncadd.s32 $0xFFFFD800  }
0x136: {  	_ =	swait.ge [sflag:s26], $0x50  }
0x137: {  	[sflag:s26] =	ssyncset.done $0x0  }
0x138: {  	[sflag:s26] =	ssyncadd.s32 $0xFFFFFFB0  }
0x139: {  	s1 =	simm.s32 $0x7;
	s5 =	sadd.s32 $0x500, s29;
	s2 =	rddreg [dreg:$0x4]  }
0x13a: {  	[spmem:s2] =	stream.indirect.scatter.add.f32 [tilespmem:s16], [sflag:$0xA], $0x1, s5, s3, $0xb8;
	[tilespmem:$0x1F9F8] =	vst v63  }
0x13b: {  	_ =	swait.ge [sflag:s1], $0x50  }
0x13c: {  	[sflag:s1] =	ssyncset.done $0x0  }
0x13d: {  	s8 =	rddreg [dreg:$0xf];
	[sflag:s1] =	ssyncadd.s32 $0xFFFFFFB0  }
0x13e: {  	s10 =	simm.s32 $0x180;
	s31 =	sshrl.u32 s22, $0x3;
	s13 =	rddreg [dreg:$0x0]  }
0x13f: {  	[tilespmem:s23], [sflag:$0x1] =	stream.indirect.gather [hbm4b:s13+s3], $0x80, s10, s3, $0xb8;
	[tilespmem:$0x1F9F8] =	vst v63  }
0x140: {  	s6 =	simm.s32 $0x2;
	s31 =	sadd.s32 s8, s31  }
0x141: {  	[tilespmem:s17], [sflag:$0x4] =	stream.linear.gather [hbm4b:s31+s17], $0x50, $0x38;
	[tilespmem:$0x1F9F8] =	vst v63  }
0x142: {  	_ =	swait.ge [sflag:s6], $0x2800  }
0x143: {  	[sflag:s6] =	ssyncset.done $0x0  }
0x144: {  	s7 =	sadd.s32 $0x480, s29;
	s1 =	simm.s32 $0x6C00;
	[sflag:s6] =	ssyncadd.s32 $0xFFFFD800  }
0x145: {  	[spmem:s14] =	stream.indirect.scatter.add.f32 [tilespmem:s1], [sflag:$0xC], $0x80, s7, s3, $0xb8;
	[tilespmem:$0x1F9F8] =	vst v63  }
0x146: {  	_ =	swait.ge [sflag:s24], $0x2800  }
0x147: {  	[sflag:s24] =	ssyncset.done $0x0  }
0x148: {  	[sflag:s24] =	ssyncadd.s32 $0xFFFFD800  }
0x149: {  	_ =	swait.ge [sflag:s25], $0x50  }
0x14a: {  	[sflag:s25] =	ssyncset.done $0x0  }
0x14b: {  	s4 =	simm.s32 $0x8;
	s8 =	sadd.s32 $0x580, s29;
	[sflag:s25] =	ssyncadd.s32 $0xFFFFFFB0  }
0x14c: {  	[spmem:s2] =	stream.indirect.scatter.add.f32 [tilespmem:s16], [sflag:$0xB], $0x1, s8, s3, $0xb8;
	[tilespmem:$0x1F9F8] =	vst v63  }
0x14d: {  	_ =	swait.ge [sflag:s4], $0x50  }
0x14e: {  	[sflag:s4] =	ssyncset.done $0x0  }
0x14f: {  	s11 =	simm.s32 $0x200;
	[sflag:s4] =	ssyncadd.s32 $0xFFFFFFB0  }
0x150: {  	[tilespmem:s1], [sflag:$0x2] =	stream.indirect.gather [hbm4b:s13+s3], $0x80, s11, s3, $0xb8;
	[tilespmem:$0x1F9F8] =	vst v63  }
0x151: {  	s9 =	simm.s32 $0x0;
	s17 =	simm.s32 $0x80;
	s7 =	simm.s32 $0x3  }
0x152: {  	[tilespmem:s17], [sflag:$0x5] =	stream.linear.gather [hbm4b:s20+s9], $0x50, $0x38;
	[tilespmem:$0x1F9F8] =	vst v63  }
0x153: {  	_ =	swait.ge [sflag:s7], $0x2800  }
0x154: {  	[sflag:s7] =	ssyncset.done $0x0  }
0x155: {  	s4 =	simm.s32 $0x9400;
	[sflag:s7] =	ssyncadd.s32 $0xFFFFD800  }
0x156: {  	[spmem:s14] =	stream.indirect.scatter.add.f32 [tilespmem:s4], [sflag:$0xC], $0x80, s5, s3, $0xb8;
	[tilespmem:$0x1F9F8] =	vst v63  }
0x157: {  	_ =	swait.ge [sflag:s24], $0x2800  }
0x158: {  	[sflag:s24] =	ssyncset.done $0x0  }
0x159: {  	[sflag:s24] =	ssyncadd.s32 $0xFFFFD800  }
0x15a: {  	_ =	swait.ge [sflag:s26], $0x50  }
0x15b: {  	[sflag:s26] =	ssyncset.done $0x0  }
0x15c: {  	s30 =	sadd.s32 $0x600, s29;
	s5 =	simm.s32 $0x9;
	[sflag:s26] =	ssyncadd.s32 $0xFFFFFFB0  }
0x15d: {  	[spmem:s2] =	stream.indirect.scatter.add.f32 [tilespmem:s16], [sflag:$0xA], $0x1, s30, s3, $0xb8;
	[tilespmem:$0x1F9F8] =	vst v63  }
0x15e: {  	_ =	swait.ge [sflag:s5], $0x50  }
0x15f: {  	[sflag:s5] =	ssyncset.done $0x0  }
0x160: {  	[sflag:s5] =	ssyncadd.s32 $0xFFFFFFB0  }
0x161: {  	[tilespmem:s4], [sflag:$0x3] =	stream.indirect.gather [hbm4b:s13+s3], $0x80, s0, s3, $0xb8;
	[tilespmem:$0x1F9F8] =	vst v63  }
0x162: {  	s0 =	simm.s32 $0x100  }
0x163: {  	[tilespmem:s0], [sflag:$0x6] =	stream.linear.gather [hbm4b:s21+s9], $0x50, $0x38;
	[tilespmem:$0x1F9F8] =	vst v63  }
0x164: {  	_ =	swait.ge [sflag:s19], $0x2800  }
0x165: {  	[sflag:s19] =	ssyncset.done $0x0  }
0x166: {  	[sflag:s19] =	ssyncadd.s32 $0xFFFFD800  }
0x167: {  	[spmem:s14] =	stream.indirect.scatter.add.f32 [tilespmem:s23], [sflag:$0xC], $0x80, s8, s3, $0xb8;
	[tilespmem:$0x1F9F8] =	vst v63  }
0x168: {  	_ =	swait.ge [sflag:s24], $0x2800  }
0x169: {  	[sflag:s24] =	ssyncset.done $0x0  }
0x16a: {  	[sflag:s24] =	ssyncadd.s32 $0xFFFFD800  }
0x16b: {  	_ =	swait.ge [sflag:s25], $0x50  }
0x16c: {  	[sflag:s25] =	ssyncset.done $0x0  }
0x16d: {  	s31 =	sadd.s32 $0x680, s29;
	s19 =	simm.s32 $0x4;
	[sflag:s25] =	ssyncadd.s32 $0xFFFFFFB0  }
0x16e: {  	[spmem:s2] =	stream.indirect.scatter.add.f32 [tilespmem:s16], [sflag:$0xB], $0x1, s31, s3, $0xb8;
	[tilespmem:$0x1F9F8] =	vst v63  }
0x16f: {  	_ =	swait.ge [sflag:s19], $0x50  }
0x170: {  	[sflag:s19] =	ssyncset.done $0x0  }
0x171: {  	[sflag:s19] =	ssyncadd.s32 $0xFFFFFFB0  }
0x172: {  	[tilespmem:s23], [sflag:$0x1] =	stream.indirect.gather [hbm4b:s13+s3], $0x80, s9, s3, $0xb8;
	[tilespmem:$0x1F9F8] =	vst v63  }
0x173: {  	_ = 	snop  }
0x174: {  	[tilespmem:s10], [sflag:$0x7] =	stream.linear.gather [hbm4b:s15+s9], $0x50, $0x38;
	[tilespmem:$0x1F9F8] =	vst v63  }
0x175: {  	_ =	swait.ge [sflag:s6], $0x2800  }
0x176: {  	[sflag:s6] =	ssyncset.done $0x0  }
0x177: {  	[sflag:s6] =	ssyncadd.s32 $0xFFFFD800  }
0x178: {  	[spmem:s14] =	stream.indirect.scatter.add.f32 [tilespmem:s1], [sflag:$0xC], $0x80, s30, s3, $0xb8;
	[tilespmem:$0x1F9F8] =	vst v63  }
0x179: {  	_ =	swait.ge [sflag:s24], $0x2800  }
0x17a: {  	[sflag:s24] =	ssyncset.done $0x0  }
0x17b: {  	[sflag:s24] =	ssyncadd.s32 $0xFFFFD800  }
0x17c: {  	_ =	swait.ge [sflag:s26], $0x50  }
0x17d: {  	[sflag:s26] =	ssyncset.done $0x0  }
0x17e: {  	s10 =	sadd.s32 $0x700, s29;
	s30 =	simm.s32 $0x5;
	[sflag:s26] =	ssyncadd.s32 $0xFFFFFFB0  }
0x17f: {  	[spmem:s2] =	stream.indirect.scatter.add.f32 [tilespmem:s16], [sflag:$0xA], $0x1, s10, s3, $0xb8;
	[tilespmem:$0x1F9F8] =	vst v63  }
0x180: {  	_ =	swait.ge [sflag:s30], $0x50  }
0x181: {  	[sflag:s30] =	ssyncset.done $0x0  }
0x182: {  	[sflag:s30] =	ssyncadd.s32 $0xFFFFFFB0  }
0x183: {  	[tilespmem:s1], [sflag:$0x2] =	stream.indirect.gather [hbm4b:s13+s3], $0x80, s17, s3, $0xb8;
	[tilespmem:$0x1F9F8] =	vst v63  }
0x184: {  	s17 =	simm.s32 $0x0  }
0x185: {  	[tilespmem:s11], [sflag:$0x8] =	stream.linear.gather [hbm4b:s12+s17], $0x50, $0x38;
	[tilespmem:$0x1F9F8] =	vst v63  }
0x186: {  	_ =	swait.ge [sflag:s7], $0x2800  }
0x187: {  	[sflag:s7] =	ssyncset.done $0x0  }
0x188: {  	[sflag:s7] =	ssyncadd.s32 $0xFFFFD800  }
0x189: {  	[spmem:s14] =	stream.indirect.scatter.add.f32 [tilespmem:s4], [sflag:$0xC], $0x80, s31, s3, $0xb8;
	[tilespmem:$0x1F9F8] =	vst v63  }
0x18a: {  	_ =	swait.ge [sflag:s24], $0x2800  }
0x18b: {  	[sflag:s24] =	ssyncset.done $0x0  }
0x18c: {  	[sflag:s24] =	ssyncadd.s32 $0xFFFFD800  }
0x18d: {  	_ =	swait.ge [sflag:s25], $0x50  }
0x18e: {  	[sflag:s25] =	ssyncset.done $0x0  }
0x18f: {  	p1 =	seq.s32 s18, $0xE400;
	s29 =	sadd.s32 $0x780, s29;
	[sflag:s25] =	ssyncadd.s32 $0xFFFFFFB0  }
0x190: {  	[spmem:s2] =	stream.indirect.scatter.add.f32 [tilespmem:s16], [sflag:$0xB], $0x1, s29, s3, $0xb8;
	[tilespmem:$0x1F9F8] =	vst v63  }
.Ltmp6:
0x191: {  	s31 =	simm.s32 $0x6;
	(pc) =	sbr.rel @p1 .LBB2_8-.Ltmp6, $4  }
0x192: {  	_ =	swait.ge [sflag:s31], $0x50  }
0x193: {  	s5 =	simm.s32 $0x280;
	s19 =	simm.s32 $0x180;
	[sflag:s31] =	ssyncset.done $0x0  }
0x194: {  	s10 =	simm.s32 $0x200;
	s11 =	simm.s32 $0x9400;
	[sflag:s31] =	ssyncadd.s32 $0xFFFFFFB0  }
0x195: {  	[tilespmem:s4], [sflag:$0x3] =	stream.indirect.gather [hbm4b:s13+s3], $0x80, s0, s3, $0xb8;
	[tilespmem:$0x1F9F8] =	vst v63  }
.Ltmp7:
0x196: {  	(pc) =	sbr.rel .LBB2_6-.Ltmp7, $4  }
0x197: {  	[tilespmem:s5], [sflag:$0x9] =	stream.linear.gather [hbm4b:s28+s17], $0x50, $0x38;
	[tilespmem:$0x1F9F8] =	vst v63  }
0x198: {  	s18 =	sadd.s32 $0xC00, s18;
	s28 =	sadd.s32 $0x3C, s28  }
0x199: {  	s12 =	sadd.s32 $0x3C, s12;
	s15 =	sadd.s32 $0x3C, s15;
	s21 =	sadd.s32 $0x3C, s21  }
0x19a: {  	s20 =	sadd.s32 $0x3C, s20;
	s22 =	sadd.s32 $0x1E0, s22;
	s0 =	simm.s32 $0x280  }
.LBB2_9:
0x19b: {  	_ =	sfence.sel $0x180000  }
0x19c: {  	[bflag:$0x0] =	sbarrier.arrive $0xFFFF  }
0x19d: {  	_ =	strace $0x90000047  }
0x19e: {  	s0 =	stileid.u32;
	[bflag:$0x2] =	sbarrier.arrive $0xFFFF  }
0x19f: {  	p0 =	sne.s32 s0, $0x0;
	s0 =	rddreg [dreg:$0x5]  }
0x1a0: {  	s0 =	sadd.s32 @!p0 $0x100000, s0  }
0x1a1: {  	[sflag:s0] =	ssyncadd.tile.s32 @!p0 $0x1;
	_ =	shalt  }
.Lfunc_end2:
_tile_overlayer_lowered:
.L_overlay_start_2:
0x1a2: {  	(tag) =	ssettag $0x2  }
0x1a3: {  	s0 =	rddreg [dreg:$0x0];
	s2 =	stileid.u32  }
0x1a4: {  	s1 =	rddreg [dreg:$0x1];
	p0 =	sne.s32 s2, $0x0  }
0x1a5: {  	s3 =	rddreg [dreg:$0x2];
	[bflag:$0x3] =	sbarrier.arrive $0xFFFF;
	s2 =	simm.s32 @!p0 $0x1C0C  }
0x1a6: {  	[timem:s3], [sflag:s2] =	dma.local @!p0 [hbm:s0], s1  }
0x1a7: {  	s0 =	simm.s32 @!p0 $0xC  }
0x1a8: {  	_ =	swait.ge @!p0 [sflag:s0], s1  }
0x1a9: {  	s1 =	ssub.s32 @!p0 $0x0, s1;
	[sflag:s0] =	ssyncset.done @!p0 $0x0  }
0x1aa: {  	[sflag:s0] =	ssyncadd.s32 @!p0 s1  }
0x1ab: {  	[bflag:$0x3] =	sbarrier.arrive $0xFFFF  }
0x1ac: {  	_ =	shalt  }

</sc_bundles>
